<compile_context>
chip_gen: v7x
topology: tpu7x:2x2x1
jax: 0.10.2.dev20260603
libtpu: 0.0.44.dev20260713+nightly
codegen_flags: <defaults>
</compile_context>

<pallas_src>
import functools

import jax
import jax.numpy as jnp
from jax import lax
from jax.experimental import pallas as pl
from jax.experimental.pallas import tpu as pltpu
from jax.experimental.pallas import tpu_sc as plsc

N = 10000
E = 320000
D = 128

NC = 2
NS = 16
NW = NC * NS
NPAD = 10240
ROWS_PER_TILE = NPAD // NS
CH = 128
CHUNKS_PER_TILE = 160
EPT = CHUNKS_PER_TILE * CH
EPAD = NS * EPT
PERM_CH = 64
PERM_CHUNKS = NPAD // (NW * PERM_CH)

_mesh = plsc.VectorSubcoreMesh(
    core_axis_name="c", subcore_axis_name="s", num_cores=NC, num_subcores=NS)

_f32 = jnp.float32




DEG_ROWS = NPAD // D
IDX_BLK = 2048
N_IDX_BLK = EPT // IDX_BLK


@functools.partial(
    pl.kernel,
    out_type=(
        jax.ShapeDtypeStruct((DEG_ROWS, D), _f32),
        jax.ShapeDtypeStruct((DEG_ROWS, D), _f32),
        jax.ShapeDtypeStruct((NPAD, D), _f32),
    ),
    mesh=_mesh,
    compiler_params=pltpu.CompilerParams(needs_layout_passes=False),
    scratch_types=(
        pltpu.VMEM((IDX_BLK,), jnp.int32),
        pltpu.VMEM((DEG_ROWS, D), _f32),
        pltpu.VMEM((DEG_ROWS,), jnp.int32),
        pltpu.VMEM((PERM_CHUNKS * PERM_CH,), jnp.int32),
        pltpu.VMEM((PERM_CH, D), _f32),
        pltpu.VMEM_SHARED((DEG_ROWS, D), _f32),
        pltpu.SemaphoreType.DMA,
    ),
)
def _prep(src_hbm, dst_hbm, xpad_hbm, perm_hbm, iota_hbm, zfeat_hbm,
          outdeg_hbm, indeg_hbm, xp_hbm,
          idx_v, acc_v, iota_v, pidx_v, xrows_v, deg_sh, sem):
    c = lax.axis_index("c")
    s = lax.axis_index("s")

    @pl.when(s == 0)
    def _():
        pltpu.sync_copy(zfeat_hbm.at[pl.ds(0, DEG_ROWS)], deg_sh)

    pltpu.sync_copy(zfeat_hbm.at[pl.ds(0, DEG_ROWS)], acc_v)
    pltpu.sync_copy(iota_hbm, iota_v)
    plsc.subcore_barrier()

    base = s * EPT
    ones_lane = jnp.ones((16,), _f32)

    def make_hist(edge_hbm):
        def blk_body(b, carry):
            pltpu.sync_copy(edge_hbm.at[pl.ds(base + b * IDX_BLK, IDX_BLK)],
                            idx_v)

            def lane_body(k, carry2):
                iv = idx_v[pl.ds(k * 16, 16)]
                hi = lax.shift_right_logical(iv, 7)
                lo = jnp.bitwise_and(iv, 127)
                plsc.addupdate_scatter(acc_v, [hi, lo], ones_lane)
                return carry2

            lax.fori_loop(0, IDX_BLK // 16, lane_body, 0)
            return carry
        return blk_body

    @pl.when(c == 0)
    def _():
        lax.fori_loop(0, N_IDX_BLK, make_hist(src_hbm), 0)

    @pl.when(c == 1)
    def _():
        lax.fori_loop(0, N_IDX_BLK, make_hist(dst_hbm), 0)

    pltpu.sync_copy(acc_v, deg_sh.at[iota_v], add=True)
    plsc.subcore_barrier()

    @pl.when((s == 0) & (c == 0))
    def _():
        pltpu.sync_copy(deg_sh, outdeg_hbm)

    @pl.when((s == 0) & (c == 1))
    def _():
        pltpu.sync_copy(deg_sh, indeg_hbm)

    w = s * NC + c
    pltpu.sync_copy(perm_hbm.at[pl.ds(w * PERM_CHUNKS * PERM_CH,
                                      PERM_CHUNKS * PERM_CH)], pidx_v)

    def perm_body(j, carry):
        idx = pidx_v.at[pl.ds(j * PERM_CH, PERM_CH)]
        pltpu.async_copy(xpad_hbm.at[idx], xrows_v, sem).wait()
        pltpu.sync_copy(
            xrows_v,
            xp_hbm.at[pl.ds(w * PERM_CHUNKS * PERM_CH + j * PERM_CH, PERM_CH)])
        return carry

    lax.fori_loop(0, PERM_CHUNKS, perm_body, 0)


CHUNKS_PER_BLK = IDX_BLK // CH


@functools.partial(
    pl.kernel,
    out_type=(
        jax.ShapeDtypeStruct((NPAD, D), _f32),
        jax.ShapeDtypeStruct((NPAD, D), _f32),
    ),
    mesh=_mesh,
    scratch_types=(
        pltpu.VMEM((IDX_BLK,), jnp.int32),
        pltpu.VMEM((IDX_BLK,), jnp.int32),
        pltpu.VMEM((CH, D), _f32),
        pltpu.VMEM((CH, D), _f32),
        pltpu.VMEM_SHARED((NPAD, D), _f32),
        pltpu.SemaphoreType.DMA,
        pltpu.SemaphoreType.DMA,
    ),
)
def _scatter(ha_hbm, hb_hbm, src_hbm, dst_hbm, zfeat_hbm,
             agga_hbm, aggb_hbm,
             sidx_v, didx_v, rows0_v, rows1_v, acc_sh, gsem0, gsem1):
    c = lax.axis_index("c")
    s = lax.axis_index("s")

    sl = pl.ds(s * ROWS_PER_TILE, ROWS_PER_TILE)
    pltpu.sync_copy(zfeat_hbm, acc_sh.at[sl])
    plsc.subcore_barrier()
    base = s * EPT

    def make_pass(h_hbm):
        def fire(k, rows_v, gsem):
            pltpu.async_copy(h_hbm.at[sidx_v.at[pl.ds(k * CH, CH)]],
                             rows_v, gsem)

        def gwait(rows_v, gsem):
            pltpu.make_async_copy(h_hbm.at[pl.ds(0, CH)], rows_v, gsem).wait()

        def scat(k, rows_v):
            pltpu.sync_copy(rows_v, acc_sh.at[didx_v.at[pl.ds(k * CH, CH)]],
                            add=True)

        def blk_body(b, carry):
            off = base + b * IDX_BLK
            pltpu.sync_copy(src_hbm.at[pl.ds(off, IDX_BLK)], sidx_v)
            pltpu.sync_copy(dst_hbm.at[pl.ds(off, IDX_BLK)], didx_v)
            fire(0, rows0_v, gsem0)

            def m_body(m, carry2):
                j0 = 2 * m
                fire(j0 + 1, rows1_v, gsem1)
                gwait(rows0_v, gsem0)
                scat(j0, rows0_v)

                @pl.when(m < CHUNKS_PER_BLK // 2 - 1)
                def _():
                    fire(j0 + 2, rows0_v, gsem0)

                gwait(rows1_v, gsem1)
                scat(j0 + 1, rows1_v)
                return carry2

            lax.fori_loop(0, CHUNKS_PER_BLK // 2, m_body, 0)
            return carry
        return blk_body

    @pl.when(c == 0)
    def _():
        lax.fori_loop(0, N_IDX_BLK, make_pass(ha_hbm), 0)

    @pl.when(c == 1)
    def _():
        lax.fori_loop(0, N_IDX_BLK, make_pass(hb_hbm), 0)

    plsc.subcore_barrier()

    @pl.when(c == 0)
    def _():
        pltpu.sync_copy(acc_sh.at[sl], agga_hbm.at[sl])

    @pl.when(c == 1)
    def _():
        pltpu.sync_copy(acc_sh.at[sl], aggb_hbm.at[sl])


def _prelu(v, a):
    return jnp.where(v >= 0, v, v * a)


def _tc1_body(x_ref, xp_ref, od_ref, w1_ref, oa_ref, ob_ref):
    on = lax.rsqrt(jnp.maximum(od_ref[...], 1.0))
    w = w1_ref[...]
    oa_ref[...] = jnp.dot(x_ref[...] * on, w, preferred_element_type=_f32,
                         precision=lax.Precision.DEFAULT)
    ob_ref[...] = jnp.dot(xp_ref[...] * on, w, preferred_element_type=_f32,
                         precision=lax.Precision.DEFAULT)


def _tc2_body(aa_ref, ab_ref, id_ref, od_ref, b_ref, a_ref, w2_ref,
              oa_ref, ob_ref):
    inn = lax.rsqrt(jnp.maximum(id_ref[...], 1.0))
    on = lax.rsqrt(jnp.maximum(od_ref[...], 1.0))
    a = a_ref[...]
    b = b_ref[...]
    w = w2_ref[...]
    za = _prelu(aa_ref[...] * inn + b, a)
    zb = _prelu(ab_ref[...] * inn + b, a)
    oa_ref[...] = jnp.dot(za * on, w, preferred_element_type=_f32,
                         precision=lax.Precision.DEFAULT)
    ob_ref[...] = jnp.dot(zb * on, w, preferred_element_type=_f32,
                         precision=lax.Precision.DEFAULT)


def _tc3_body(aa_ref, ab_ref, id_ref, b_ref, a_ref, wm_ref, bm_ref,
              oa_ref, ob_ref):
    inn = lax.rsqrt(jnp.maximum(id_ref[...], 1.0))
    a = a_ref[...]
    b = b_ref[...]
    za = _prelu(aa_ref[...] * inn + b, a)
    zb = _prelu(ab_ref[...] * inn + b, a)
    wv = jnp.sum(wm_ref[...], axis=1, keepdims=True)
    bs = jnp.sum(bm_ref[...])
    oa_ref[...] = jnp.dot(za, wv, preferred_element_type=_f32,
                         precision=lax.Precision.DEFAULT) + bs
    ob_ref[...] = jnp.dot(zb, wv, preferred_element_type=_f32,
                         precision=lax.Precision.DEFAULT) + bs


_TCB = 2560
_GRID = (NPAD // _TCB,)


def _row_spec(width):
    return pl.BlockSpec((_TCB, width), lambda i: (i, 0))


def _fix_spec(r, cdim):
    return pl.BlockSpec((r, cdim), lambda i: (0, 0))


_tc1 = pl.pallas_call(
    _tc1_body,
    grid=_GRID,
    in_specs=[_row_spec(D), _row_spec(D), _row_spec(1), _fix_spec(D, D)],
    out_specs=(_row_spec(D), _row_spec(D)),
    out_shape=(jax.ShapeDtypeStruct((NPAD, D), _f32),
               jax.ShapeDtypeStruct((NPAD, D), _f32)))

_tc2 = pl.pallas_call(
    _tc2_body,
    grid=_GRID,
    in_specs=[_row_spec(D), _row_spec(D), _row_spec(1), _row_spec(1),
              _fix_spec(1, D), _fix_spec(1, D), _fix_spec(D, D)],
    out_specs=(_row_spec(D), _row_spec(D)),
    out_shape=(jax.ShapeDtypeStruct((NPAD, D), _f32),
               jax.ShapeDtypeStruct((NPAD, D), _f32)))

_tc3 = pl.pallas_call(
    _tc3_body,
    grid=_GRID,
    in_specs=[_row_spec(D), _row_spec(D), _row_spec(1),
              _fix_spec(1, D), _fix_spec(1, D), _fix_spec(D, D),
              _fix_spec(1, D)],
    out_specs=(_row_spec(1), _row_spec(1)),
    out_shape=(jax.ShapeDtypeStruct((NPAD, 1), _f32),
               jax.ShapeDtypeStruct((NPAD, 1), _f32)))


def kernel(x, edge_index, W1, b1, W2, b2, a_prelu, Wm, bm):
    src = edge_index[0].astype(jnp.int32)
    dst = edge_index[1].astype(jnp.int32)
    pad = jnp.full((EPAD - E,), N, dtype=jnp.int32)
    src1d = jnp.concatenate([src, pad])
    dst1d = jnp.concatenate([dst, pad])

    xpad = jnp.pad(x, ((0, NPAD - N), (0, 0)))
    perm = jax.random.permutation(jax.random.key(1), N).astype(jnp.int32)
    perm1d = jnp.concatenate([perm, jnp.full((NPAD - N,), N, dtype=jnp.int32)])

    iota80 = jnp.arange(DEG_ROWS, dtype=jnp.int32)
    zfeat = jnp.zeros((ROWS_PER_TILE, D), dtype=_f32)

    outdeg_g, indeg_g, xp = _prep(src1d, dst1d, xpad, perm1d, iota80, zfeat)
    outdeg = outdeg_g.reshape(NPAD, 1)
    indeg = indeg_g.reshape(NPAD, 1)

    b1r = b1.reshape(1, D)
    b2r = b2.reshape(1, D)
    ar = a_prelu.reshape(1, D)
    bmr = bm.reshape(1, D)

    ha1, hb1 = _tc1(xpad, xp, outdeg, W1)
    agga1, aggb1 = _scatter(ha1, hb1, src1d, dst1d, zfeat)
    ha2, hb2 = _tc2(agga1, aggb1, indeg, outdeg, b1r, ar, W2)
    agga2, aggb2 = _scatter(ha2, hb2, src1d, dst1d, zfeat)
    oa, ob = _tc3(agga2, aggb2, indeg, b2r, ar, Wm, bmr)

    return jnp.concatenate([oa[:N, 0], ob[:N, 0]], axis=0)

# --- scband reference (transcript-rebuilt; emitter-appended) ---
"""Pipeline reference for scband-dink-net-dgl-22608707846325 (READ-ONLY COPY).

The authoritative reference and input builder live on the scoring server;
editing this copy changes nothing except your own understanding.
"""

import jax, jax.numpy as jnp
import numpy as np

N = 10000
E = 320000
D_IN = 128
D_H = 128


def setup_inputs(seed: int = 0) -> dict:
    key = jax.random.key(seed)
    ks = jax.random.split(key, 8)
    x = jax.random.normal(ks[0], (N, D_IN), dtype=jnp.float32)
    edge_index = jax.random.randint(ks[1], (2, E), 0, N, dtype=jnp.int32)
    # learned parameters
    W1 = jax.random.normal(ks[2], (D_IN, D_H), dtype=jnp.float32) * (1.0 / np.sqrt(D_IN))
    b1 = jnp.zeros((D_H,), dtype=jnp.float32)
    W2 = jax.random.normal(ks[3], (D_H, D_H), dtype=jnp.float32) * (1.0 / np.sqrt(D_H))
    b2 = jnp.zeros((D_H,), dtype=jnp.float32)
    a_prelu = jnp.full((D_H,), 0.25, dtype=jnp.float32)  # shared PReLU across layers
    Wm = jax.random.normal(ks[4], (D_H, D_H), dtype=jnp.float32) * (1.0 / np.sqrt(D_H))
    bm = jnp.zeros((D_H,), dtype=jnp.float32)
    return {"x": x, "edge_index": edge_index, "W1": W1, "b1": b1,
            "W2": W2, "b2": b2, "a_prelu": a_prelu, "Wm": Wm, "bm": bm}


def _prelu(x, a):
    return jnp.where(x >= 0, x, a * x)


def _graph_conv(x, src, dst, W, b, a):
    # DGL GraphConv with norm='both': D_out^{-1/2} pre-norm, sum aggregation, D_in^{-1/2} post-norm
    ones = jnp.ones((src.shape[0],), dtype=x.dtype)
    out_deg = jnp.zeros((N,), dtype=x.dtype).at[src].add(ones)
    in_deg = jnp.zeros((N,), dtype=x.dtype).at[dst].add(ones)
    out_norm = jnp.power(jnp.clip(out_deg, 1.0, None), -0.5)
    in_norm = jnp.power(jnp.clip(in_deg, 1.0, None), -0.5)
    h = x * out_norm[:, None]
    h = h @ W
    agg = jnp.zeros((N, h.shape[1]), dtype=h.dtype).at[dst].add(h[src])
    agg = agg * in_norm[:, None] + b
    return _prelu(agg, a)


def _encoder(x, src, dst, W1, b1, W2, b2, a, corrupt):
    if corrupt:
        perm = jax.random.permutation(jax.random.key(1), N)
        x = x[perm]
    h = _graph_conv(x, src, dst, W1, b1, a)
    h = _graph_conv(h, src, dst, W2, b2, a)
    return h


def reference(x, edge_index, W1, b1, W2, b2, a_prelu, Wm, bm):
    src = edge_index[0]
    dst = edge_index[1]
    z1 = _encoder(x, src, dst, W1, b1, W2, b2, a_prelu, corrupt=False)
    z2 = _encoder(x, src, dst, W1, b1, W2, b2, a_prelu, corrupt=True)
    # proj_layers = 1
    z1 = z1 @ Wm + bm
    z2 = z2 @ Wm + bm
    logit = jnp.concatenate([z1.sum(1), z2.sum(1)], axis=0)
    return logit

if __name__ == "__main__":
    import jax
    _d = setup_inputs()
    print(jax.jit(kernel)(*tuple(_d.values())))

</pallas_src>

<mosaic_0001>
#map = affine_map<(d0, d1) -> (0, 0)>
#map1 = affine_map<(d0, d1) -> (0)>
module attributes {stable_mosaic.version = 14 : i64} {
  func.func @_scatter(%arg0: i32, %arg1: i32, %arg2: memref<10240x128xf32, #tpu.memory_space<hbm>>, %arg3: memref<10240x128xf32, #tpu.memory_space<hbm>>, %arg4: memref<327680xi32, #tpu.memory_space<hbm>>, %arg5: memref<327680xi32, #tpu.memory_space<hbm>>, %arg6: memref<640x128xf32, #tpu.memory_space<hbm>>, %arg7: memref<10240x128xf32, #tpu.memory_space<hbm>>, %arg8: memref<10240x128xf32, #tpu.memory_space<hbm>>, %arg9: memref<2048xi32, #tpu.memory_space<vmem>>, %arg10: memref<2048xi32, #tpu.memory_space<vmem>>, %arg11: memref<128x128xf32, #tpu.memory_space<vmem>>, %arg12: memref<128x128xf32, #tpu.memory_space<vmem>>, %arg13: memref<10240x128xf32, #tpu.memory_space<vmem_shared>>, %arg14: memref<!tpu.dma_semaphore, #tpu.memory_space<semaphore_mem>>, %arg15: memref<!tpu.dma_semaphore, #tpu.memory_space<semaphore_mem>>) attributes {dimension_semantics = [#tpu.dimension_semantics<core_parallel>, #tpu.dimension_semantics<subcore_parallel>], iteration_bounds = array<i64: 2, 16>, scalar_prefetch = 0 : i64, scratch_operands = 7 : i64, tpu.core_type = #tpu.core_type<sc_vector_subcore>, window_params = [{transform_indices = #map}, {transform_indices = #map}, {transform_indices = #map1}, {transform_indices = #map1}, {transform_indices = #map}, {transform_indices = #map}, {transform_indices = #map}]} {
    %mul3A = arith.constant 640 : i32
    %mul3A_0 = arith.muli %arg1, %mul3A : i32
    "tpu.region"() ({
      %run_scoped3A = tpu.sem_alloc : memref<!tpu.dma_semaphore, #tpu.memory_space<semaphore_mem>>
      %dma_start3A = arith.constant 0 : i32
      %dma_start3A_21 = tpu.memref_slice %arg13[%mul3A_0, %dma_start3A] : memref<10240x128xf32, #tpu.memory_space<vmem_shared>> -> memref<640x128xf32, #tpu.memory_space<vmem_shared>>
      tpu.enqueue_dma source(%arg6 : memref<640x128xf32, #tpu.memory_space<hbm>>) target(%dma_start3A_21 : memref<640x128xf32, #tpu.memory_space<vmem_shared>>) target_semaphore(%run_scoped3A : memref<!tpu.dma_semaphore, #tpu.memory_space<semaphore_mem>>)
      %dma_wait3A = arith.constant 0 : i32
      %dma_wait3A_22 = tpu.memref_slice %arg13[%mul3A_0, %dma_wait3A] : memref<10240x128xf32, #tpu.memory_space<vmem_shared>> -> memref<640x128xf32, #tpu.memory_space<vmem_shared>>
      tpu.wait_dma2 semaphore(%run_scoped3A : memref<!tpu.dma_semaphore, #tpu.memory_space<semaphore_mem>>) src(%arg6 : memref<640x128xf32, #tpu.memory_space<hbm>>) dst(%dma_wait3A_22 : memref<640x128xf32, #tpu.memory_space<vmem_shared>>)
      tpu.yield
    }) : () -> ()
    %barrier3A = arith.constant 0 : index
    tpu.barrier barrier_id(%barrier3A)
    %mul3A_1 = arith.constant 20480 : i32
    %mul3A_2 = arith.muli %arg1, %mul3A_1 : i32
    %eq3A = arith.constant 0 : i32
    %eq3A_3 = arith.cmpi eq, %arg0, %eq3A : i32
    %convert_element_type3A = arith.extui %eq3A_3 : i1 to i32
    %cond3A = arith.constant 0 : i32
    %cond3A_4 = arith.cmpi ne, %convert_element_type3A, %cond3A : i32
    scf.if %cond3A_4 {
      %scan3A = arith.constant 0 : i32
      %scan3A_21 = arith.constant 0 : i32
      %scan3A_22 = arith.constant 10 : i32
      %scan3A_23 = arith.addi %scan3A_21, %scan3A_22 : i32
      %scan3A_24 = arith.constant 1 : i32
      scf.for %scan3A_26 = %scan3A_21 to %scan3A_23 step %scan3A_24  : i32 {
        %mul3A_27 = arith.constant 2048 : i32
        %mul3A_28 = arith.muli %scan3A_26, %mul3A_27 : i32
        %add3A = arith.addi %mul3A_2, %mul3A_28 : i32
        "tpu.region"() ({
          %run_scoped3A = tpu.sem_alloc : memref<!tpu.dma_semaphore, #tpu.memory_space<semaphore_mem>>
          %dma_start3A_39 = tpu.memref_slice %arg4[%add3A] : memref<327680xi32, #tpu.memory_space<hbm>> -> memref<2048xi32, #tpu.memory_space<hbm>>
          %dma_start3A_40 = tpu.memref_slice %arg4[%add3A] : memref<327680xi32, #tpu.memory_space<hbm>> -> memref<2048xi32, #tpu.memory_space<hbm>>
          tpu.enqueue_dma source(%dma_start3A_40 : memref<2048xi32, #tpu.memory_space<hbm>>) target(%arg9 : memref<2048xi32, #tpu.memory_space<vmem>>) target_semaphore(%run_scoped3A : memref<!tpu.dma_semaphore, #tpu.memory_space<semaphore_mem>>)
          %dma_wait3A = tpu.memref_slice %arg4[%add3A] : memref<327680xi32, #tpu.memory_space<hbm>> -> memref<2048xi32, #tpu.memory_space<hbm>>
          %dma_wait3A_41 = tpu.memref_slice %arg4[%add3A] : memref<327680xi32, #tpu.memory_space<hbm>> -> memref<2048xi32, #tpu.memory_space<hbm>>
          tpu.wait_dma2 semaphore(%run_scoped3A : memref<!tpu.dma_semaphore, #tpu.memory_space<semaphore_mem>>) src(%dma_wait3A_41 : memref<2048xi32, #tpu.memory_space<hbm>>) dst(%arg9 : memref<2048xi32, #tpu.memory_space<vmem>>)
          tpu.yield
        }) : () -> ()
        "tpu.region"() ({
          %run_scoped3A = tpu.sem_alloc : memref<!tpu.dma_semaphore, #tpu.memory_space<semaphore_mem>>
          %dma_start3A_39 = tpu.memref_slice %arg5[%add3A] : memref<327680xi32, #tpu.memory_space<hbm>> -> memref<2048xi32, #tpu.memory_space<hbm>>
          %dma_start3A_40 = tpu.memref_slice %arg5[%add3A] : memref<327680xi32, #tpu.memory_space<hbm>> -> memref<2048xi32, #tpu.memory_space<hbm>>
          tpu.enqueue_dma source(%dma_start3A_40 : memref<2048xi32, #tpu.memory_space<hbm>>) target(%arg10 : memref<2048xi32, #tpu.memory_space<vmem>>) target_semaphore(%run_scoped3A : memref<!tpu.dma_semaphore, #tpu.memory_space<semaphore_mem>>)
          %dma_wait3A = tpu.memref_slice %arg5[%add3A] : memref<327680xi32, #tpu.memory_space<hbm>> -> memref<2048xi32, #tpu.memory_space<hbm>>
          %dma_wait3A_41 = tpu.memref_slice %arg5[%add3A] : memref<327680xi32, #tpu.memory_space<hbm>> -> memref<2048xi32, #tpu.memory_space<hbm>>
          tpu.wait_dma2 semaphore(%run_scoped3A : memref<!tpu.dma_semaphore, #tpu.memory_space<semaphore_mem>>) src(%dma_wait3A_41 : memref<2048xi32, #tpu.memory_space<hbm>>) dst(%arg10 : memref<2048xi32, #tpu.memory_space<vmem>>)
          tpu.yield
        }) : () -> ()
        %dma_start3A = arith.constant 0 : i32
        %dma_start3A_29 = tpu.memref_slice %arg9[%dma_start3A] : memref<2048xi32, #tpu.memory_space<vmem>> -> memref<128xi32, #tpu.memory_space<vmem>>
        %dma_start3A_30 = arith.constant 0 : i32
        %dma_start3A_31 = arith.constant 0 : i32
        %dma_start3A_32 = tpu.memref_slice %arg2[%dma_start3A_30, %dma_start3A_31] : memref<10240x128xf32, #tpu.memory_space<hbm>> -> memref<10240x128xf32, #tpu.memory_space<hbm>>
        tpu.enqueue_indirect_dma source(%dma_start3A_32 : memref<10240x128xf32, #tpu.memory_space<hbm>>) target(%arg11 : memref<128x128xf32, #tpu.memory_space<vmem>>) offsets(%dma_start3A_29 : memref<128xi32, #tpu.memory_space<vmem>>) semaphore(%arg14 : memref<!tpu.dma_semaphore, #tpu.memory_space<semaphore_mem>>)
        %scan3A_33 = arith.constant 0 : i32
        %scan3A_34 = arith.constant 0 : i32
        %scan3A_35 = arith.constant 8 : i32
        %scan3A_36 = arith.addi %scan3A_34, %scan3A_35 : i32
        %scan3A_37 = arith.constant 1 : i32
        scf.for %scan3A_39 = %scan3A_34 to %scan3A_36 step %scan3A_37  : i32 {
          %mul3A_40 = arith.constant 2 : i32
          %mul3A_41 = arith.muli %mul3A_40, %scan3A_39 : i32
          %add3A_42 = arith.constant 1 : i32
          %add3A_43 = arith.addi %mul3A_41, %add3A_42 : i32
          %mul3A_44 = arith.constant 128 : i32
          %mul3A_45 = arith.muli %add3A_43, %mul3A_44 : i32
          %dma_start3A_46 = tpu.memref_slice %arg9[%mul3A_45] : memref<2048xi32, #tpu.memory_space<vmem>> -> memref<128xi32, #tpu.memory_space<vmem>>
          %dma_start3A_47 = arith.constant 0 : i32
          %dma_start3A_48 = arith.constant 0 : i32
          %dma_start3A_49 = tpu.memref_slice %arg2[%dma_start3A_47, %dma_start3A_48] : memref<10240x128xf32, #tpu.memory_space<hbm>> -> memref<10240x128xf32, #tpu.memory_space<hbm>>
          tpu.enqueue_indirect_dma source(%dma_start3A_49 : memref<10240x128xf32, #tpu.memory_space<hbm>>) target(%arg12 : memref<128x128xf32, #tpu.memory_space<vmem>>) offsets(%dma_start3A_46 : memref<128xi32, #tpu.memory_space<vmem>>) semaphore(%arg15 : memref<!tpu.dma_semaphore, #tpu.memory_space<semaphore_mem>>)
          %dma_wait3A = arith.constant 0 : i32
          %dma_wait3A_50 = arith.constant 0 : i32
          %dma_wait3A_51 = tpu.memref_slice %arg2[%dma_wait3A, %dma_wait3A_50] : memref<10240x128xf32, #tpu.memory_space<hbm>> -> memref<128x128xf32, #tpu.memory_space<hbm>>
          %dma_wait3A_52 = arith.constant 0 : i32
          %dma_wait3A_53 = arith.constant 0 : i32
          %dma_wait3A_54 = tpu.memref_slice %arg2[%dma_wait3A_52, %dma_wait3A_53] : memref<10240x128xf32, #tpu.memory_space<hbm>> -> memref<128x128xf32, #tpu.memory_space<hbm>>
          tpu.wait_dma2 semaphore(%arg14 : memref<!tpu.dma_semaphore, #tpu.memory_space<semaphore_mem>>) src(%dma_wait3A_54 : memref<128x128xf32, #tpu.memory_space<hbm>>) dst(%arg11 : memref<128x128xf32, #tpu.memory_space<vmem>>)
          %mul3A_55 = arith.constant 128 : i32
          %mul3A_56 = arith.muli %mul3A_41, %mul3A_55 : i32
          "tpu.region"() ({
            %run_scoped3A = tpu.sem_alloc : memref<!tpu.dma_semaphore, #tpu.memory_space<semaphore_mem>>
            %dma_start3A_71 = tpu.memref_slice %arg10[%mul3A_56] : memref<2048xi32, #tpu.memory_space<vmem>> -> memref<128xi32, #tpu.memory_space<vmem>>
            %dma_start3A_72 = arith.constant 0 : i32
            %dma_start3A_73 = arith.constant 0 : i32
            %dma_start3A_74 = tpu.memref_slice %arg13[%dma_start3A_72, %dma_start3A_73] : memref<10240x128xf32, #tpu.memory_space<vmem_shared>> -> memref<10240x128xf32, #tpu.memory_space<vmem_shared>>
            tpu.enqueue_indirect_dma source(%arg11 : memref<128x128xf32, #tpu.memory_space<vmem>>) target(%dma_start3A_74 : memref<10240x128xf32, #tpu.memory_space<vmem_shared>>) offsets(%dma_start3A_71 : memref<128xi32, #tpu.memory_space<vmem>>) semaphore(%run_scoped3A : memref<!tpu.dma_semaphore, #tpu.memory_space<semaphore_mem>>) {add = true}
            %dma_wait3A_75 = tpu.memref_slice %arg10[%mul3A_56] : memref<2048xi32, #tpu.memory_space<vmem>> -> memref<128xi32, #tpu.memory_space<vmem>>
            %dma_wait3A_76 = arith.constant 0 : i32
            %dma_wait3A_77 = arith.constant 0 : i32
            %dma_wait3A_78 = tpu.memref_slice %arg13[%dma_wait3A_76, %dma_wait3A_77] : memref<10240x128xf32, #tpu.memory_space<vmem_shared>> -> memref<10240x128xf32, #tpu.memory_space<vmem_shared>>
            tpu.wait_indirect_dma semaphore(%run_scoped3A : memref<!tpu.dma_semaphore, #tpu.memory_space<semaphore_mem>>) src(%arg11 : memref<128x128xf32, #tpu.memory_space<vmem>>) dst(%dma_wait3A_78 : memref<10240x128xf32, #tpu.memory_space<vmem_shared>>)
            tpu.yield
          }) : () -> ()
          %lt3A = arith.constant 7 : i32
          %lt3A_57 = arith.cmpi slt, %scan3A_39, %lt3A : i32
          %convert_element_type3A_58 = arith.extui %lt3A_57 : i1 to i32
          %cond3A_59 = arith.constant 0 : i32
          %cond3A_60 = arith.cmpi ne, %convert_element_type3A_58, %cond3A_59 : i32
          scf.if %cond3A_60 {
            %add3A_71 = arith.constant 2 : i32
            %add3A_72 = arith.addi %mul3A_41, %add3A_71 : i32
            %mul3A_73 = arith.constant 128 : i32
            %mul3A_74 = arith.muli %add3A_72, %mul3A_73 : i32
            %dma_start3A_75 = tpu.memref_slice %arg9[%mul3A_74] : memref<2048xi32, #tpu.memory_space<vmem>> -> memref<128xi32, #tpu.memory_space<vmem>>
            %dma_start3A_76 = arith.constant 0 : i32
            %dma_start3A_77 = arith.constant 0 : i32
            %dma_start3A_78 = tpu.memref_slice %arg2[%dma_start3A_76, %dma_start3A_77] : memref<10240x128xf32, #tpu.memory_space<hbm>> -> memref<10240x128xf32, #tpu.memory_space<hbm>>
            tpu.enqueue_indirect_dma source(%dma_start3A_78 : memref<10240x128xf32, #tpu.memory_space<hbm>>) target(%arg11 : memref<128x128xf32, #tpu.memory_space<vmem>>) offsets(%dma_start3A_75 : memref<128xi32, #tpu.memory_space<vmem>>) semaphore(%arg14 : memref<!tpu.dma_semaphore, #tpu.memory_space<semaphore_mem>>)
          } else {
          }
          %dma_wait3A_61 = arith.constant 0 : i32
          %dma_wait3A_62 = arith.constant 0 : i32
          %dma_wait3A_63 = tpu.memref_slice %arg2[%dma_wait3A_61, %dma_wait3A_62] : memref<10240x128xf32, #tpu.memory_space<hbm>> -> memref<128x128xf32, #tpu.memory_space<hbm>>
          %dma_wait3A_64 = arith.constant 0 : i32
          %dma_wait3A_65 = arith.constant 0 : i32
          %dma_wait3A_66 = tpu.memref_slice %arg2[%dma_wait3A_64, %dma_wait3A_65] : memref<10240x128xf32, #tpu.memory_space<hbm>> -> memref<128x128xf32, #tpu.memory_space<hbm>>
          tpu.wait_dma2 semaphore(%arg15 : memref<!tpu.dma_semaphore, #tpu.memory_space<semaphore_mem>>) src(%dma_wait3A_66 : memref<128x128xf32, #tpu.memory_space<hbm>>) dst(%arg12 : memref<128x128xf32, #tpu.memory_space<vmem>>)
          %add3A_67 = arith.constant 1 : i32
          %add3A_68 = arith.addi %mul3A_41, %add3A_67 : i32
          %mul3A_69 = arith.constant 128 : i32
          %mul3A_70 = arith.muli %add3A_68, %mul3A_69 : i32
          "tpu.region"() ({
            %run_scoped3A = tpu.sem_alloc : memref<!tpu.dma_semaphore, #tpu.memory_space<semaphore_mem>>
            %dma_start3A_71 = tpu.memref_slice %arg10[%mul3A_70] : memref<2048xi32, #tpu.memory_space<vmem>> -> memref<128xi32, #tpu.memory_space<vmem>>
            %dma_start3A_72 = arith.constant 0 : i32
            %dma_start3A_73 = arith.constant 0 : i32
            %dma_start3A_74 = tpu.memref_slice %arg13[%dma_start3A_72, %dma_start3A_73] : memref<10240x128xf32, #tpu.memory_space<vmem_shared>> -> memref<10240x128xf32, #tpu.memory_space<vmem_shared>>
            tpu.enqueue_indirect_dma source(%arg12 : memref<128x128xf32, #tpu.memory_space<vmem>>) target(%dma_start3A_74 : memref<10240x128xf32, #tpu.memory_space<vmem_shared>>) offsets(%dma_start3A_71 : memref<128xi32, #tpu.memory_space<vmem>>) semaphore(%run_scoped3A : memref<!tpu.dma_semaphore, #tpu.memory_space<semaphore_mem>>) {add = true}
            %dma_wait3A_75 = tpu.memref_slice %arg10[%mul3A_70] : memref<2048xi32, #tpu.memory_space<vmem>> -> memref<128xi32, #tpu.memory_space<vmem>>
            %dma_wait3A_76 = arith.constant 0 : i32
            %dma_wait3A_77 = arith.constant 0 : i32
            %dma_wait3A_78 = tpu.memref_slice %arg13[%dma_wait3A_76, %dma_wait3A_77] : memref<10240x128xf32, #tpu.memory_space<vmem_shared>> -> memref<10240x128xf32, #tpu.memory_space<vmem_shared>>
            tpu.wait_indirect_dma semaphore(%run_scoped3A : memref<!tpu.dma_semaphore, #tpu.memory_space<semaphore_mem>>) src(%arg12 : memref<128x128xf32, #tpu.memory_space<vmem>>) dst(%dma_wait3A_78 : memref<10240x128xf32, #tpu.memory_space<vmem_shared>>)
            tpu.yield
          }) : () -> ()
        }
        %scan3A_38 = arith.constant 8 : i32
      }
      %scan3A_25 = arith.constant 10 : i32
    } else {
    }
    %eq3A_5 = arith.constant 1 : i32
    %eq3A_6 = arith.cmpi eq, %arg0, %eq3A_5 : i32
    %convert_element_type3A_7 = arith.extui %eq3A_6 : i1 to i32
    %cond3A_8 = arith.constant 0 : i32
    %cond3A_9 = arith.cmpi ne, %convert_element_type3A_7, %cond3A_8 : i32
    scf.if %cond3A_9 {
      %scan3A = arith.constant 0 : i32
      %scan3A_21 = arith.constant 0 : i32
      %scan3A_22 = arith.constant 10 : i32
      %scan3A_23 = arith.addi %scan3A_21, %scan3A_22 : i32
      %scan3A_24 = arith.constant 1 : i32
      scf.for %scan3A_26 = %scan3A_21 to %scan3A_23 step %scan3A_24  : i32 {
        %mul3A_27 = arith.constant 2048 : i32
        %mul3A_28 = arith.muli %scan3A_26, %mul3A_27 : i32
        %add3A = arith.addi %mul3A_2, %mul3A_28 : i32
        "tpu.region"() ({
          %run_scoped3A = tpu.sem_alloc : memref<!tpu.dma_semaphore, #tpu.memory_space<semaphore_mem>>
          %dma_start3A_39 = tpu.memref_slice %arg4[%add3A] : memref<327680xi32, #tpu.memory_space<hbm>> -> memref<2048xi32, #tpu.memory_space<hbm>>
          %dma_start3A_40 = tpu.memref_slice %arg4[%add3A] : memref<327680xi32, #tpu.memory_space<hbm>> -> memref<2048xi32, #tpu.memory_space<hbm>>
          tpu.enqueue_dma source(%dma_start3A_40 : memref<2048xi32, #tpu.memory_space<hbm>>) target(%arg9 : memref<2048xi32, #tpu.memory_space<vmem>>) target_semaphore(%run_scoped3A : memref<!tpu.dma_semaphore, #tpu.memory_space<semaphore_mem>>)
          %dma_wait3A = tpu.memref_slice %arg4[%add3A] : memref<327680xi32, #tpu.memory_space<hbm>> -> memref<2048xi32, #tpu.memory_space<hbm>>
          %dma_wait3A_41 = tpu.memref_slice %arg4[%add3A] : memref<327680xi32, #tpu.memory_space<hbm>> -> memref<2048xi32, #tpu.memory_space<hbm>>
          tpu.wait_dma2 semaphore(%run_scoped3A : memref<!tpu.dma_semaphore, #tpu.memory_space<semaphore_mem>>) src(%dma_wait3A_41 : memref<2048xi32, #tpu.memory_space<hbm>>) dst(%arg9 : memref<2048xi32, #tpu.memory_space<vmem>>)
          tpu.yield
        }) : () -> ()
        "tpu.region"() ({
          %run_scoped3A = tpu.sem_alloc : memref<!tpu.dma_semaphore, #tpu.memory_space<semaphore_mem>>
          %dma_start3A_39 = tpu.memref_slice %arg5[%add3A] : memref<327680xi32, #tpu.memory_space<hbm>> -> memref<2048xi32, #tpu.memory_space<hbm>>
          %dma_start3A_40 = tpu.memref_slice %arg5[%add3A] : memref<327680xi32, #tpu.memory_space<hbm>> -> memref<2048xi32, #tpu.memory_space<hbm>>
          tpu.enqueue_dma source(%dma_start3A_40 : memref<2048xi32, #tpu.memory_space<hbm>>) target(%arg10 : memref<2048xi32, #tpu.memory_space<vmem>>) target_semaphore(%run_scoped3A : memref<!tpu.dma_semaphore, #tpu.memory_space<semaphore_mem>>)
          %dma_wait3A = tpu.memref_slice %arg5[%add3A] : memref<327680xi32, #tpu.memory_space<hbm>> -> memref<2048xi32, #tpu.memory_space<hbm>>
          %dma_wait3A_41 = tpu.memref_slice %arg5[%add3A] : memref<327680xi32, #tpu.memory_space<hbm>> -> memref<2048xi32, #tpu.memory_space<hbm>>
          tpu.wait_dma2 semaphore(%run_scoped3A : memref<!tpu.dma_semaphore, #tpu.memory_space<semaphore_mem>>) src(%dma_wait3A_41 : memref<2048xi32, #tpu.memory_space<hbm>>) dst(%arg10 : memref<2048xi32, #tpu.memory_space<vmem>>)
          tpu.yield
        }) : () -> ()
        %dma_start3A = arith.constant 0 : i32
        %dma_start3A_29 = tpu.memref_slice %arg9[%dma_start3A] : memref<2048xi32, #tpu.memory_space<vmem>> -> memref<128xi32, #tpu.memory_space<vmem>>
        %dma_start3A_30 = arith.constant 0 : i32
        %dma_start3A_31 = arith.constant 0 : i32
        %dma_start3A_32 = tpu.memref_slice %arg3[%dma_start3A_30, %dma_start3A_31] : memref<10240x128xf32, #tpu.memory_space<hbm>> -> memref<10240x128xf32, #tpu.memory_space<hbm>>
        tpu.enqueue_indirect_dma source(%dma_start3A_32 : memref<10240x128xf32, #tpu.memory_space<hbm>>) target(%arg11 : memref<128x128xf32, #tpu.memory_space<vmem>>) offsets(%dma_start3A_29 : memref<128xi32, #tpu.memory_space<vmem>>) semaphore(%arg14 : memref<!tpu.dma_semaphore, #tpu.memory_space<semaphore_mem>>)
        %scan3A_33 = arith.constant 0 : i32
        %scan3A_34 = arith.constant 0 : i32
        %scan3A_35 = arith.constant 8 : i32
        %scan3A_36 = arith.addi %scan3A_34, %scan3A_35 : i32
        %scan3A_37 = arith.constant 1 : i32
        scf.for %scan3A_39 = %scan3A_34 to %scan3A_36 step %scan3A_37  : i32 {
          %mul3A_40 = arith.constant 2 : i32
          %mul3A_41 = arith.muli %mul3A_40, %scan3A_39 : i32
          %add3A_42 = arith.constant 1 : i32
          %add3A_43 = arith.addi %mul3A_41, %add3A_42 : i32
          %mul3A_44 = arith.constant 128 : i32
          %mul3A_45 = arith.muli %add3A_43, %mul3A_44 : i32
          %dma_start3A_46 = tpu.memref_slice %arg9[%mul3A_45] : memref<2048xi32, #tpu.memory_space<vmem>> -> memref<128xi32, #tpu.memory_space<vmem>>
          %dma_start3A_47 = arith.constant 0 : i32
          %dma_start3A_48 = arith.constant 0 : i32
          %dma_start3A_49 = tpu.memref_slice %arg3[%dma_start3A_47, %dma_start3A_48] : memref<10240x128xf32, #tpu.memory_space<hbm>> -> memref<10240x128xf32, #tpu.memory_space<hbm>>
          tpu.enqueue_indirect_dma source(%dma_start3A_49 : memref<10240x128xf32, #tpu.memory_space<hbm>>) target(%arg12 : memref<128x128xf32, #tpu.memory_space<vmem>>) offsets(%dma_start3A_46 : memref<128xi32, #tpu.memory_space<vmem>>) semaphore(%arg15 : memref<!tpu.dma_semaphore, #tpu.memory_space<semaphore_mem>>)
          %dma_wait3A = arith.constant 0 : i32
          %dma_wait3A_50 = arith.constant 0 : i32
          %dma_wait3A_51 = tpu.memref_slice %arg3[%dma_wait3A, %dma_wait3A_50] : memref<10240x128xf32, #tpu.memory_space<hbm>> -> memref<128x128xf32, #tpu.memory_space<hbm>>
          %dma_wait3A_52 = arith.constant 0 : i32
          %dma_wait3A_53 = arith.constant 0 : i32
          %dma_wait3A_54 = tpu.memref_slice %arg3[%dma_wait3A_52, %dma_wait3A_53] : memref<10240x128xf32, #tpu.memory_space<hbm>> -> memref<128x128xf32, #tpu.memory_space<hbm>>
          tpu.wait_dma2 semaphore(%arg14 : memref<!tpu.dma_semaphore, #tpu.memory_space<semaphore_mem>>) src(%dma_wait3A_54 : memref<128x128xf32, #tpu.memory_space<hbm>>) dst(%arg11 : memref<128x128xf32, #tpu.memory_space<vmem>>)
          %mul3A_55 = arith.constant 128 : i32
          %mul3A_56 = arith.muli %mul3A_41, %mul3A_55 : i32
          "tpu.region"() ({
            %run_scoped3A = tpu.sem_alloc : memref<!tpu.dma_semaphore, #tpu.memory_space<semaphore_mem>>
            %dma_start3A_71 = tpu.memref_slice %arg10[%mul3A_56] : memref<2048xi32, #tpu.memory_space<vmem>> -> memref<128xi32, #tpu.memory_space<vmem>>
            %dma_start3A_72 = arith.constant 0 : i32
            %dma_start3A_73 = arith.constant 0 : i32
            %dma_start3A_74 = tpu.memref_slice %arg13[%dma_start3A_72, %dma_start3A_73] : memref<10240x128xf32, #tpu.memory_space<vmem_shared>> -> memref<10240x128xf32, #tpu.memory_space<vmem_shared>>
            tpu.enqueue_indirect_dma source(%arg11 : memref<128x128xf32, #tpu.memory_space<vmem>>) target(%dma_start3A_74 : memref<10240x128xf32, #tpu.memory_space<vmem_shared>>) offsets(%dma_start3A_71 : memref<128xi32, #tpu.memory_space<vmem>>) semaphore(%run_scoped3A : memref<!tpu.dma_semaphore, #tpu.memory_space<semaphore_mem>>) {add = true}
            %dma_wait3A_75 = tpu.memref_slice %arg10[%mul3A_56] : memref<2048xi32, #tpu.memory_space<vmem>> -> memref<128xi32, #tpu.memory_space<vmem>>
            %dma_wait3A_76 = arith.constant 0 : i32
            %dma_wait3A_77 = arith.constant 0 : i32
            %dma_wait3A_78 = tpu.memref_slice %arg13[%dma_wait3A_76, %dma_wait3A_77] : memref<10240x128xf32, #tpu.memory_space<vmem_shared>> -> memref<10240x128xf32, #tpu.memory_space<vmem_shared>>
            tpu.wait_indirect_dma semaphore(%run_scoped3A : memref<!tpu.dma_semaphore, #tpu.memory_space<semaphore_mem>>) src(%arg11 : memref<128x128xf32, #tpu.memory_space<vmem>>) dst(%dma_wait3A_78 : memref<10240x128xf32, #tpu.memory_space<vmem_shared>>)
            tpu.yield
          }) : () -> ()
          %lt3A = arith.constant 7 : i32
          %lt3A_57 = arith.cmpi slt, %scan3A_39, %lt3A : i32
          %convert_element_type3A_58 = arith.extui %lt3A_57 : i1 to i32
          %cond3A_59 = arith.constant 0 : i32
          %cond3A_60 = arith.cmpi ne, %convert_element_type3A_58, %cond3A_59 : i32
          scf.if %cond3A_60 {
            %add3A_71 = arith.constant 2 : i32
            %add3A_72 = arith.addi %mul3A_41, %add3A_71 : i32
            %mul3A_73 = arith.constant 128 : i32
            %mul3A_74 = arith.muli %add3A_72, %mul3A_73 : i32
            %dma_start3A_75 = tpu.memref_slice %arg9[%mul3A_74] : memref<2048xi32, #tpu.memory_space<vmem>> -> memref<128xi32, #tpu.memory_space<vmem>>
            %dma_start3A_76 = arith.constant 0 : i32
            %dma_start3A_77 = arith.constant 0 : i32
            %dma_start3A_78 = tpu.memref_slice %arg3[%dma_start3A_76, %dma_start3A_77] : memref<10240x128xf32, #tpu.memory_space<hbm>> -> memref<10240x128xf32, #tpu.memory_space<hbm>>
            tpu.enqueue_indirect_dma source(%dma_start3A_78 : memref<10240x128xf32, #tpu.memory_space<hbm>>) target(%arg11 : memref<128x128xf32, #tpu.memory_space<vmem>>) offsets(%dma_start3A_75 : memref<128xi32, #tpu.memory_space<vmem>>) semaphore(%arg14 : memref<!tpu.dma_semaphore, #tpu.memory_space<semaphore_mem>>)
          } else {
          }
          %dma_wait3A_61 = arith.constant 0 : i32
          %dma_wait3A_62 = arith.constant 0 : i32
          %dma_wait3A_63 = tpu.memref_slice %arg3[%dma_wait3A_61, %dma_wait3A_62] : memref<10240x128xf32, #tpu.memory_space<hbm>> -> memref<128x128xf32, #tpu.memory_space<hbm>>
          %dma_wait3A_64 = arith.constant 0 : i32
          %dma_wait3A_65 = arith.constant 0 : i32
          %dma_wait3A_66 = tpu.memref_slice %arg3[%dma_wait3A_64, %dma_wait3A_65] : memref<10240x128xf32, #tpu.memory_space<hbm>> -> memref<128x128xf32, #tpu.memory_space<hbm>>
          tpu.wait_dma2 semaphore(%arg15 : memref<!tpu.dma_semaphore, #tpu.memory_space<semaphore_mem>>) src(%dma_wait3A_66 : memref<128x128xf32, #tpu.memory_space<hbm>>) dst(%arg12 : memref<128x128xf32, #tpu.memory_space<vmem>>)
          %add3A_67 = arith.constant 1 : i32
          %add3A_68 = arith.addi %mul3A_41, %add3A_67 : i32
          %mul3A_69 = arith.constant 128 : i32
          %mul3A_70 = arith.muli %add3A_68, %mul3A_69 : i32
          "tpu.region"() ({
            %run_scoped3A = tpu.sem_alloc : memref<!tpu.dma_semaphore, #tpu.memory_space<semaphore_mem>>
            %dma_start3A_71 = tpu.memref_slice %arg10[%mul3A_70] : memref<2048xi32, #tpu.memory_space<vmem>> -> memref<128xi32, #tpu.memory_space<vmem>>
            %dma_start3A_72 = arith.constant 0 : i32
            %dma_start3A_73 = arith.constant 0 : i32
            %dma_start3A_74 = tpu.memref_slice %arg13[%dma_start3A_72, %dma_start3A_73] : memref<10240x128xf32, #tpu.memory_space<vmem_shared>> -> memref<10240x128xf32, #tpu.memory_space<vmem_shared>>
            tpu.enqueue_indirect_dma source(%arg12 : memref<128x128xf32, #tpu.memory_space<vmem>>) target(%dma_start3A_74 : memref<10240x128xf32, #tpu.memory_space<vmem_shared>>) offsets(%dma_start3A_71 : memref<128xi32, #tpu.memory_space<vmem>>) semaphore(%run_scoped3A : memref<!tpu.dma_semaphore, #tpu.memory_space<semaphore_mem>>) {add = true}
            %dma_wait3A_75 = tpu.memref_slice %arg10[%mul3A_70] : memref<2048xi32, #tpu.memory_space<vmem>> -> memref<128xi32, #tpu.memory_space<vmem>>
            %dma_wait3A_76 = arith.constant 0 : i32
            %dma_wait3A_77 = arith.constant 0 : i32
            %dma_wait3A_78 = tpu.memref_slice %arg13[%dma_wait3A_76, %dma_wait3A_77] : memref<10240x128xf32, #tpu.memory_space<vmem_shared>> -> memref<10240x128xf32, #tpu.memory_space<vmem_shared>>
            tpu.wait_indirect_dma semaphore(%run_scoped3A : memref<!tpu.dma_semaphore, #tpu.memory_space<semaphore_mem>>) src(%arg12 : memref<128x128xf32, #tpu.memory_space<vmem>>) dst(%dma_wait3A_78 : memref<10240x128xf32, #tpu.memory_space<vmem_shared>>)
            tpu.yield
          }) : () -> ()
        }
        %scan3A_38 = arith.constant 8 : i32
      }
      %scan3A_25 = arith.constant 10 : i32
    } else {
    }
    %barrier3A_10 = arith.constant 0 : index
    tpu.barrier barrier_id(%barrier3A_10)
    %eq3A_11 = arith.constant 0 : i32
    %eq3A_12 = arith.cmpi eq, %arg0, %eq3A_11 : i32
    %convert_element_type3A_13 = arith.extui %eq3A_12 : i1 to i32
    %cond3A_14 = arith.constant 0 : i32
    %cond3A_15 = arith.cmpi ne, %convert_element_type3A_13, %cond3A_14 : i32
    scf.if %cond3A_15 {
      "tpu.region"() ({
        %run_scoped3A = tpu.sem_alloc : memref<!tpu.dma_semaphore, #tpu.memory_space<semaphore_mem>>
        %dma_start3A = arith.constant 0 : i32
        %dma_start3A_21 = tpu.memref_slice %arg7[%mul3A_0, %dma_start3A] : memref<10240x128xf32, #tpu.memory_space<hbm>> -> memref<640x128xf32, #tpu.memory_space<hbm>>
        %dma_start3A_22 = arith.constant 0 : i32
        %dma_start3A_23 = tpu.memref_slice %arg13[%mul3A_0, %dma_start3A_22] : memref<10240x128xf32, #tpu.memory_space<vmem_shared>> -> memref<640x128xf32, #tpu.memory_space<vmem_shared>>
        tpu.enqueue_dma source(%dma_start3A_23 : memref<640x128xf32, #tpu.memory_space<vmem_shared>>) target(%dma_start3A_21 : memref<640x128xf32, #tpu.memory_space<hbm>>) target_semaphore(%run_scoped3A : memref<!tpu.dma_semaphore, #tpu.memory_space<semaphore_mem>>)
        %dma_wait3A = arith.constant 0 : i32
        %dma_wait3A_24 = tpu.memref_slice %arg7[%mul3A_0, %dma_wait3A] : memref<10240x128xf32, #tpu.memory_space<hbm>> -> memref<640x128xf32, #tpu.memory_space<hbm>>
        %dma_wait3A_25 = arith.constant 0 : i32
        %dma_wait3A_26 = tpu.memref_slice %arg13[%mul3A_0, %dma_wait3A_25] : memref<10240x128xf32, #tpu.memory_space<vmem_shared>> -> memref<640x128xf32, #tpu.memory_space<vmem_shared>>
        tpu.wait_dma2 semaphore(%run_scoped3A : memref<!tpu.dma_semaphore, #tpu.memory_space<semaphore_mem>>) src(%dma_wait3A_26 : memref<640x128xf32, #tpu.memory_space<vmem_shared>>) dst(%dma_wait3A_24 : memref<640x128xf32, #tpu.memory_space<hbm>>)
        tpu.yield
      }) : () -> ()
    } else {
    }
    %eq3A_16 = arith.constant 1 : i32
    %eq3A_17 = arith.cmpi eq, %arg0, %eq3A_16 : i32
    %convert_element_type3A_18 = arith.extui %eq3A_17 : i1 to i32
    %cond3A_19 = arith.constant 0 : i32
    %cond3A_20 = arith.cmpi ne, %convert_element_type3A_18, %cond3A_19 : i32
    scf.if %cond3A_20 {
      "tpu.region"() ({
        %run_scoped3A = tpu.sem_alloc : memref<!tpu.dma_semaphore, #tpu.memory_space<semaphore_mem>>
        %dma_start3A = arith.constant 0 : i32
        %dma_start3A_21 = tpu.memref_slice %arg8[%mul3A_0, %dma_start3A] : memref<10240x128xf32, #tpu.memory_space<hbm>> -> memref<640x128xf32, #tpu.memory_space<hbm>>
        %dma_start3A_22 = arith.constant 0 : i32
        %dma_start3A_23 = tpu.memref_slice %arg13[%mul3A_0, %dma_start3A_22] : memref<10240x128xf32, #tpu.memory_space<vmem_shared>> -> memref<640x128xf32, #tpu.memory_space<vmem_shared>>
        tpu.enqueue_dma source(%dma_start3A_23 : memref<640x128xf32, #tpu.memory_space<vmem_shared>>) target(%dma_start3A_21 : memref<640x128xf32, #tpu.memory_space<hbm>>) target_semaphore(%run_scoped3A : memref<!tpu.dma_semaphore, #tpu.memory_space<semaphore_mem>>)
        %dma_wait3A = arith.constant 0 : i32
        %dma_wait3A_24 = tpu.memref_slice %arg8[%mul3A_0, %dma_wait3A] : memref<10240x128xf32, #tpu.memory_space<hbm>> -> memref<640x128xf32, #tpu.memory_space<hbm>>
        %dma_wait3A_25 = arith.constant 0 : i32
        %dma_wait3A_26 = tpu.memref_slice %arg13[%mul3A_0, %dma_wait3A_25] : memref<10240x128xf32, #tpu.memory_space<vmem_shared>> -> memref<640x128xf32, #tpu.memory_space<vmem_shared>>
        tpu.wait_dma2 semaphore(%run_scoped3A : memref<!tpu.dma_semaphore, #tpu.memory_space<semaphore_mem>>) src(%dma_wait3A_26 : memref<640x128xf32, #tpu.memory_space<vmem_shared>>) dst(%dma_wait3A_24 : memref<640x128xf32, #tpu.memory_space<hbm>>)
        tpu.yield
      }) : () -> ()
    } else {
    }
    return
  }
}

#map = affine_map<(d0, d1) -> (0)>
#map1 = affine_map<(d0, d1) -> (0, 0)>
module attributes {stable_mosaic.version = 14 : i64} {
  func.func @_prep(%arg0: i32, %arg1: i32, %arg2: memref<327680xi32, #tpu.memory_space<hbm>>, %arg3: memref<327680xi32, #tpu.memory_space<hbm>>, %arg4: memref<10240x128xf32, #tpu.memory_space<hbm>>, %arg5: memref<10240xi32, #tpu.memory_space<hbm>>, %arg6: memref<80xi32, #tpu.memory_space<hbm>>, %arg7: memref<640x128xf32, #tpu.memory_space<hbm>>, %arg8: memref<80x128xf32, #tpu.memory_space<hbm>>, %arg9: memref<80x128xf32, #tpu.memory_space<hbm>>, %arg10: memref<10240x128xf32, #tpu.memory_space<hbm>>, %arg11: memref<2048xi32, #tpu.memory_space<vmem>>, %arg12: memref<80x128xf32, #tpu.memory_space<vmem>>, %arg13: memref<80xi32, #tpu.memory_space<vmem>>, %arg14: memref<320xi32, #tpu.memory_space<vmem>>, %arg15: memref<64x128xf32, #tpu.memory_space<vmem>>, %arg16: memref<80x128xf32, #tpu.memory_space<vmem_shared>>, %arg17: memref<!tpu.dma_semaphore, #tpu.memory_space<semaphore_mem>>) attributes {dimension_semantics = [#tpu.dimension_semantics<core_parallel>, #tpu.dimension_semantics<subcore_parallel>], iteration_bounds = array<i64: 2, 16>, scalar_prefetch = 0 : i64, scratch_operands = 7 : i64, tpu.core_type = #tpu.core_type<sc_vector_subcore>, window_params = [{transform_indices = #map}, {transform_indices = #map}, {transform_indices = #map1}, {transform_indices = #map}, {transform_indices = #map}, {transform_indices = #map1}, {transform_indices = #map1}, {transform_indices = #map1}, {transform_indices = #map1}]} {
    %eq3A = arith.constant 0 : i32
    %eq3A_0 = arith.cmpi eq, %arg1, %eq3A : i32
    %convert_element_type3A = arith.extui %eq3A_0 : i1 to i32
    %cond3A = arith.constant 0 : i32
    %cond3A_1 = arith.cmpi ne, %convert_element_type3A, %cond3A : i32
    scf.if %cond3A_1 {
      "tpu.region"() ({
        %run_scoped3A = tpu.sem_alloc : memref<!tpu.dma_semaphore, #tpu.memory_space<semaphore_mem>>
        %dma_start3A = arith.constant 0 : i32
        %dma_start3A_41 = arith.constant 0 : i32
        %dma_start3A_42 = tpu.memref_slice %arg7[%dma_start3A, %dma_start3A_41] : memref<640x128xf32, #tpu.memory_space<hbm>> -> memref<80x128xf32, #tpu.memory_space<hbm>>
        tpu.enqueue_dma source(%dma_start3A_42 : memref<80x128xf32, #tpu.memory_space<hbm>>) target(%arg16 : memref<80x128xf32, #tpu.memory_space<vmem_shared>>) target_semaphore(%run_scoped3A : memref<!tpu.dma_semaphore, #tpu.memory_space<semaphore_mem>>)
        %dma_wait3A = arith.constant 0 : i32
        %dma_wait3A_43 = arith.constant 0 : i32
        %dma_wait3A_44 = tpu.memref_slice %arg7[%dma_wait3A, %dma_wait3A_43] : memref<640x128xf32, #tpu.memory_space<hbm>> -> memref<80x128xf32, #tpu.memory_space<hbm>>
        tpu.wait_dma2 semaphore(%run_scoped3A : memref<!tpu.dma_semaphore, #tpu.memory_space<semaphore_mem>>) src(%dma_wait3A_44 : memref<80x128xf32, #tpu.memory_space<hbm>>) dst(%arg16 : memref<80x128xf32, #tpu.memory_space<vmem_shared>>)
        tpu.yield
      }) : () -> ()
    } else {
    }
    "tpu.region"() ({
      %run_scoped3A = tpu.sem_alloc : memref<!tpu.dma_semaphore, #tpu.memory_space<semaphore_mem>>
      %dma_start3A = arith.constant 0 : i32
      %dma_start3A_41 = arith.constant 0 : i32
      %dma_start3A_42 = tpu.memref_slice %arg7[%dma_start3A, %dma_start3A_41] : memref<640x128xf32, #tpu.memory_space<hbm>> -> memref<80x128xf32, #tpu.memory_space<hbm>>
      %dma_start3A_43 = arith.constant 0 : i32
      %dma_start3A_44 = arith.constant 0 : i32
      %dma_start3A_45 = tpu.memref_slice %arg7[%dma_start3A_43, %dma_start3A_44] : memref<640x128xf32, #tpu.memory_space<hbm>> -> memref<80x128xf32, #tpu.memory_space<hbm>>
      tpu.enqueue_dma source(%dma_start3A_45 : memref<80x128xf32, #tpu.memory_space<hbm>>) target(%arg12 : memref<80x128xf32, #tpu.memory_space<vmem>>) target_semaphore(%run_scoped3A : memref<!tpu.dma_semaphore, #tpu.memory_space<semaphore_mem>>)
      %dma_wait3A = arith.constant 0 : i32
      %dma_wait3A_46 = arith.constant 0 : i32
      %dma_wait3A_47 = tpu.memref_slice %arg7[%dma_wait3A, %dma_wait3A_46] : memref<640x128xf32, #tpu.memory_space<hbm>> -> memref<80x128xf32, #tpu.memory_space<hbm>>
      %dma_wait3A_48 = arith.constant 0 : i32
      %dma_wait3A_49 = arith.constant 0 : i32
      %dma_wait3A_50 = tpu.memref_slice %arg7[%dma_wait3A_48, %dma_wait3A_49] : memref<640x128xf32, #tpu.memory_space<hbm>> -> memref<80x128xf32, #tpu.memory_space<hbm>>
      tpu.wait_dma2 semaphore(%run_scoped3A : memref<!tpu.dma_semaphore, #tpu.memory_space<semaphore_mem>>) src(%dma_wait3A_50 : memref<80x128xf32, #tpu.memory_space<hbm>>) dst(%arg12 : memref<80x128xf32, #tpu.memory_space<vmem>>)
      tpu.yield
    }) : () -> ()
    "tpu.region"() ({
      %run_scoped3A = tpu.sem_alloc : memref<!tpu.dma_semaphore, #tpu.memory_space<semaphore_mem>>
      tpu.enqueue_dma source(%arg6 : memref<80xi32, #tpu.memory_space<hbm>>) target(%arg13 : memref<80xi32, #tpu.memory_space<vmem>>) target_semaphore(%run_scoped3A : memref<!tpu.dma_semaphore, #tpu.memory_space<semaphore_mem>>)
      tpu.wait_dma2 semaphore(%run_scoped3A : memref<!tpu.dma_semaphore, #tpu.memory_space<semaphore_mem>>) src(%arg6 : memref<80xi32, #tpu.memory_space<hbm>>) dst(%arg13 : memref<80xi32, #tpu.memory_space<vmem>>)
      tpu.yield
    }) : () -> ()
    %barrier3A = arith.constant 0 : index
    tpu.barrier barrier_id(%barrier3A)
    %mul3A = arith.constant 20480 : i32
    %mul3A_2 = arith.muli %arg1, %mul3A : i32
    %broadcast_in_dim3A = arith.constant 1.000000e+00 : f32
    %broadcast_in_dim3A_3 = vector.broadcast %broadcast_in_dim3A : f32 to vector<16xf32>
    %eq3A_4 = arith.constant 0 : i32
    %eq3A_5 = arith.cmpi eq, %arg0, %eq3A_4 : i32
    %convert_element_type3A_6 = arith.extui %eq3A_5 : i1 to i32
    %cond3A_7 = arith.constant 0 : i32
    %cond3A_8 = arith.cmpi ne, %convert_element_type3A_6, %cond3A_7 : i32
    scf.if %cond3A_8 {
      %scan3A_41 = arith.constant 0 : i32
      %scan3A_42 = arith.constant 0 : i32
      %scan3A_43 = arith.constant 10 : i32
      %scan3A_44 = arith.addi %scan3A_42, %scan3A_43 : i32
      %scan3A_45 = arith.constant 1 : i32
      scf.for %scan3A_47 = %scan3A_42 to %scan3A_44 step %scan3A_45  : i32 {
        %mul3A_48 = arith.constant 2048 : i32
        %mul3A_49 = arith.muli %scan3A_47, %mul3A_48 : i32
        %add3A_50 = arith.addi %mul3A_2, %mul3A_49 : i32
        "tpu.region"() ({
          %run_scoped3A = tpu.sem_alloc : memref<!tpu.dma_semaphore, #tpu.memory_space<semaphore_mem>>
          %dma_start3A = tpu.memref_slice %arg2[%add3A_50] : memref<327680xi32, #tpu.memory_space<hbm>> -> memref<2048xi32, #tpu.memory_space<hbm>>
          %dma_start3A_57 = tpu.memref_slice %arg2[%add3A_50] : memref<327680xi32, #tpu.memory_space<hbm>> -> memref<2048xi32, #tpu.memory_space<hbm>>
          tpu.enqueue_dma source(%dma_start3A_57 : memref<2048xi32, #tpu.memory_space<hbm>>) target(%arg11 : memref<2048xi32, #tpu.memory_space<vmem>>) target_semaphore(%run_scoped3A : memref<!tpu.dma_semaphore, #tpu.memory_space<semaphore_mem>>)
          %dma_wait3A = tpu.memref_slice %arg2[%add3A_50] : memref<327680xi32, #tpu.memory_space<hbm>> -> memref<2048xi32, #tpu.memory_space<hbm>>
          %dma_wait3A_58 = tpu.memref_slice %arg2[%add3A_50] : memref<327680xi32, #tpu.memory_space<hbm>> -> memref<2048xi32, #tpu.memory_space<hbm>>
          tpu.wait_dma2 semaphore(%run_scoped3A : memref<!tpu.dma_semaphore, #tpu.memory_space<semaphore_mem>>) src(%dma_wait3A_58 : memref<2048xi32, #tpu.memory_space<hbm>>) dst(%arg11 : memref<2048xi32, #tpu.memory_space<vmem>>)
          tpu.yield
        }) : () -> ()
        %scan3A_51 = arith.constant 0 : i32
        %scan3A_52 = arith.constant 0 : i32
        %scan3A_53 = arith.constant 128 : i32
        %scan3A_54 = arith.addi %scan3A_52, %scan3A_53 : i32
        %scan3A_55 = arith.constant 1 : i32
        scf.for %scan3A_57 = %scan3A_52 to %scan3A_54 step %scan3A_55  : i32 {
          %mul3A_58 = arith.constant 16 : i32
          %mul3A_59 = arith.muli %scan3A_57, %mul3A_58 : i32
          %get3A = arith.index_cast %mul3A_59 : i32 to index
          %get3A_60 = tpu.vector_load %arg11[%get3A] {strides = array<i32>} : memref<2048xi32, #tpu.memory_space<vmem>>, vector<16xi32>,
          %shift_right_logical3A = arith.constant 7 : i32
          %shift_right_logical3A_61 = vector.broadcast %shift_right_logical3A : i32 to vector<16xi32>
          %shift_right_logical3A_62 = arith.shrui %get3A_60, %shift_right_logical3A_61 : vector<16xi32>
          %and3A_63 = arith.constant 127 : i32
          %and3A_64 = vector.broadcast %and3A_63 : i32 to vector<16xi32>
          %and3A_65 = arith.andi %get3A_60, %and3A_64 : vector<16xi32>
          tpu.vector_store_idx %arg12[%shift_right_logical3A_62, %and3A_65], %broadcast_in_dim3A_3 {add = true} : memref<80x128xf32, #tpu.memory_space<vmem>>[vector<16xi32>, vector<16xi32>], vector<16xf32>,
        }
        %scan3A_56 = arith.constant 128 : i32
      }
      %scan3A_46 = arith.constant 10 : i32
    } else {
    }
    %eq3A_9 = arith.constant 1 : i32
    %eq3A_10 = arith.cmpi eq, %arg0, %eq3A_9 : i32
    %convert_element_type3A_11 = arith.extui %eq3A_10 : i1 to i32
    %cond3A_12 = arith.constant 0 : i32
    %cond3A_13 = arith.cmpi ne, %convert_element_type3A_11, %cond3A_12 : i32
    scf.if %cond3A_13 {
      %scan3A_41 = arith.constant 0 : i32
      %scan3A_42 = arith.constant 0 : i32
      %scan3A_43 = arith.constant 10 : i32
      %scan3A_44 = arith.addi %scan3A_42, %scan3A_43 : i32
      %scan3A_45 = arith.constant 1 : i32
      scf.for %scan3A_47 = %scan3A_42 to %scan3A_44 step %scan3A_45  : i32 {
        %mul3A_48 = arith.constant 2048 : i32
        %mul3A_49 = arith.muli %scan3A_47, %mul3A_48 : i32
        %add3A_50 = arith.addi %mul3A_2, %mul3A_49 : i32
        "tpu.region"() ({
          %run_scoped3A = tpu.sem_alloc : memref<!tpu.dma_semaphore, #tpu.memory_space<semaphore_mem>>
          %dma_start3A = tpu.memref_slice %arg3[%add3A_50] : memref<327680xi32, #tpu.memory_space<hbm>> -> memref<2048xi32, #tpu.memory_space<hbm>>
          %dma_start3A_57 = tpu.memref_slice %arg3[%add3A_50] : memref<327680xi32, #tpu.memory_space<hbm>> -> memref<2048xi32, #tpu.memory_space<hbm>>
          tpu.enqueue_dma source(%dma_start3A_57 : memref<2048xi32, #tpu.memory_space<hbm>>) target(%arg11 : memref<2048xi32, #tpu.memory_space<vmem>>) target_semaphore(%run_scoped3A : memref<!tpu.dma_semaphore, #tpu.memory_space<semaphore_mem>>)
          %dma_wait3A = tpu.memref_slice %arg3[%add3A_50] : memref<327680xi32, #tpu.memory_space<hbm>> -> memref<2048xi32, #tpu.memory_space<hbm>>
          %dma_wait3A_58 = tpu.memref_slice %arg3[%add3A_50] : memref<327680xi32, #tpu.memory_space<hbm>> -> memref<2048xi32, #tpu.memory_space<hbm>>
          tpu.wait_dma2 semaphore(%run_scoped3A : memref<!tpu.dma_semaphore, #tpu.memory_space<semaphore_mem>>) src(%dma_wait3A_58 : memref<2048xi32, #tpu.memory_space<hbm>>) dst(%arg11 : memref<2048xi32, #tpu.memory_space<vmem>>)
          tpu.yield
        }) : () -> ()
        %scan3A_51 = arith.constant 0 : i32
        %scan3A_52 = arith.constant 0 : i32
        %scan3A_53 = arith.constant 128 : i32
        %scan3A_54 = arith.addi %scan3A_52, %scan3A_53 : i32
        %scan3A_55 = arith.constant 1 : i32
        scf.for %scan3A_57 = %scan3A_52 to %scan3A_54 step %scan3A_55  : i32 {
          %mul3A_58 = arith.constant 16 : i32
          %mul3A_59 = arith.muli %scan3A_57, %mul3A_58 : i32
          %get3A = arith.index_cast %mul3A_59 : i32 to index
          %get3A_60 = tpu.vector_load %arg11[%get3A] {strides = array<i32>} : memref<2048xi32, #tpu.memory_space<vmem>>, vector<16xi32>,
          %shift_right_logical3A = arith.constant 7 : i32
          %shift_right_logical3A_61 = vector.broadcast %shift_right_logical3A : i32 to vector<16xi32>
          %shift_right_logical3A_62 = arith.shrui %get3A_60, %shift_right_logical3A_61 : vector<16xi32>
          %and3A_63 = arith.constant 127 : i32
          %and3A_64 = vector.broadcast %and3A_63 : i32 to vector<16xi32>
          %and3A_65 = arith.andi %get3A_60, %and3A_64 : vector<16xi32>
          tpu.vector_store_idx %arg12[%shift_right_logical3A_62, %and3A_65], %broadcast_in_dim3A_3 {add = true} : memref<80x128xf32, #tpu.memory_space<vmem>>[vector<16xi32>, vector<16xi32>], vector<16xf32>,
        }
        %scan3A_56 = arith.constant 128 : i32
      }
      %scan3A_46 = arith.constant 10 : i32
    } else {
    }
    "tpu.region"() ({
      %run_scoped3A = tpu.sem_alloc : memref<!tpu.dma_semaphore, #tpu.memory_space<semaphore_mem>>
      %dma_start3A = arith.constant 0 : i32
      %dma_start3A_41 = arith.constant 0 : i32
      %dma_start3A_42 = tpu.memref_slice %arg16[%dma_start3A, %dma_start3A_41] : memref<80x128xf32, #tpu.memory_space<vmem_shared>> -> memref<80x128xf32, #tpu.memory_space<vmem_shared>>
      tpu.enqueue_indirect_dma source(%arg12 : memref<80x128xf32, #tpu.memory_space<vmem>>) target(%dma_start3A_42 : memref<80x128xf32, #tpu.memory_space<vmem_shared>>) offsets(%arg13 : memref<80xi32, #tpu.memory_space<vmem>>) semaphore(%run_scoped3A : memref<!tpu.dma_semaphore, #tpu.memory_space<semaphore_mem>>) {add = true}
      %dma_wait3A = arith.constant 0 : i32
      %dma_wait3A_43 = arith.constant 0 : i32
      %dma_wait3A_44 = tpu.memref_slice %arg16[%dma_wait3A, %dma_wait3A_43] : memref<80x128xf32, #tpu.memory_space<vmem_shared>> -> memref<80x128xf32, #tpu.memory_space<vmem_shared>>
      tpu.wait_indirect_dma semaphore(%run_scoped3A : memref<!tpu.dma_semaphore, #tpu.memory_space<semaphore_mem>>) src(%arg12 : memref<80x128xf32, #tpu.memory_space<vmem>>) dst(%dma_wait3A_44 : memref<80x128xf32, #tpu.memory_space<vmem_shared>>)
      tpu.yield
    }) : () -> ()
    %barrier3A_14 = arith.constant 0 : index
    tpu.barrier barrier_id(%barrier3A_14)
    %eq3A_15 = arith.constant 0 : i32
    %eq3A_16 = arith.cmpi eq, %arg1, %eq3A_15 : i32
    %eq3A_17 = arith.constant 0 : i32
    %eq3A_18 = arith.cmpi eq, %arg0, %eq3A_17 : i32
    %and3A = arith.andi %eq3A_16, %eq3A_18 : i1
    %convert_element_type3A_19 = arith.extui %and3A : i1 to i32
    %cond3A_20 = arith.constant 0 : i32
    %cond3A_21 = arith.cmpi ne, %convert_element_type3A_19, %cond3A_20 : i32
    scf.if %cond3A_21 {
      "tpu.region"() ({
        %run_scoped3A = tpu.sem_alloc : memref<!tpu.dma_semaphore, #tpu.memory_space<semaphore_mem>>
        tpu.enqueue_dma source(%arg16 : memref<80x128xf32, #tpu.memory_space<vmem_shared>>) target(%arg8 : memref<80x128xf32, #tpu.memory_space<hbm>>) target_semaphore(%run_scoped3A : memref<!tpu.dma_semaphore, #tpu.memory_space<semaphore_mem>>)
        tpu.wait_dma2 semaphore(%run_scoped3A : memref<!tpu.dma_semaphore, #tpu.memory_space<semaphore_mem>>) src(%arg16 : memref<80x128xf32, #tpu.memory_space<vmem_shared>>) dst(%arg8 : memref<80x128xf32, #tpu.memory_space<hbm>>)
        tpu.yield
      }) : () -> ()
    } else {
    }
    %eq3A_22 = arith.constant 0 : i32
    %eq3A_23 = arith.cmpi eq, %arg1, %eq3A_22 : i32
    %eq3A_24 = arith.constant 1 : i32
    %eq3A_25 = arith.cmpi eq, %arg0, %eq3A_24 : i32
    %and3A_26 = arith.andi %eq3A_23, %eq3A_25 : i1
    %convert_element_type3A_27 = arith.extui %and3A_26 : i1 to i32
    %cond3A_28 = arith.constant 0 : i32
    %cond3A_29 = arith.cmpi ne, %convert_element_type3A_27, %cond3A_28 : i32
    scf.if %cond3A_29 {
      "tpu.region"() ({
        %run_scoped3A = tpu.sem_alloc : memref<!tpu.dma_semaphore, #tpu.memory_space<semaphore_mem>>
        tpu.enqueue_dma source(%arg16 : memref<80x128xf32, #tpu.memory_space<vmem_shared>>) target(%arg9 : memref<80x128xf32, #tpu.memory_space<hbm>>) target_semaphore(%run_scoped3A : memref<!tpu.dma_semaphore, #tpu.memory_space<semaphore_mem>>)
        tpu.wait_dma2 semaphore(%run_scoped3A : memref<!tpu.dma_semaphore, #tpu.memory_space<semaphore_mem>>) src(%arg16 : memref<80x128xf32, #tpu.memory_space<vmem_shared>>) dst(%arg9 : memref<80x128xf32, #tpu.memory_space<hbm>>)
        tpu.yield
      }) : () -> ()
    } else {
    }
    %mul3A_30 = arith.constant 2 : i32
    %mul3A_31 = arith.muli %arg1, %mul3A_30 : i32
    %add3A = arith.addi %mul3A_31, %arg0 : i32
    %mul3A_32 = arith.constant 5 : i32
    %mul3A_33 = arith.muli %add3A, %mul3A_32 : i32
    %mul3A_34 = arith.constant 64 : i32
    %mul3A_35 = arith.muli %mul3A_33, %mul3A_34 : i32
    "tpu.region"() ({
      %run_scoped3A = tpu.sem_alloc : memref<!tpu.dma_semaphore, #tpu.memory_space<semaphore_mem>>
      %dma_start3A = tpu.memref_slice %arg5[%mul3A_35] : memref<10240xi32, #tpu.memory_space<hbm>> -> memref<320xi32, #tpu.memory_space<hbm>>
      %dma_start3A_41 = tpu.memref_slice %arg5[%mul3A_35] : memref<10240xi32, #tpu.memory_space<hbm>> -> memref<320xi32, #tpu.memory_space<hbm>>
      tpu.enqueue_dma source(%dma_start3A_41 : memref<320xi32, #tpu.memory_space<hbm>>) target(%arg14 : memref<320xi32, #tpu.memory_space<vmem>>) target_semaphore(%run_scoped3A : memref<!tpu.dma_semaphore, #tpu.memory_space<semaphore_mem>>)
      %dma_wait3A = tpu.memref_slice %arg5[%mul3A_35] : memref<10240xi32, #tpu.memory_space<hbm>> -> memref<320xi32, #tpu.memory_space<hbm>>
      %dma_wait3A_42 = tpu.memref_slice %arg5[%mul3A_35] : memref<10240xi32, #tpu.memory_space<hbm>> -> memref<320xi32, #tpu.memory_space<hbm>>
      tpu.wait_dma2 semaphore(%run_scoped3A : memref<!tpu.dma_semaphore, #tpu.memory_space<semaphore_mem>>) src(%dma_wait3A_42 : memref<320xi32, #tpu.memory_space<hbm>>) dst(%arg14 : memref<320xi32, #tpu.memory_space<vmem>>)
      tpu.yield
    }) : () -> ()
    %scan3A = arith.constant 0 : i32
    %scan3A_36 = arith.constant 0 : i32
    %scan3A_37 = arith.constant 5 : i32
    %scan3A_38 = arith.addi %scan3A_36, %scan3A_37 : i32
    %scan3A_39 = arith.constant 1 : i32
    scf.for %scan3A_41 = %scan3A_36 to %scan3A_38 step %scan3A_39  : i32 {
      %mul3A_42 = arith.constant 64 : i32
      %mul3A_43 = arith.muli %scan3A_41, %mul3A_42 : i32
      %dma_start3A = tpu.memref_slice %arg14[%mul3A_43] : memref<320xi32, #tpu.memory_space<vmem>> -> memref<64xi32, #tpu.memory_space<vmem>>
      %dma_start3A_44 = arith.constant 0 : i32
      %dma_start3A_45 = arith.constant 0 : i32
      %dma_start3A_46 = tpu.memref_slice %arg4[%dma_start3A_44, %dma_start3A_45] : memref<10240x128xf32, #tpu.memory_space<hbm>> -> memref<10240x128xf32, #tpu.memory_space<hbm>>
      tpu.enqueue_indirect_dma source(%dma_start3A_46 : memref<10240x128xf32, #tpu.memory_space<hbm>>) target(%arg15 : memref<64x128xf32, #tpu.memory_space<vmem>>) offsets(%dma_start3A : memref<64xi32, #tpu.memory_space<vmem>>) semaphore(%arg17 : memref<!tpu.dma_semaphore, #tpu.memory_space<semaphore_mem>>)
      %dma_wait3A = tpu.memref_slice %arg14[%mul3A_43] : memref<320xi32, #tpu.memory_space<vmem>> -> memref<64xi32, #tpu.memory_space<vmem>>
      %dma_wait3A_47 = arith.constant 0 : i32
      %dma_wait3A_48 = arith.constant 0 : i32
      %dma_wait3A_49 = tpu.memref_slice %arg4[%dma_wait3A_47, %dma_wait3A_48] : memref<10240x128xf32, #tpu.memory_space<hbm>> -> memref<10240x128xf32, #tpu.memory_space<hbm>>
      tpu.wait_indirect_dma semaphore(%arg17 : memref<!tpu.dma_semaphore, #tpu.memory_space<semaphore_mem>>) src(%dma_wait3A_49 : memref<10240x128xf32, #tpu.memory_space<hbm>>) dst(%arg15 : memref<64x128xf32, #tpu.memory_space<vmem>>)
      %mul3A_50 = arith.constant 5 : i32
      %mul3A_51 = arith.muli %add3A, %mul3A_50 : i32
      %mul3A_52 = arith.constant 64 : i32
      %mul3A_53 = arith.muli %mul3A_51, %mul3A_52 : i32
      %mul3A_54 = arith.constant 64 : i32
      %mul3A_55 = arith.muli %scan3A_41, %mul3A_54 : i32
      %add3A_56 = arith.addi %mul3A_53, %mul3A_55 : i32
      "tpu.region"() ({
        %run_scoped3A = tpu.sem_alloc : memref<!tpu.dma_semaphore, #tpu.memory_space<semaphore_mem>>
        %dma_start3A_57 = arith.constant 0 : i32
        %dma_start3A_58 = tpu.memref_slice %arg10[%add3A_56, %dma_start3A_57] : memref<10240x128xf32, #tpu.memory_space<hbm>> -> memref<64x128xf32, #tpu.memory_space<hbm>>
        %dma_start3A_59 = arith.constant 0 : i32
        %dma_start3A_60 = tpu.memref_slice %arg10[%add3A_56, %dma_start3A_59] : memref<10240x128xf32, #tpu.memory_space<hbm>> -> memref<64x128xf32, #tpu.memory_space<hbm>>
        tpu.enqueue_dma source(%arg15 : memref<64x128xf32, #tpu.memory_space<vmem>>) target(%dma_start3A_60 : memref<64x128xf32, #tpu.memory_space<hbm>>) target_semaphore(%run_scoped3A : memref<!tpu.dma_semaphore, #tpu.memory_space<semaphore_mem>>)
        %dma_wait3A_61 = arith.constant 0 : i32
        %dma_wait3A_62 = tpu.memref_slice %arg10[%add3A_56, %dma_wait3A_61] : memref<10240x128xf32, #tpu.memory_space<hbm>> -> memref<64x128xf32, #tpu.memory_space<hbm>>
        %dma_wait3A_63 = arith.constant 0 : i32
        %dma_wait3A_64 = tpu.memref_slice %arg10[%add3A_56, %dma_wait3A_63] : memref<10240x128xf32, #tpu.memory_space<hbm>> -> memref<64x128xf32, #tpu.memory_space<hbm>>
        tpu.wait_dma2 semaphore(%run_scoped3A : memref<!tpu.dma_semaphore, #tpu.memory_space<semaphore_mem>>) src(%arg15 : memref<64x128xf32, #tpu.memory_space<vmem>>) dst(%dma_wait3A_64 : memref<64x128xf32, #tpu.memory_space<hbm>>)
        tpu.yield
      }) : () -> ()
    }
    %scan3A_40 = arith.constant 5 : i32
    return
  }
}

#map = affine_map<(d0, d1) -> (0, 0)>
#map1 = affine_map<(d0, d1) -> (0)>
module attributes {stable_mosaic.version = 14 : i64} {
  func.func @_scatter(%arg0: i32, %arg1: i32, %arg2: memref<10240x128xf32, #tpu.memory_space<hbm>>, %arg3: memref<10240x128xf32, #tpu.memory_space<hbm>>, %arg4: memref<327680xi32, #tpu.memory_space<hbm>>, %arg5: memref<327680xi32, #tpu.memory_space<hbm>>, %arg6: memref<640x128xf32, #tpu.memory_space<hbm>>, %arg7: memref<10240x128xf32, #tpu.memory_space<hbm>>, %arg8: memref<10240x128xf32, #tpu.memory_space<hbm>>, %arg9: memref<2048xi32, #tpu.memory_space<vmem>>, %arg10: memref<2048xi32, #tpu.memory_space<vmem>>, %arg11: memref<128x128xf32, #tpu.memory_space<vmem>>, %arg12: memref<128x128xf32, #tpu.memory_space<vmem>>, %arg13: memref<10240x128xf32, #tpu.memory_space<vmem_shared>>, %arg14: memref<!tpu.dma_semaphore, #tpu.memory_space<semaphore_mem>>, %arg15: memref<!tpu.dma_semaphore, #tpu.memory_space<semaphore_mem>>) attributes {dimension_semantics = [#tpu.dimension_semantics<core_parallel>, #tpu.dimension_semantics<subcore_parallel>], iteration_bounds = array<i64: 2, 16>, scalar_prefetch = 0 : i64, scratch_operands = 7 : i64, tpu.core_type = #tpu.core_type<sc_vector_subcore>, window_params = [{transform_indices = #map}, {transform_indices = #map}, {transform_indices = #map1}, {transform_indices = #map1}, {transform_indices = #map}, {transform_indices = #map}, {transform_indices = #map}]} {
    %mul3A = arith.constant 640 : i32
    %mul3A_0 = arith.muli %arg1, %mul3A : i32
    "tpu.region"() ({
      %run_scoped3A = tpu.sem_alloc : memref<!tpu.dma_semaphore, #tpu.memory_space<semaphore_mem>>
      %dma_start3A = arith.constant 0 : i32
      %dma_start3A_21 = tpu.memref_slice %arg13[%mul3A_0, %dma_start3A] : memref<10240x128xf32, #tpu.memory_space<vmem_shared>> -> memref<640x128xf32, #tpu.memory_space<vmem_shared>>
      tpu.enqueue_dma source(%arg6 : memref<640x128xf32, #tpu.memory_space<hbm>>) target(%dma_start3A_21 : memref<640x128xf32, #tpu.memory_space<vmem_shared>>) target_semaphore(%run_scoped3A : memref<!tpu.dma_semaphore, #tpu.memory_space<semaphore_mem>>)
      %dma_wait3A = arith.constant 0 : i32
      %dma_wait3A_22 = tpu.memref_slice %arg13[%mul3A_0, %dma_wait3A] : memref<10240x128xf32, #tpu.memory_space<vmem_shared>> -> memref<640x128xf32, #tpu.memory_space<vmem_shared>>
      tpu.wait_dma2 semaphore(%run_scoped3A : memref<!tpu.dma_semaphore, #tpu.memory_space<semaphore_mem>>) src(%arg6 : memref<640x128xf32, #tpu.memory_space<hbm>>) dst(%dma_wait3A_22 : memref<640x128xf32, #tpu.memory_space<vmem_shared>>)
      tpu.yield
    }) : () -> ()
    %barrier3A = arith.constant 0 : index
    tpu.barrier barrier_id(%barrier3A)
    %mul3A_1 = arith.constant 20480 : i32
    %mul3A_2 = arith.muli %arg1, %mul3A_1 : i32
    %eq3A = arith.constant 0 : i32
    %eq3A_3 = arith.cmpi eq, %arg0, %eq3A : i32
    %convert_element_type3A = arith.extui %eq3A_3 : i1 to i32
    %cond3A = arith.constant 0 : i32
    %cond3A_4 = arith.cmpi ne, %convert_element_type3A, %cond3A : i32
    scf.if %cond3A_4 {
      %scan3A = arith.constant 0 : i32
      %scan3A_21 = arith.constant 0 : i32
      %scan3A_22 = arith.constant 10 : i32
      %scan3A_23 = arith.addi %scan3A_21, %scan3A_22 : i32
      %scan3A_24 = arith.constant 1 : i32
      scf.for %scan3A_26 = %scan3A_21 to %scan3A_23 step %scan3A_24  : i32 {
        %mul3A_27 = arith.constant 2048 : i32
        %mul3A_28 = arith.muli %scan3A_26, %mul3A_27 : i32
        %add3A = arith.addi %mul3A_2, %mul3A_28 : i32
        "tpu.region"() ({
          %run_scoped3A = tpu.sem_alloc : memref<!tpu.dma_semaphore, #tpu.memory_space<semaphore_mem>>
          %dma_start3A_39 = tpu.memref_slice %arg4[%add3A] : memref<327680xi32, #tpu.memory_space<hbm>> -> memref<2048xi32, #tpu.memory_space<hbm>>
          %dma_start3A_40 = tpu.memref_slice %arg4[%add3A] : memref<327680xi32, #tpu.memory_space<hbm>> -> memref<2048xi32, #tpu.memory_space<hbm>>
          tpu.enqueue_dma source(%dma_start3A_40 : memref<2048xi32, #tpu.memory_space<hbm>>) target(%arg9 : memref<2048xi32, #tpu.memory_space<vmem>>) target_semaphore(%run_scoped3A : memref<!tpu.dma_semaphore, #tpu.memory_space<semaphore_mem>>)
          %dma_wait3A = tpu.memref_slice %arg4[%add3A] : memref<327680xi32, #tpu.memory_space<hbm>> -> memref<2048xi32, #tpu.memory_space<hbm>>
          %dma_wait3A_41 = tpu.memref_slice %arg4[%add3A] : memref<327680xi32, #tpu.memory_space<hbm>> -> memref<2048xi32, #tpu.memory_space<hbm>>
          tpu.wait_dma2 semaphore(%run_scoped3A : memref<!tpu.dma_semaphore, #tpu.memory_space<semaphore_mem>>) src(%dma_wait3A_41 : memref<2048xi32, #tpu.memory_space<hbm>>) dst(%arg9 : memref<2048xi32, #tpu.memory_space<vmem>>)
          tpu.yield
        }) : () -> ()
        "tpu.region"() ({
          %run_scoped3A = tpu.sem_alloc : memref<!tpu.dma_semaphore, #tpu.memory_space<semaphore_mem>>
          %dma_start3A_39 = tpu.memref_slice %arg5[%add3A] : memref<327680xi32, #tpu.memory_space<hbm>> -> memref<2048xi32, #tpu.memory_space<hbm>>
          %dma_start3A_40 = tpu.memref_slice %arg5[%add3A] : memref<327680xi32, #tpu.memory_space<hbm>> -> memref<2048xi32, #tpu.memory_space<hbm>>
          tpu.enqueue_dma source(%dma_start3A_40 : memref<2048xi32, #tpu.memory_space<hbm>>) target(%arg10 : memref<2048xi32, #tpu.memory_space<vmem>>) target_semaphore(%run_scoped3A : memref<!tpu.dma_semaphore, #tpu.memory_space<semaphore_mem>>)
          %dma_wait3A = tpu.memref_slice %arg5[%add3A] : memref<327680xi32, #tpu.memory_space<hbm>> -> memref<2048xi32, #tpu.memory_space<hbm>>
          %dma_wait3A_41 = tpu.memref_slice %arg5[%add3A] : memref<327680xi32, #tpu.memory_space<hbm>> -> memref<2048xi32, #tpu.memory_space<hbm>>
          tpu.wait_dma2 semaphore(%run_scoped3A : memref<!tpu.dma_semaphore, #tpu.memory_space<semaphore_mem>>) src(%dma_wait3A_41 : memref<2048xi32, #tpu.memory_space<hbm>>) dst(%arg10 : memref<2048xi32, #tpu.memory_space<vmem>>)
          tpu.yield
        }) : () -> ()
        %dma_start3A = arith.constant 0 : i32
        %dma_start3A_29 = tpu.memref_slice %arg9[%dma_start3A] : memref<2048xi32, #tpu.memory_space<vmem>> -> memref<128xi32, #tpu.memory_space<vmem>>
        %dma_start3A_30 = arith.constant 0 : i32
        %dma_start3A_31 = arith.constant 0 : i32
        %dma_start3A_32 = tpu.memref_slice %arg2[%dma_start3A_30, %dma_start3A_31] : memref<10240x128xf32, #tpu.memory_space<hbm>> -> memref<10240x128xf32, #tpu.memory_space<hbm>>
        tpu.enqueue_indirect_dma source(%dma_start3A_32 : memref<10240x128xf32, #tpu.memory_space<hbm>>) target(%arg11 : memref<128x128xf32, #tpu.memory_space<vmem>>) offsets(%dma_start3A_29 : memref<128xi32, #tpu.memory_space<vmem>>) semaphore(%arg14 : memref<!tpu.dma_semaphore, #tpu.memory_space<semaphore_mem>>)
        %scan3A_33 = arith.constant 0 : i32
        %scan3A_34 = arith.constant 0 : i32
        %scan3A_35 = arith.constant 8 : i32
        %scan3A_36 = arith.addi %scan3A_34, %scan3A_35 : i32
        %scan3A_37 = arith.constant 1 : i32
        scf.for %scan3A_39 = %scan3A_34 to %scan3A_36 step %scan3A_37  : i32 {
          %mul3A_40 = arith.constant 2 : i32
          %mul3A_41 = arith.muli %mul3A_40, %scan3A_39 : i32
          %add3A_42 = arith.constant 1 : i32
          %add3A_43 = arith.addi %mul3A_41, %add3A_42 : i32
          %mul3A_44 = arith.constant 128 : i32
          %mul3A_45 = arith.muli %add3A_43, %mul3A_44 : i32
          %dma_start3A_46 = tpu.memref_slice %arg9[%mul3A_45] : memref<2048xi32, #tpu.memory_space<vmem>> -> memref<128xi32, #tpu.memory_space<vmem>>
          %dma_start3A_47 = arith.constant 0 : i32
          %dma_start3A_48 = arith.constant 0 : i32
          %dma_start3A_49 = tpu.memref_slice %arg2[%dma_start3A_47, %dma_start3A_48] : memref<10240x128xf32, #tpu.memory_space<hbm>> -> memref<10240x128xf32, #tpu.memory_space<hbm>>
          tpu.enqueue_indirect_dma source(%dma_start3A_49 : memref<10240x128xf32, #tpu.memory_space<hbm>>) target(%arg12 : memref<128x128xf32, #tpu.memory_space<vmem>>) offsets(%dma_start3A_46 : memref<128xi32, #tpu.memory_space<vmem>>) semaphore(%arg15 : memref<!tpu.dma_semaphore, #tpu.memory_space<semaphore_mem>>)
          %dma_wait3A = arith.constant 0 : i32
          %dma_wait3A_50 = arith.constant 0 : i32
          %dma_wait3A_51 = tpu.memref_slice %arg2[%dma_wait3A, %dma_wait3A_50] : memref<10240x128xf32, #tpu.memory_space<hbm>> -> memref<128x128xf32, #tpu.memory_space<hbm>>
          %dma_wait3A_52 = arith.constant 0 : i32
          %dma_wait3A_53 = arith.constant 0 : i32
          %dma_wait3A_54 = tpu.memref_slice %arg2[%dma_wait3A_52, %dma_wait3A_53] : memref<10240x128xf32, #tpu.memory_space<hbm>> -> memref<128x128xf32, #tpu.memory_space<hbm>>
          tpu.wait_dma2 semaphore(%arg14 : memref<!tpu.dma_semaphore, #tpu.memory_space<semaphore_mem>>) src(%dma_wait3A_54 : memref<128x128xf32, #tpu.memory_space<hbm>>) dst(%arg11 : memref<128x128xf32, #tpu.memory_space<vmem>>)
          %mul3A_55 = arith.constant 128 : i32
          %mul3A_56 = arith.muli %mul3A_41, %mul3A_55 : i32
          "tpu.region"() ({
            %run_scoped3A = tpu.sem_alloc : memref<!tpu.dma_semaphore, #tpu.memory_space<semaphore_mem>>
            %dma_start3A_71 = tpu.memref_slice %arg10[%mul3A_56] : memref<2048xi32, #tpu.memory_space<vmem>> -> memref<128xi32, #tpu.memory_space<vmem>>
            %dma_start3A_72 = arith.constant 0 : i32
            %dma_start3A_73 = arith.constant 0 : i32
            %dma_start3A_74 = tpu.memref_slice %arg13[%dma_start3A_72, %dma_start3A_73] : memref<10240x128xf32, #tpu.memory_space<vmem_shared>> -> memref<10240x128xf32, #tpu.memory_space<vmem_shared>>
            tpu.enqueue_indirect_dma source(%arg11 : memref<128x128xf32, #tpu.memory_space<vmem>>) target(%dma_start3A_74 : memref<10240x128xf32, #tpu.memory_space<vmem_shared>>) offsets(%dma_start3A_71 : memref<128xi32, #tpu.memory_space<vmem>>) semaphore(%run_scoped3A : memref<!tpu.dma_semaphore, #tpu.memory_space<semaphore_mem>>) {add = true}
            %dma_wait3A_75 = tpu.memref_slice %arg10[%mul3A_56] : memref<2048xi32, #tpu.memory_space<vmem>> -> memref<128xi32, #tpu.memory_space<vmem>>
            %dma_wait3A_76 = arith.constant 0 : i32
            %dma_wait3A_77 = arith.constant 0 : i32
            %dma_wait3A_78 = tpu.memref_slice %arg13[%dma_wait3A_76, %dma_wait3A_77] : memref<10240x128xf32, #tpu.memory_space<vmem_shared>> -> memref<10240x128xf32, #tpu.memory_space<vmem_shared>>
            tpu.wait_indirect_dma semaphore(%run_scoped3A : memref<!tpu.dma_semaphore, #tpu.memory_space<semaphore_mem>>) src(%arg11 : memref<128x128xf32, #tpu.memory_space<vmem>>) dst(%dma_wait3A_78 : memref<10240x128xf32, #tpu.memory_space<vmem_shared>>)
            tpu.yield
          }) : () -> ()
          %lt3A = arith.constant 7 : i32
          %lt3A_57 = arith.cmpi slt, %scan3A_39, %lt3A : i32
          %convert_element_type3A_58 = arith.extui %lt3A_57 : i1 to i32
          %cond3A_59 = arith.constant 0 : i32
          %cond3A_60 = arith.cmpi ne, %convert_element_type3A_58, %cond3A_59 : i32
          scf.if %cond3A_60 {
            %add3A_71 = arith.constant 2 : i32
            %add3A_72 = arith.addi %mul3A_41, %add3A_71 : i32
            %mul3A_73 = arith.constant 128 : i32
            %mul3A_74 = arith.muli %add3A_72, %mul3A_73 : i32
            %dma_start3A_75 = tpu.memref_slice %arg9[%mul3A_74] : memref<2048xi32, #tpu.memory_space<vmem>> -> memref<128xi32, #tpu.memory_space<vmem>>
            %dma_start3A_76 = arith.constant 0 : i32
            %dma_start3A_77 = arith.constant 0 : i32
            %dma_start3A_78 = tpu.memref_slice %arg2[%dma_start3A_76, %dma_start3A_77] : memref<10240x128xf32, #tpu.memory_space<hbm>> -> memref<10240x128xf32, #tpu.memory_space<hbm>>
            tpu.enqueue_indirect_dma source(%dma_start3A_78 : memref<10240x128xf32, #tpu.memory_space<hbm>>) target(%arg11 : memref<128x128xf32, #tpu.memory_space<vmem>>) offsets(%dma_start3A_75 : memref<128xi32, #tpu.memory_space<vmem>>) semaphore(%arg14 : memref<!tpu.dma_semaphore, #tpu.memory_space<semaphore_mem>>)
          } else {
          }
          %dma_wait3A_61 = arith.constant 0 : i32
          %dma_wait3A_62 = arith.constant 0 : i32
          %dma_wait3A_63 = tpu.memref_slice %arg2[%dma_wait3A_61, %dma_wait3A_62] : memref<10240x128xf32, #tpu.memory_space<hbm>> -> memref<128x128xf32, #tpu.memory_space<hbm>>
          %dma_wait3A_64 = arith.constant 0 : i32
          %dma_wait3A_65 = arith.constant 0 : i32
          %dma_wait3A_66 = tpu.memref_slice %arg2[%dma_wait3A_64, %dma_wait3A_65] : memref<10240x128xf32, #tpu.memory_space<hbm>> -> memref<128x128xf32, #tpu.memory_space<hbm>>
          tpu.wait_dma2 semaphore(%arg15 : memref<!tpu.dma_semaphore, #tpu.memory_space<semaphore_mem>>) src(%dma_wait3A_66 : memref<128x128xf32, #tpu.memory_space<hbm>>) dst(%arg12 : memref<128x128xf32, #tpu.memory_space<vmem>>)
          %add3A_67 = arith.constant 1 : i32
          %add3A_68 = arith.addi %mul3A_41, %add3A_67 : i32
          %mul3A_69 = arith.constant 128 : i32
          %mul3A_70 = arith.muli %add3A_68, %mul3A_69 : i32
          "tpu.region"() ({
            %run_scoped3A = tpu.sem_alloc : memref<!tpu.dma_semaphore, #tpu.memory_space<semaphore_mem>>
            %dma_start3A_71 = tpu.memref_slice %arg10[%mul3A_70] : memref<2048xi32, #tpu.memory_space<vmem>> -> memref<128xi32, #tpu.memory_space<vmem>>
            %dma_start3A_72 = arith.constant 0 : i32
            %dma_start3A_73 = arith.constant 0 : i32
            %dma_start3A_74 = tpu.memref_slice %arg13[%dma_start3A_72, %dma_start3A_73] : memref<10240x128xf32, #tpu.memory_space<vmem_shared>> -> memref<10240x128xf32, #tpu.memory_space<vmem_shared>>
            tpu.enqueue_indirect_dma source(%arg12 : memref<128x128xf32, #tpu.memory_space<vmem>>) target(%dma_start3A_74 : memref<10240x128xf32, #tpu.memory_space<vmem_shared>>) offsets(%dma_start3A_71 : memref<128xi32, #tpu.memory_space<vmem>>) semaphore(%run_scoped3A : memref<!tpu.dma_semaphore, #tpu.memory_space<semaphore_mem>>) {add = true}
            %dma_wait3A_75 = tpu.memref_slice %arg10[%mul3A_70] : memref<2048xi32, #tpu.memory_space<vmem>> -> memref<128xi32, #tpu.memory_space<vmem>>
            %dma_wait3A_76 = arith.constant 0 : i32
            %dma_wait3A_77 = arith.constant 0 : i32
            %dma_wait3A_78 = tpu.memref_slice %arg13[%dma_wait3A_76, %dma_wait3A_77] : memref<10240x128xf32, #tpu.memory_space<vmem_shared>> -> memref<10240x128xf32, #tpu.memory_space<vmem_shared>>
            tpu.wait_indirect_dma semaphore(%run_scoped3A : memref<!tpu.dma_semaphore, #tpu.memory_space<semaphore_mem>>) src(%arg12 : memref<128x128xf32, #tpu.memory_space<vmem>>) dst(%dma_wait3A_78 : memref<10240x128xf32, #tpu.memory_space<vmem_shared>>)
            tpu.yield
          }) : () -> ()
        }
        %scan3A_38 = arith.constant 8 : i32
      }
      %scan3A_25 = arith.constant 10 : i32
    } else {
    }
    %eq3A_5 = arith.constant 1 : i32
    %eq3A_6 = arith.cmpi eq, %arg0, %eq3A_5 : i32
    %convert_element_type3A_7 = arith.extui %eq3A_6 : i1 to i32
    %cond3A_8 = arith.constant 0 : i32
    %cond3A_9 = arith.cmpi ne, %convert_element_type3A_7, %cond3A_8 : i32
    scf.if %cond3A_9 {
      %scan3A = arith.constant 0 : i32
      %scan3A_21 = arith.constant 0 : i32
      %scan3A_22 = arith.constant 10 : i32
      %scan3A_23 = arith.addi %scan3A_21, %scan3A_22 : i32
      %scan3A_24 = arith.constant 1 : i32
      scf.for %scan3A_26 = %scan3A_21 to %scan3A_23 step %scan3A_24  : i32 {
        %mul3A_27 = arith.constant 2048 : i32
        %mul3A_28 = arith.muli %scan3A_26, %mul3A_27 : i32
        %add3A = arith.addi %mul3A_2, %mul3A_28 : i32
        "tpu.region"() ({
          %run_scoped3A = tpu.sem_alloc : memref<!tpu.dma_semaphore, #tpu.memory_space<semaphore_mem>>
          %dma_start3A_39 = tpu.memref_slice %arg4[%add3A] : memref<327680xi32, #tpu.memory_space<hbm>> -> memref<2048xi32, #tpu.memory_space<hbm>>
          %dma_start3A_40 = tpu.memref_slice %arg4[%add3A] : memref<327680xi32, #tpu.memory_space<hbm>> -> memref<2048xi32, #tpu.memory_space<hbm>>
          tpu.enqueue_dma source(%dma_start3A_40 : memref<2048xi32, #tpu.memory_space<hbm>>) target(%arg9 : memref<2048xi32, #tpu.memory_space<vmem>>) target_semaphore(%run_scoped3A : memref<!tpu.dma_semaphore, #tpu.memory_space<semaphore_mem>>)
          %dma_wait3A = tpu.memref_slice %arg4[%add3A] : memref<327680xi32, #tpu.memory_space<hbm>> -> memref<2048xi32, #tpu.memory_space<hbm>>
          %dma_wait3A_41 = tpu.memref_slice %arg4[%add3A] : memref<327680xi32, #tpu.memory_space<hbm>> -> memref<2048xi32, #tpu.memory_space<hbm>>
          tpu.wait_dma2 semaphore(%run_scoped3A : memref<!tpu.dma_semaphore, #tpu.memory_space<semaphore_mem>>) src(%dma_wait3A_41 : memref<2048xi32, #tpu.memory_space<hbm>>) dst(%arg9 : memref<2048xi32, #tpu.memory_space<vmem>>)
          tpu.yield
        }) : () -> ()
        "tpu.region"() ({
          %run_scoped3A = tpu.sem_alloc : memref<!tpu.dma_semaphore, #tpu.memory_space<semaphore_mem>>
          %dma_start3A_39 = tpu.memref_slice %arg5[%add3A] : memref<327680xi32, #tpu.memory_space<hbm>> -> memref<2048xi32, #tpu.memory_space<hbm>>
          %dma_start3A_40 = tpu.memref_slice %arg5[%add3A] : memref<327680xi32, #tpu.memory_space<hbm>> -> memref<2048xi32, #tpu.memory_space<hbm>>
          tpu.enqueue_dma source(%dma_start3A_40 : memref<2048xi32, #tpu.memory_space<hbm>>) target(%arg10 : memref<2048xi32, #tpu.memory_space<vmem>>) target_semaphore(%run_scoped3A : memref<!tpu.dma_semaphore, #tpu.memory_space<semaphore_mem>>)
          %dma_wait3A = tpu.memref_slice %arg5[%add3A] : memref<327680xi32, #tpu.memory_space<hbm>> -> memref<2048xi32, #tpu.memory_space<hbm>>
          %dma_wait3A_41 = tpu.memref_slice %arg5[%add3A] : memref<327680xi32, #tpu.memory_space<hbm>> -> memref<2048xi32, #tpu.memory_space<hbm>>
          tpu.wait_dma2 semaphore(%run_scoped3A : memref<!tpu.dma_semaphore, #tpu.memory_space<semaphore_mem>>) src(%dma_wait3A_41 : memref<2048xi32, #tpu.memory_space<hbm>>) dst(%arg10 : memref<2048xi32, #tpu.memory_space<vmem>>)
          tpu.yield
        }) : () -> ()
        %dma_start3A = arith.constant 0 : i32
        %dma_start3A_29 = tpu.memref_slice %arg9[%dma_start3A] : memref<2048xi32, #tpu.memory_space<vmem>> -> memref<128xi32, #tpu.memory_space<vmem>>
        %dma_start3A_30 = arith.constant 0 : i32
        %dma_start3A_31 = arith.constant 0 : i32
        %dma_start3A_32 = tpu.memref_slice %arg3[%dma_start3A_30, %dma_start3A_31] : memref<10240x128xf32, #tpu.memory_space<hbm>> -> memref<10240x128xf32, #tpu.memory_space<hbm>>
        tpu.enqueue_indirect_dma source(%dma_start3A_32 : memref<10240x128xf32, #tpu.memory_space<hbm>>) target(%arg11 : memref<128x128xf32, #tpu.memory_space<vmem>>) offsets(%dma_start3A_29 : memref<128xi32, #tpu.memory_space<vmem>>) semaphore(%arg14 : memref<!tpu.dma_semaphore, #tpu.memory_space<semaphore_mem>>)
        %scan3A_33 = arith.constant 0 : i32
        %scan3A_34 = arith.constant 0 : i32
        %scan3A_35 = arith.constant 8 : i32
        %scan3A_36 = arith.addi %scan3A_34, %scan3A_35 : i32
        %scan3A_37 = arith.constant 1 : i32
        scf.for %scan3A_39 = %scan3A_34 to %scan3A_36 step %scan3A_37  : i32 {
          %mul3A_40 = arith.constant 2 : i32
          %mul3A_41 = arith.muli %mul3A_40, %scan3A_39 : i32
          %add3A_42 = arith.constant 1 : i32
          %add3A_43 = arith.addi %mul3A_41, %add3A_42 : i32
          %mul3A_44 = arith.constant 128 : i32
          %mul3A_45 = arith.muli %add3A_43, %mul3A_44 : i32
          %dma_start3A_46 = tpu.memref_slice %arg9[%mul3A_45] : memref<2048xi32, #tpu.memory_space<vmem>> -> memref<128xi32, #tpu.memory_space<vmem>>
          %dma_start3A_47 = arith.constant 0 : i32
          %dma_start3A_48 = arith.constant 0 : i32
          %dma_start3A_49 = tpu.memref_slice %arg3[%dma_start3A_47, %dma_start3A_48] : memref<10240x128xf32, #tpu.memory_space<hbm>> -> memref<10240x128xf32, #tpu.memory_space<hbm>>
          tpu.enqueue_indirect_dma source(%dma_start3A_49 : memref<10240x128xf32, #tpu.memory_space<hbm>>) target(%arg12 : memref<128x128xf32, #tpu.memory_space<vmem>>) offsets(%dma_start3A_46 : memref<128xi32, #tpu.memory_space<vmem>>) semaphore(%arg15 : memref<!tpu.dma_semaphore, #tpu.memory_space<semaphore_mem>>)
          %dma_wait3A = arith.constant 0 : i32
          %dma_wait3A_50 = arith.constant 0 : i32
          %dma_wait3A_51 = tpu.memref_slice %arg3[%dma_wait3A, %dma_wait3A_50] : memref<10240x128xf32, #tpu.memory_space<hbm>> -> memref<128x128xf32, #tpu.memory_space<hbm>>
          %dma_wait3A_52 = arith.constant 0 : i32
          %dma_wait3A_53 = arith.constant 0 : i32
          %dma_wait3A_54 = tpu.memref_slice %arg3[%dma_wait3A_52, %dma_wait3A_53] : memref<10240x128xf32, #tpu.memory_space<hbm>> -> memref<128x128xf32, #tpu.memory_space<hbm>>
          tpu.wait_dma2 semaphore(%arg14 : memref<!tpu.dma_semaphore, #tpu.memory_space<semaphore_mem>>) src(%dma_wait3A_54 : memref<128x128xf32, #tpu.memory_space<hbm>>) dst(%arg11 : memref<128x128xf32, #tpu.memory_space<vmem>>)
          %mul3A_55 = arith.constant 128 : i32
          %mul3A_56 = arith.muli %mul3A_41, %mul3A_55 : i32
          "tpu.region"() ({
            %run_scoped3A = tpu.sem_alloc : memref<!tpu.dma_semaphore, #tpu.memory_space<semaphore_mem>>
            %dma_start3A_71 = tpu.memref_slice %arg10[%mul3A_56] : memref<2048xi32, #tpu.memory_space<vmem>> -> memref<128xi32, #tpu.memory_space<vmem>>
            %dma_start3A_72 = arith.constant 0 : i32
            %dma_start3A_73 = arith.constant 0 : i32
            %dma_start3A_74 = tpu.memref_slice %arg13[%dma_start3A_72, %dma_start3A_73] : memref<10240x128xf32, #tpu.memory_space<vmem_shared>> -> memref<10240x128xf32, #tpu.memory_space<vmem_shared>>
            tpu.enqueue_indirect_dma source(%arg11 : memref<128x128xf32, #tpu.memory_space<vmem>>) target(%dma_start3A_74 : memref<10240x128xf32, #tpu.memory_space<vmem_shared>>) offsets(%dma_start3A_71 : memref<128xi32, #tpu.memory_space<vmem>>) semaphore(%run_scoped3A : memref<!tpu.dma_semaphore, #tpu.memory_space<semaphore_mem>>) {add = true}
            %dma_wait3A_75 = tpu.memref_slice %arg10[%mul3A_56] : memref<2048xi32, #tpu.memory_space<vmem>> -> memref<128xi32, #tpu.memory_space<vmem>>
            %dma_wait3A_76 = arith.constant 0 : i32
            %dma_wait3A_77 = arith.constant 0 : i32
            %dma_wait3A_78 = tpu.memref_slice %arg13[%dma_wait3A_76, %dma_wait3A_77] : memref<10240x128xf32, #tpu.memory_space<vmem_shared>> -> memref<10240x128xf32, #tpu.memory_space<vmem_shared>>
            tpu.wait_indirect_dma semaphore(%run_scoped3A : memref<!tpu.dma_semaphore, #tpu.memory_space<semaphore_mem>>) src(%arg11 : memref<128x128xf32, #tpu.memory_space<vmem>>) dst(%dma_wait3A_78 : memref<10240x128xf32, #tpu.memory_space<vmem_shared>>)
            tpu.yield
          }) : () -> ()
          %lt3A = arith.constant 7 : i32
          %lt3A_57 = arith.cmpi slt, %scan3A_39, %lt3A : i32
          %convert_element_type3A_58 = arith.extui %lt3A_57 : i1 to i32
          %cond3A_59 = arith.constant 0 : i32
          %cond3A_60 = arith.cmpi ne, %convert_element_type3A_58, %cond3A_59 : i32
          scf.if %cond3A_60 {
            %add3A_71 = arith.constant 2 : i32
            %add3A_72 = arith.addi %mul3A_41, %add3A_71 : i32
            %mul3A_73 = arith.constant 128 : i32
            %mul3A_74 = arith.muli %add3A_72, %mul3A_73 : i32
            %dma_start3A_75 = tpu.memref_slice %arg9[%mul3A_74] : memref<2048xi32, #tpu.memory_space<vmem>> -> memref<128xi32, #tpu.memory_space<vmem>>
            %dma_start3A_76 = arith.constant 0 : i32
            %dma_start3A_77 = arith.constant 0 : i32
            %dma_start3A_78 = tpu.memref_slice %arg3[%dma_start3A_76, %dma_start3A_77] : memref<10240x128xf32, #tpu.memory_space<hbm>> -> memref<10240x128xf32, #tpu.memory_space<hbm>>
            tpu.enqueue_indirect_dma source(%dma_start3A_78 : memref<10240x128xf32, #tpu.memory_space<hbm>>) target(%arg11 : memref<128x128xf32, #tpu.memory_space<vmem>>) offsets(%dma_start3A_75 : memref<128xi32, #tpu.memory_space<vmem>>) semaphore(%arg14 : memref<!tpu.dma_semaphore, #tpu.memory_space<semaphore_mem>>)
          } else {
          }
          %dma_wait3A_61 = arith.constant 0 : i32
          %dma_wait3A_62 = arith.constant 0 : i32
          %dma_wait3A_63 = tpu.memref_slice %arg3[%dma_wait3A_61, %dma_wait3A_62] : memref<10240x128xf32, #tpu.memory_space<hbm>> -> memref<128x128xf32, #tpu.memory_space<hbm>>
          %dma_wait3A_64 = arith.constant 0 : i32
          %dma_wait3A_65 = arith.constant 0 : i32
          %dma_wait3A_66 = tpu.memref_slice %arg3[%dma_wait3A_64, %dma_wait3A_65] : memref<10240x128xf32, #tpu.memory_space<hbm>> -> memref<128x128xf32, #tpu.memory_space<hbm>>
          tpu.wait_dma2 semaphore(%arg15 : memref<!tpu.dma_semaphore, #tpu.memory_space<semaphore_mem>>) src(%dma_wait3A_66 : memref<128x128xf32, #tpu.memory_space<hbm>>) dst(%arg12 : memref<128x128xf32, #tpu.memory_space<vmem>>)
          %add3A_67 = arith.constant 1 : i32
          %add3A_68 = arith.addi %mul3A_41, %add3A_67 : i32
          %mul3A_69 = arith.constant 128 : i32
          %mul3A_70 = arith.muli %add3A_68, %mul3A_69 : i32
          "tpu.region"() ({
            %run_scoped3A = tpu.sem_alloc : memref<!tpu.dma_semaphore, #tpu.memory_space<semaphore_mem>>
            %dma_start3A_71 = tpu.memref_slice %arg10[%mul3A_70] : memref<2048xi32, #tpu.memory_space<vmem>> -> memref<128xi32, #tpu.memory_space<vmem>>
            %dma_start3A_72 = arith.constant 0 : i32
            %dma_start3A_73 = arith.constant 0 : i32
            %dma_start3A_74 = tpu.memref_slice %arg13[%dma_start3A_72, %dma_start3A_73] : memref<10240x128xf32, #tpu.memory_space<vmem_shared>> -> memref<10240x128xf32, #tpu.memory_space<vmem_shared>>
            tpu.enqueue_indirect_dma source(%arg12 : memref<128x128xf32, #tpu.memory_space<vmem>>) target(%dma_start3A_74 : memref<10240x128xf32, #tpu.memory_space<vmem_shared>>) offsets(%dma_start3A_71 : memref<128xi32, #tpu.memory_space<vmem>>) semaphore(%run_scoped3A : memref<!tpu.dma_semaphore, #tpu.memory_space<semaphore_mem>>) {add = true}
            %dma_wait3A_75 = tpu.memref_slice %arg10[%mul3A_70] : memref<2048xi32, #tpu.memory_space<vmem>> -> memref<128xi32, #tpu.memory_space<vmem>>
            %dma_wait3A_76 = arith.constant 0 : i32
            %dma_wait3A_77 = arith.constant 0 : i32
            %dma_wait3A_78 = tpu.memref_slice %arg13[%dma_wait3A_76, %dma_wait3A_77] : memref<10240x128xf32, #tpu.memory_space<vmem_shared>> -> memref<10240x128xf32, #tpu.memory_space<vmem_shared>>
            tpu.wait_indirect_dma semaphore(%run_scoped3A : memref<!tpu.dma_semaphore, #tpu.memory_space<semaphore_mem>>) src(%arg12 : memref<128x128xf32, #tpu.memory_space<vmem>>) dst(%dma_wait3A_78 : memref<10240x128xf32, #tpu.memory_space<vmem_shared>>)
            tpu.yield
          }) : () -> ()
        }
        %scan3A_38 = arith.constant 8 : i32
      }
      %scan3A_25 = arith.constant 10 : i32
    } else {
    }
    %barrier3A_10 = arith.constant 0 : index
    tpu.barrier barrier_id(%barrier3A_10)
    %eq3A_11 = arith.constant 0 : i32
    %eq3A_12 = arith.cmpi eq, %arg0, %eq3A_11 : i32
    %convert_element_type3A_13 = arith.extui %eq3A_12 : i1 to i32
    %cond3A_14 = arith.constant 0 : i32
    %cond3A_15 = arith.cmpi ne, %convert_element_type3A_13, %cond3A_14 : i32
    scf.if %cond3A_15 {
      "tpu.region"() ({
        %run_scoped3A = tpu.sem_alloc : memref<!tpu.dma_semaphore, #tpu.memory_space<semaphore_mem>>
        %dma_start3A = arith.constant 0 : i32
        %dma_start3A_21 = tpu.memref_slice %arg7[%mul3A_0, %dma_start3A] : memref<10240x128xf32, #tpu.memory_space<hbm>> -> memref<640x128xf32, #tpu.memory_space<hbm>>
        %dma_start3A_22 = arith.constant 0 : i32
        %dma_start3A_23 = tpu.memref_slice %arg13[%mul3A_0, %dma_start3A_22] : memref<10240x128xf32, #tpu.memory_space<vmem_shared>> -> memref<640x128xf32, #tpu.memory_space<vmem_shared>>
        tpu.enqueue_dma source(%dma_start3A_23 : memref<640x128xf32, #tpu.memory_space<vmem_shared>>) target(%dma_start3A_21 : memref<640x128xf32, #tpu.memory_space<hbm>>) target_semaphore(%run_scoped3A : memref<!tpu.dma_semaphore, #tpu.memory_space<semaphore_mem>>)
        %dma_wait3A = arith.constant 0 : i32
        %dma_wait3A_24 = tpu.memref_slice %arg7[%mul3A_0, %dma_wait3A] : memref<10240x128xf32, #tpu.memory_space<hbm>> -> memref<640x128xf32, #tpu.memory_space<hbm>>
        %dma_wait3A_25 = arith.constant 0 : i32
        %dma_wait3A_26 = tpu.memref_slice %arg13[%mul3A_0, %dma_wait3A_25] : memref<10240x128xf32, #tpu.memory_space<vmem_shared>> -> memref<640x128xf32, #tpu.memory_space<vmem_shared>>
        tpu.wait_dma2 semaphore(%run_scoped3A : memref<!tpu.dma_semaphore, #tpu.memory_space<semaphore_mem>>) src(%dma_wait3A_26 : memref<640x128xf32, #tpu.memory_space<vmem_shared>>) dst(%dma_wait3A_24 : memref<640x128xf32, #tpu.memory_space<hbm>>)
        tpu.yield
      }) : () -> ()
    } else {
    }
    %eq3A_16 = arith.constant 1 : i32
    %eq3A_17 = arith.cmpi eq, %arg0, %eq3A_16 : i32
    %convert_element_type3A_18 = arith.extui %eq3A_17 : i1 to i32
    %cond3A_19 = arith.constant 0 : i32
    %cond3A_20 = arith.cmpi ne, %convert_element_type3A_18, %cond3A_19 : i32
    scf.if %cond3A_20 {
      "tpu.region"() ({
        %run_scoped3A = tpu.sem_alloc : memref<!tpu.dma_semaphore, #tpu.memory_space<semaphore_mem>>
        %dma_start3A = arith.constant 0 : i32
        %dma_start3A_21 = tpu.memref_slice %arg8[%mul3A_0, %dma_start3A] : memref<10240x128xf32, #tpu.memory_space<hbm>> -> memref<640x128xf32, #tpu.memory_space<hbm>>
        %dma_start3A_22 = arith.constant 0 : i32
        %dma_start3A_23 = tpu.memref_slice %arg13[%mul3A_0, %dma_start3A_22] : memref<10240x128xf32, #tpu.memory_space<vmem_shared>> -> memref<640x128xf32, #tpu.memory_space<vmem_shared>>
        tpu.enqueue_dma source(%dma_start3A_23 : memref<640x128xf32, #tpu.memory_space<vmem_shared>>) target(%dma_start3A_21 : memref<640x128xf32, #tpu.memory_space<hbm>>) target_semaphore(%run_scoped3A : memref<!tpu.dma_semaphore, #tpu.memory_space<semaphore_mem>>)
        %dma_wait3A = arith.constant 0 : i32
        %dma_wait3A_24 = tpu.memref_slice %arg8[%mul3A_0, %dma_wait3A] : memref<10240x128xf32, #tpu.memory_space<hbm>> -> memref<640x128xf32, #tpu.memory_space<hbm>>
        %dma_wait3A_25 = arith.constant 0 : i32
        %dma_wait3A_26 = tpu.memref_slice %arg13[%mul3A_0, %dma_wait3A_25] : memref<10240x128xf32, #tpu.memory_space<vmem_shared>> -> memref<640x128xf32, #tpu.memory_space<vmem_shared>>
        tpu.wait_dma2 semaphore(%run_scoped3A : memref<!tpu.dma_semaphore, #tpu.memory_space<semaphore_mem>>) src(%dma_wait3A_26 : memref<640x128xf32, #tpu.memory_space<vmem_shared>>) dst(%dma_wait3A_24 : memref<640x128xf32, #tpu.memory_space<hbm>>)
        tpu.yield
      }) : () -> ()
    } else {
    }
    return
  }
}

module attributes {stable_mosaic.version = 14 : i64} {
  func.func @_tc1_body(%arg0: i32, %arg1: memref<2560x128xf32, #tpu.memory_space<vmem>>, %arg2: memref<2560x128xf32, #tpu.memory_space<vmem>>, %arg3: memref<2560x1xf32, #tpu.memory_space<vmem>>, %arg4: memref<128x128xf32, #tpu.memory_space<vmem>>, %arg5: memref<2560x128xf32, #tpu.memory_space<vmem>>, %arg6: memref<2560x128xf32, #tpu.memory_space<vmem>>) attributes {dimension_semantics = [#tpu.dimension_semantics<arbitrary>], iteration_bounds = array<i64: 4>, scalar_prefetch = 0 : i64, scratch_operands = 0 : i64, tpu.core_type = #tpu.core_type<tc>, window_params = [{transform_indices = @transform_0, window_bounds = array<i64: 2560, 128>}, {transform_indices = @transform_1, window_bounds = array<i64: 2560, 128>}, {transform_indices = @transform_2, window_bounds = array<i64: 2560, 1>}, {pipeline_mode = #tpu.pipeline_mode<synchronous>, transform_indices = @transform_3, window_bounds = array<i64: 128, 128>}, {transform_indices = @transform_4, window_bounds = array<i64: 2560, 128>}, {transform_indices = @transform_5, window_bounds = array<i64: 2560, 128>}]} {
    %get3A = arith.constant 0 : index
    %get3A_0 = arith.constant 0 : index
    %get3A_1 = vector.load %arg3[%get3A, %get3A_0] : memref<2560x1xf32, #tpu.memory_space<vmem>>, vector<2560x1xf32>
    %max3A = arith.constant 1.000000e+00 : f32
    %max3A_2 = vector.broadcast %max3A : f32 to vector<2560x1xf32>
    %max3A_3 = arith.maximumf %get3A_1, %max3A_2 : vector<2560x1xf32>
    %rsqrt3A = math.rsqrt %max3A_3 : vector<2560x1xf32>
    %get3A_4 = arith.constant 0 : index
    %get3A_5 = arith.constant 0 : index
    %get3A_6 = vector.load %arg4[%get3A_4, %get3A_5] : memref<128x128xf32, #tpu.memory_space<vmem>>, vector<128x128xf32>
    %get3A_7 = arith.constant 0 : index
    %get3A_8 = arith.constant 0 : index
    %get3A_9 = vector.load %arg1[%get3A_7, %get3A_8] : memref<2560x128xf32, #tpu.memory_space<vmem>>, vector<2560x128xf32>
    %mul3A = vector.broadcast %rsqrt3A : vector<2560x1xf32> to vector<2560x128xf32>
    %mul3A_10 = arith.mulf %get3A_9, %mul3A : vector<2560x128xf32>
    %dot_general3A = arith.constant dense<0.000000e+00> : vector<2560x128xf32>
    %dot_general3A_11 = tpu.matmul %mul3A_10, %get3A_6, %dot_general3A {dimension_numbers = #tpu.dot_dimension_numbers<[1], [0], [0], [1], [0, 0, 1, 1], [], []>, transpose_lhs_hint = false} : vector<2560x128xf32>, vector<128x128xf32>, vector<2560x128xf32> -> vector<2560x128xf32>
    %swap3A = arith.constant 0 : index
    %swap3A_12 = arith.constant 0 : index
    %swap3A_13 = vector.load %arg5[%swap3A, %swap3A_12] : memref<2560x128xf32, #tpu.memory_space<vmem>>, vector<2560x128xf32>
    tpu.vector_store %arg5[%swap3A, %swap3A_12], %dot_general3A_11 {strides = array<i32>} : memref<2560x128xf32, #tpu.memory_space<vmem>>, vector<2560x128xf32>,
    %get3A_14 = arith.constant 0 : index
    %get3A_15 = arith.constant 0 : index
    %get3A_16 = vector.load %arg2[%get3A_14, %get3A_15] : memref<2560x128xf32, #tpu.memory_space<vmem>>, vector<2560x128xf32>
    %mul3A_17 = vector.broadcast %rsqrt3A : vector<2560x1xf32> to vector<2560x128xf32>
    %mul3A_18 = arith.mulf %get3A_16, %mul3A_17 : vector<2560x128xf32>
    %dot_general3A_19 = arith.constant dense<0.000000e+00> : vector<2560x128xf32>
    %dot_general3A_20 = tpu.matmul %mul3A_18, %get3A_6, %dot_general3A_19 {dimension_numbers = #tpu.dot_dimension_numbers<[1], [0], [0], [1], [0, 0, 1, 1], [], []>, transpose_lhs_hint = false} : vector<2560x128xf32>, vector<128x128xf32>, vector<2560x128xf32> -> vector<2560x128xf32>
    %swap3A_21 = arith.constant 0 : index
    %swap3A_22 = arith.constant 0 : index
    %swap3A_23 = vector.load %arg6[%swap3A_21, %swap3A_22] : memref<2560x128xf32, #tpu.memory_space<vmem>>, vector<2560x128xf32>
    tpu.vector_store %arg6[%swap3A_21, %swap3A_22], %dot_general3A_20 {strides = array<i32>} : memref<2560x128xf32, #tpu.memory_space<vmem>>, vector<2560x128xf32>,
    return
  }
  func.func @transform_0(%arg0: i32) -> (i32, i32) {
    %c0_i32 = arith.constant 0 : i32
    %c0_i32_0 = arith.constant 0 : i32
    return %arg0, %c0_i32 : i32, i32
  }
  func.func @transform_1(%arg0: i32) -> (i32, i32) {
    %c0_i32 = arith.constant 0 : i32
    %c0_i32_0 = arith.constant 0 : i32
    return %arg0, %c0_i32 : i32, i32
  }
  func.func @transform_2(%arg0: i32) -> (i32, i32) {
    %c0_i32 = arith.constant 0 : i32
    %c0_i32_0 = arith.constant 0 : i32
    return %arg0, %c0_i32 : i32, i32
  }
  func.func @transform_3(%arg0: i32) -> (i32, i32) {
    %c0_i32 = arith.constant 0 : i32
    %c0_i32_0 = arith.constant 0 : i32
    %c0_i32_1 = arith.constant 0 : i32
    return %c0_i32, %c0_i32_0 : i32, i32
  }
  func.func @transform_4(%arg0: i32) -> (i32, i32) {
    %c0_i32 = arith.constant 0 : i32
    %c0_i32_0 = arith.constant 0 : i32
    return %arg0, %c0_i32 : i32, i32
  }
  func.func @transform_5(%arg0: i32) -> (i32, i32) {
    %c0_i32 = arith.constant 0 : i32
    %c0_i32_0 = arith.constant 0 : i32
    return %arg0, %c0_i32 : i32, i32
  }
}

module attributes {stable_mosaic.version = 14 : i64} {
  func.func @_tc2_body(%arg0: i32, %arg1: memref<2560x128xf32, #tpu.memory_space<vmem>>, %arg2: memref<2560x128xf32, #tpu.memory_space<vmem>>, %arg3: memref<2560x1xf32, #tpu.memory_space<vmem>>, %arg4: memref<2560x1xf32, #tpu.memory_space<vmem>>, %arg5: memref<1x128xf32, #tpu.memory_space<vmem>>, %arg6: memref<1x128xf32, #tpu.memory_space<vmem>>, %arg7: memref<128x128xf32, #tpu.memory_space<vmem>>, %arg8: memref<2560x128xf32, #tpu.memory_space<vmem>>, %arg9: memref<2560x128xf32, #tpu.memory_space<vmem>>) attributes {dimension_semantics = [#tpu.dimension_semantics<arbitrary>], iteration_bounds = array<i64: 4>, scalar_prefetch = 0 : i64, scratch_operands = 0 : i64, tpu.core_type = #tpu.core_type<tc>, window_params = [{transform_indices = @transform_0, window_bounds = array<i64: 2560, 128>}, {transform_indices = @transform_1, window_bounds = array<i64: 2560, 128>}, {transform_indices = @transform_2, window_bounds = array<i64: 2560, 1>}, {transform_indices = @transform_3, window_bounds = array<i64: 2560, 1>}, {pipeline_mode = #tpu.pipeline_mode<synchronous>, transform_indices = @transform_4, window_bounds = array<i64: 1, 128>}, {pipeline_mode = #tpu.pipeline_mode<synchronous>, transform_indices = @transform_5, window_bounds = array<i64: 1, 128>}, {pipeline_mode = #tpu.pipeline_mode<synchronous>, transform_indices = @transform_6, window_bounds = array<i64: 128, 128>}, {transform_indices = @transform_7, window_bounds = array<i64: 2560, 128>}, {transform_indices = @transform_8, window_bounds = array<i64: 2560, 128>}]} {
    %get3A = arith.constant 0 : index
    %get3A_0 = arith.constant 0 : index
    %get3A_1 = vector.load %arg3[%get3A, %get3A_0] : memref<2560x1xf32, #tpu.memory_space<vmem>>, vector<2560x1xf32>
    %max3A = arith.constant 1.000000e+00 : f32
    %max3A_2 = vector.broadcast %max3A : f32 to vector<2560x1xf32>
    %max3A_3 = arith.maximumf %get3A_1, %max3A_2 : vector<2560x1xf32>
    %rsqrt3A = math.rsqrt %max3A_3 : vector<2560x1xf32>
    %get3A_4 = arith.constant 0 : index
    %get3A_5 = arith.constant 0 : index
    %get3A_6 = vector.load %arg4[%get3A_4, %get3A_5] : memref<2560x1xf32, #tpu.memory_space<vmem>>, vector<2560x1xf32>
    %max3A_7 = arith.constant 1.000000e+00 : f32
    %max3A_8 = vector.broadcast %max3A_7 : f32 to vector<2560x1xf32>
    %max3A_9 = arith.maximumf %get3A_6, %max3A_8 : vector<2560x1xf32>
    %rsqrt3A_10 = math.rsqrt %max3A_9 : vector<2560x1xf32>
    %get3A_11 = arith.constant 0 : index
    %get3A_12 = arith.constant 0 : index
    %get3A_13 = vector.load %arg6[%get3A_11, %get3A_12] : memref<1x128xf32, #tpu.memory_space<vmem>>, vector<1x128xf32>
    %get3A_14 = arith.constant 0 : index
    %get3A_15 = arith.constant 0 : index
    %get3A_16 = vector.load %arg5[%get3A_14, %get3A_15] : memref<1x128xf32, #tpu.memory_space<vmem>>, vector<1x128xf32>
    %get3A_17 = arith.constant 0 : index
    %get3A_18 = arith.constant 0 : index
    %get3A_19 = vector.load %arg7[%get3A_17, %get3A_18] : memref<128x128xf32, #tpu.memory_space<vmem>>, vector<128x128xf32>
    %get3A_20 = arith.constant 0 : index
    %get3A_21 = arith.constant 0 : index
    %get3A_22 = vector.load %arg1[%get3A_20, %get3A_21] : memref<2560x128xf32, #tpu.memory_space<vmem>>, vector<2560x128xf32>
    %mul3A = vector.broadcast %rsqrt3A : vector<2560x1xf32> to vector<2560x128xf32>
    %mul3A_23 = arith.mulf %get3A_22, %mul3A : vector<2560x128xf32>
    %add3A = vector.broadcast %get3A_16 : vector<1x128xf32> to vector<2560x128xf32>
    %add3A_24 = arith.addf %mul3A_23, %add3A : vector<2560x128xf32>
    %ge3A = arith.constant 0.000000e+00 : f32
    %ge3A_25 = vector.broadcast %ge3A : f32 to vector<2560x128xf32>
    %ge3A_26 = arith.cmpf oge, %add3A_24, %ge3A_25 : vector<2560x128xf32>
    %mul3A_27 = vector.broadcast %get3A_13 : vector<1x128xf32> to vector<2560x128xf32>
    %mul3A_28 = arith.mulf %mul3A_27, %add3A_24 : vector<2560x128xf32>
    %select_n3A = arith.select %ge3A_26, %add3A_24, %mul3A_28 : vector<2560x128xi1>, vector<2560x128xf32>
    %get3A_29 = arith.constant 0 : index
    %get3A_30 = arith.constant 0 : index
    %get3A_31 = vector.load %arg2[%get3A_29, %get3A_30] : memref<2560x128xf32, #tpu.memory_space<vmem>>, vector<2560x128xf32>
    %mul3A_32 = vector.broadcast %rsqrt3A : vector<2560x1xf32> to vector<2560x128xf32>
    %mul3A_33 = arith.mulf %get3A_31, %mul3A_32 : vector<2560x128xf32>
    %add3A_34 = vector.broadcast %get3A_16 : vector<1x128xf32> to vector<2560x128xf32>
    %add3A_35 = arith.addf %mul3A_33, %add3A_34 : vector<2560x128xf32>
    %ge3A_36 = arith.constant 0.000000e+00 : f32
    %ge3A_37 = vector.broadcast %ge3A_36 : f32 to vector<2560x128xf32>
    %ge3A_38 = arith.cmpf oge, %add3A_35, %ge3A_37 : vector<2560x128xf32>
    %mul3A_39 = vector.broadcast %get3A_13 : vector<1x128xf32> to vector<2560x128xf32>
    %mul3A_40 = arith.mulf %mul3A_39, %add3A_35 : vector<2560x128xf32>
    %select_n3A_41 = arith.select %ge3A_38, %add3A_35, %mul3A_40 : vector<2560x128xi1>, vector<2560x128xf32>
    %mul3A_42 = vector.broadcast %rsqrt3A_10 : vector<2560x1xf32> to vector<2560x128xf32>
    %mul3A_43 = arith.mulf %select_n3A, %mul3A_42 : vector<2560x128xf32>
    %dot_general3A = arith.constant dense<0.000000e+00> : vector<2560x128xf32>
    %dot_general3A_44 = tpu.matmul %mul3A_43, %get3A_19, %dot_general3A {dimension_numbers = #tpu.dot_dimension_numbers<[1], [0], [0], [1], [0, 0, 1, 1], [], []>, transpose_lhs_hint = false} : vector<2560x128xf32>, vector<128x128xf32>, vector<2560x128xf32> -> vector<2560x128xf32>
    %swap3A = arith.constant 0 : index
    %swap3A_45 = arith.constant 0 : index
    %swap3A_46 = vector.load %arg8[%swap3A, %swap3A_45] : memref<2560x128xf32, #tpu.memory_space<vmem>>, vector<2560x128xf32>
    tpu.vector_store %arg8[%swap3A, %swap3A_45], %dot_general3A_44 {strides = array<i32>} : memref<2560x128xf32, #tpu.memory_space<vmem>>, vector<2560x128xf32>,
    %mul3A_47 = vector.broadcast %rsqrt3A_10 : vector<2560x1xf32> to vector<2560x128xf32>
    %mul3A_48 = arith.mulf %select_n3A_41, %mul3A_47 : vector<2560x128xf32>
    %dot_general3A_49 = arith.constant dense<0.000000e+00> : vector<2560x128xf32>
    %dot_general3A_50 = tpu.matmul %mul3A_48, %get3A_19, %dot_general3A_49 {dimension_numbers = #tpu.dot_dimension_numbers<[1], [0], [0], [1], [0, 0, 1, 1], [], []>, transpose_lhs_hint = false} : vector<2560x128xf32>, vector<128x128xf32>, vector<2560x128xf32> -> vector<2560x128xf32>
    %swap3A_51 = arith.constant 0 : index
    %swap3A_52 = arith.constant 0 : index
    %swap3A_53 = vector.load %arg9[%swap3A_51, %swap3A_52] : memref<2560x128xf32, #tpu.memory_space<vmem>>, vector<2560x128xf32>
    tpu.vector_store %arg9[%swap3A_51, %swap3A_52], %dot_general3A_50 {strides = array<i32>} : memref<2560x128xf32, #tpu.memory_space<vmem>>, vector<2560x128xf32>,
    return
  }
  func.func @transform_0(%arg0: i32) -> (i32, i32) {
    %c0_i32 = arith.constant 0 : i32
    %c0_i32_0 = arith.constant 0 : i32
    return %arg0, %c0_i32 : i32, i32
  }
  func.func @transform_1(%arg0: i32) -> (i32, i32) {
    %c0_i32 = arith.constant 0 : i32
    %c0_i32_0 = arith.constant 0 : i32
    return %arg0, %c0_i32 : i32, i32
  }
  func.func @transform_2(%arg0: i32) -> (i32, i32) {
    %c0_i32 = arith.constant 0 : i32
    %c0_i32_0 = arith.constant 0 : i32
    return %arg0, %c0_i32 : i32, i32
  }
  func.func @transform_3(%arg0: i32) -> (i32, i32) {
    %c0_i32 = arith.constant 0 : i32
    %c0_i32_0 = arith.constant 0 : i32
    return %arg0, %c0_i32 : i32, i32
  }
  func.func @transform_4(%arg0: i32) -> (i32, i32) {
    %c0_i32 = arith.constant 0 : i32
    %c0_i32_0 = arith.constant 0 : i32
    %c0_i32_1 = arith.constant 0 : i32
    return %c0_i32, %c0_i32_0 : i32, i32
  }
  func.func @transform_5(%arg0: i32) -> (i32, i32) {
    %c0_i32 = arith.constant 0 : i32
    %c0_i32_0 = arith.constant 0 : i32
    %c0_i32_1 = arith.constant 0 : i32
    return %c0_i32, %c0_i32_0 : i32, i32
  }
  func.func @transform_6(%arg0: i32) -> (i32, i32) {
    %c0_i32 = arith.constant 0 : i32
    %c0_i32_0 = arith.constant 0 : i32
    %c0_i32_1 = arith.constant 0 : i32
    return %c0_i32, %c0_i32_0 : i32, i32
  }
  func.func @transform_7(%arg0: i32) -> (i32, i32) {
    %c0_i32 = arith.constant 0 : i32
    %c0_i32_0 = arith.constant 0 : i32
    return %arg0, %c0_i32 : i32, i32
  }
  func.func @transform_8(%arg0: i32) -> (i32, i32) {
    %c0_i32 = arith.constant 0 : i32
    %c0_i32_0 = arith.constant 0 : i32
    return %arg0, %c0_i32 : i32, i32
  }
}

module attributes {stable_mosaic.version = 14 : i64} {
  func.func @_tc3_body(%arg0: i32, %arg1: memref<2560x128xf32, #tpu.memory_space<vmem>>, %arg2: memref<2560x128xf32, #tpu.memory_space<vmem>>, %arg3: memref<2560x1xf32, #tpu.memory_space<vmem>>, %arg4: memref<1x128xf32, #tpu.memory_space<vmem>>, %arg5: memref<1x128xf32, #tpu.memory_space<vmem>>, %arg6: memref<128x128xf32, #tpu.memory_space<vmem>>, %arg7: memref<1x128xf32, #tpu.memory_space<vmem>>, %arg8: memref<2560x1xf32, #tpu.memory_space<vmem>>, %arg9: memref<2560x1xf32, #tpu.memory_space<vmem>>) attributes {dimension_semantics = [#tpu.dimension_semantics<arbitrary>], iteration_bounds = array<i64: 4>, scalar_prefetch = 0 : i64, scratch_operands = 0 : i64, tpu.core_type = #tpu.core_type<tc>, window_params = [{transform_indices = @transform_0, window_bounds = array<i64: 2560, 128>}, {transform_indices = @transform_1, window_bounds = array<i64: 2560, 128>}, {transform_indices = @transform_2, window_bounds = array<i64: 2560, 1>}, {pipeline_mode = #tpu.pipeline_mode<synchronous>, transform_indices = @transform_3, window_bounds = array<i64: 1, 128>}, {pipeline_mode = #tpu.pipeline_mode<synchronous>, transform_indices = @transform_4, window_bounds = array<i64: 1, 128>}, {pipeline_mode = #tpu.pipeline_mode<synchronous>, transform_indices = @transform_5, window_bounds = array<i64: 128, 128>}, {pipeline_mode = #tpu.pipeline_mode<synchronous>, transform_indices = @transform_6, window_bounds = array<i64: 1, 128>}, {transform_indices = @transform_7, window_bounds = array<i64: 2560, 1>}, {transform_indices = @transform_8, window_bounds = array<i64: 2560, 1>}]} {
    %get3A = arith.constant 0 : index
    %get3A_0 = arith.constant 0 : index
    %get3A_1 = vector.load %arg3[%get3A, %get3A_0] : memref<2560x1xf32, #tpu.memory_space<vmem>>, vector<2560x1xf32>
    %max3A = arith.constant 1.000000e+00 : f32
    %max3A_2 = vector.broadcast %max3A : f32 to vector<2560x1xf32>
    %max3A_3 = arith.maximumf %get3A_1, %max3A_2 : vector<2560x1xf32>
    %rsqrt3A = math.rsqrt %max3A_3 : vector<2560x1xf32>
    %get3A_4 = arith.constant 0 : index
    %get3A_5 = arith.constant 0 : index
    %get3A_6 = vector.load %arg5[%get3A_4, %get3A_5] : memref<1x128xf32, #tpu.memory_space<vmem>>, vector<1x128xf32>
    %get3A_7 = arith.constant 0 : index
    %get3A_8 = arith.constant 0 : index
    %get3A_9 = vector.load %arg4[%get3A_7, %get3A_8] : memref<1x128xf32, #tpu.memory_space<vmem>>, vector<1x128xf32>
    %get3A_10 = arith.constant 0 : index
    %get3A_11 = arith.constant 0 : index
    %get3A_12 = vector.load %arg1[%get3A_10, %get3A_11] : memref<2560x128xf32, #tpu.memory_space<vmem>>, vector<2560x128xf32>
    %mul3A = vector.broadcast %rsqrt3A : vector<2560x1xf32> to vector<2560x128xf32>
    %mul3A_13 = arith.mulf %get3A_12, %mul3A : vector<2560x128xf32>
    %add3A = vector.broadcast %get3A_9 : vector<1x128xf32> to vector<2560x128xf32>
    %add3A_14 = arith.addf %mul3A_13, %add3A : vector<2560x128xf32>
    %ge3A = arith.constant 0.000000e+00 : f32
    %ge3A_15 = vector.broadcast %ge3A : f32 to vector<2560x128xf32>
    %ge3A_16 = arith.cmpf oge, %add3A_14, %ge3A_15 : vector<2560x128xf32>
    %mul3A_17 = vector.broadcast %get3A_6 : vector<1x128xf32> to vector<2560x128xf32>
    %mul3A_18 = arith.mulf %mul3A_17, %add3A_14 : vector<2560x128xf32>
    %select_n3A = arith.select %ge3A_16, %add3A_14, %mul3A_18 : vector<2560x128xi1>, vector<2560x128xf32>
    %get3A_19 = arith.constant 0 : index
    %get3A_20 = arith.constant 0 : index
    %get3A_21 = vector.load %arg2[%get3A_19, %get3A_20] : memref<2560x128xf32, #tpu.memory_space<vmem>>, vector<2560x128xf32>
    %mul3A_22 = vector.broadcast %rsqrt3A : vector<2560x1xf32> to vector<2560x128xf32>
    %mul3A_23 = arith.mulf %get3A_21, %mul3A_22 : vector<2560x128xf32>
    %add3A_24 = vector.broadcast %get3A_9 : vector<1x128xf32> to vector<2560x128xf32>
    %add3A_25 = arith.addf %mul3A_23, %add3A_24 : vector<2560x128xf32>
    %ge3A_26 = arith.constant 0.000000e+00 : f32
    %ge3A_27 = vector.broadcast %ge3A_26 : f32 to vector<2560x128xf32>
    %ge3A_28 = arith.cmpf oge, %add3A_25, %ge3A_27 : vector<2560x128xf32>
    %mul3A_29 = vector.broadcast %get3A_6 : vector<1x128xf32> to vector<2560x128xf32>
    %mul3A_30 = arith.mulf %mul3A_29, %add3A_25 : vector<2560x128xf32>
    %select_n3A_31 = arith.select %ge3A_28, %add3A_25, %mul3A_30 : vector<2560x128xi1>, vector<2560x128xf32>
    %get3A_32 = arith.constant 0 : index
    %get3A_33 = arith.constant 0 : index
    %get3A_34 = vector.load %arg6[%get3A_32, %get3A_33] : memref<128x128xf32, #tpu.memory_space<vmem>>, vector<128x128xf32>
    %reduce_sum3A = arith.constant dense<0.000000e+00> : vector<128xf32>
    %reduce_sum3A_35 = vector.multi_reduction <add>, %get3A_34, %reduce_sum3A [1] : vector<128x128xf32> to vector<128xf32>
    %broadcast_in_dim3A = vector.shape_cast %reduce_sum3A_35 : vector<128xf32> to vector<128x1xf32>
    %get3A_36 = arith.constant 0 : index
    %get3A_37 = arith.constant 0 : index
    %get3A_38 = vector.load %arg7[%get3A_36, %get3A_37] : memref<1x128xf32, #tpu.memory_space<vmem>>, vector<1x128xf32>
    %reduce_sum3A_39 = vector.shape_cast %get3A_38 : vector<1x128xf32> to vector<1x1x128xf32>
    %reduce_sum3A_40 = arith.constant dense<0.000000e+00> : vector<1xf32>
    %reduce_sum3A_41 = vector.multi_reduction <add>, %reduce_sum3A_39, %reduce_sum3A_40 [1, 2] : vector<1x1x128xf32> to vector<1xf32>
    %reduce_sum3A_42 = vector.shape_cast %reduce_sum3A_41 : vector<1xf32> to vector<1x1x1xf32>
    %reduce_sum3A_43 = vector.extract %reduce_sum3A_42[0, 0, 0] : f32 from vector<1x1x1xf32>
    %dot_general3A = arith.constant dense<0.000000e+00> : vector<2560x1xf32>
    %dot_general3A_44 = tpu.matmul %select_n3A, %broadcast_in_dim3A, %dot_general3A {dimension_numbers = #tpu.dot_dimension_numbers<[1], [0], [0], [1], [0, 0, 1, 1], [], []>, transpose_lhs_hint = false} : vector<2560x128xf32>, vector<128x1xf32>, vector<2560x1xf32> -> vector<2560x1xf32>
    %add3A_45 = vector.broadcast %reduce_sum3A_43 : f32 to vector<2560x1xf32>
    %add3A_46 = arith.addf %dot_general3A_44, %add3A_45 : vector<2560x1xf32>
    %swap3A = arith.constant 0 : index
    %swap3A_47 = arith.constant 0 : index
    %swap3A_48 = vector.load %arg8[%swap3A, %swap3A_47] : memref<2560x1xf32, #tpu.memory_space<vmem>>, vector<2560x1xf32>
    tpu.vector_store %arg8[%swap3A, %swap3A_47], %add3A_46 {strides = array<i32>} : memref<2560x1xf32, #tpu.memory_space<vmem>>, vector<2560x1xf32>,
    %dot_general3A_49 = arith.constant dense<0.000000e+00> : vector<2560x1xf32>
    %dot_general3A_50 = tpu.matmul %select_n3A_31, %broadcast_in_dim3A, %dot_general3A_49 {dimension_numbers = #tpu.dot_dimension_numbers<[1], [0], [0], [1], [0, 0, 1, 1], [], []>, transpose_lhs_hint = false} : vector<2560x128xf32>, vector<128x1xf32>, vector<2560x1xf32> -> vector<2560x1xf32>
    %add3A_51 = vector.broadcast %reduce_sum3A_43 : f32 to vector<2560x1xf32>
    %add3A_52 = arith.addf %dot_general3A_50, %add3A_51 : vector<2560x1xf32>
    %swap3A_53 = arith.constant 0 : index
    %swap3A_54 = arith.constant 0 : index
    %swap3A_55 = vector.load %arg9[%swap3A_53, %swap3A_54] : memref<2560x1xf32, #tpu.memory_space<vmem>>, vector<2560x1xf32>
    tpu.vector_store %arg9[%swap3A_53, %swap3A_54], %add3A_52 {strides = array<i32>} : memref<2560x1xf32, #tpu.memory_space<vmem>>, vector<2560x1xf32>,
    return
  }
  func.func @transform_0(%arg0: i32) -> (i32, i32) {
    %c0_i32 = arith.constant 0 : i32
    %c0_i32_0 = arith.constant 0 : i32
    return %arg0, %c0_i32 : i32, i32
  }
  func.func @transform_1(%arg0: i32) -> (i32, i32) {
    %c0_i32 = arith.constant 0 : i32
    %c0_i32_0 = arith.constant 0 : i32
    return %arg0, %c0_i32 : i32, i32
  }
  func.func @transform_2(%arg0: i32) -> (i32, i32) {
    %c0_i32 = arith.constant 0 : i32
    %c0_i32_0 = arith.constant 0 : i32
    return %arg0, %c0_i32 : i32, i32
  }
  func.func @transform_3(%arg0: i32) -> (i32, i32) {
    %c0_i32 = arith.constant 0 : i32
    %c0_i32_0 = arith.constant 0 : i32
    %c0_i32_1 = arith.constant 0 : i32
    return %c0_i32, %c0_i32_0 : i32, i32
  }
  func.func @transform_4(%arg0: i32) -> (i32, i32) {
    %c0_i32 = arith.constant 0 : i32
    %c0_i32_0 = arith.constant 0 : i32
    %c0_i32_1 = arith.constant 0 : i32
    return %c0_i32, %c0_i32_0 : i32, i32
  }
  func.func @transform_5(%arg0: i32) -> (i32, i32) {
    %c0_i32 = arith.constant 0 : i32
    %c0_i32_0 = arith.constant 0 : i32
    %c0_i32_1 = arith.constant 0 : i32
    return %c0_i32, %c0_i32_0 : i32, i32
  }
  func.func @transform_6(%arg0: i32) -> (i32, i32) {
    %c0_i32 = arith.constant 0 : i32
    %c0_i32_0 = arith.constant 0 : i32
    %c0_i32_1 = arith.constant 0 : i32
    return %c0_i32, %c0_i32_0 : i32, i32
  }
  func.func @transform_7(%arg0: i32) -> (i32, i32) {
    %c0_i32 = arith.constant 0 : i32
    %c0_i32_0 = arith.constant 0 : i32
    return %arg0, %c0_i32 : i32, i32
  }
  func.func @transform_8(%arg0: i32) -> (i32, i32) {
    %c0_i32 = arith.constant 0 : i32
    %c0_i32_0 = arith.constant 0 : i32
    return %arg0, %c0_i32 : i32, i32
  }
}

</mosaic_0001>

<sc_bundles>
// kernel: kernel.11.cloned.1.call-start
scs
__scs_entry_jumppad:
0x0: {  	(pc) =	sbr.rel $0x88, $3  }
0x1: {  	(tag) =	ssettag $0x0;
	lr =	simm.s32 $0x1  }
0x2: {  	[smem:$0x3F98] =	sst lr;
	_ =	strace $0xD0000000  }
0x3: {  	_ = 	snop  }
0x4: {  	_ = 	snop  }
0x5: {  	_ = 	snop  }
0x6: {  	_ = 	snop  }
0x7: {  	_ = 	snop  }
__scs_overlays_trampoline_lowered:
0x8: {  	[smem:$0x3FA7] =	sst s0  }
0x9: {  	[smem:$0x3FA8] =	sst s1  }
0xa: {  	[smem:$0x3FA9] =	sst s2  }
0xb: {  	[smem:$0x3FAA] =	sst s3  }
0xc: {  	[smem:$0x3FAB] =	sst s4  }
0xd: {  	[smem:$0x3FAC] =	sst s5  }
0xe: {  	[smem:$0x3FAD] =	sst s6  }
0xf: {  	[smem:$0x3FAE] =	sst s7  }
0x10: {  	[smem:$0x3FAF] =	sst s8  }
0x11: {  	[smem:$0x3FB0] =	sst s9;
	s0 =	simm.s32 @!p0 $0x0  }
0x12: {  	s1 =	sld [smem:$0x3F96];
	s0 =	simm.s32 @p0 $0x1  }
0x13: {  	[smem:$0x3FB1] =	sst s0;
	s0 =	simm.s32 @!p1 $0x0  }
0x14: {  	s2 =	sld [smem:$0x3F95];
	s0 =	simm.s32 @p1 $0x1  }
0x15: {  	[smem:$0x3FB2] =	sst s0;
	s0 =	simm.s32 @!p2 $0x0  }
0x16: {  	s3 =	sld [smem:$0x3FDB];
	s0 =	simm.s32 @p2 $0x1  }
0x17: {  	s4 =	simm.s32 $0x1BF5;
	[smem:$0x3FB4] =	sst s0  }
0x18: {  	s0 =	sld [smem:$0x3F97];
	_ =	swait.ge [sflag:s4], $0x0  }
0x19: {  	s7 =	sld [smem:$0x3F98]  }
0x1a: {  	s8 =	sadd.s32 $0xFFFFE003, lr  }
0x1b: {  	s9 =	sadd.s32 $0xFFFFFEF7, lr;
	s5 =	simm.s32 $0xFFFFFFFF;
	p2 =	slt.u32 s8, $0xFFFFF086  }
0x1c: {  	p1 =	slt.u32 s9, $0xF7A;
	s5 =	simm.s32 @!p2 $0x0  }
0x1d: {  	s5 =	simm.s32 @p1 $0x1;
	p0 =	seq.s32 s7, s2  }
0x1e: {  	s7 =	smul.u32 @!p0 $0xF7A, s2;
	p2 =	seq.s32 @!p0 s5, $0x0  }
0x1f: {  	s9 =	smul.u32 $0xF7A, s1;
	s8 =	simm.s32 @!p0 $0x1BF5;
	p2 =	por !p2, p0  }
0x20: {  	[sflag:s8] =	ssyncset.s32 @!p0 $0xFFFFF086;
	s6 =	sadd.s32 @!p0 s3, s7;
	s7 =	simm.s32 @!p0 $0x108  }
0x21: {  	s3 =	sadd.s32 s3, s9;
	s6 =	sadd.s32 @!p0 $0x88, s6;
	s7 =	simm.s32 @p2 $0x1082  }
0x22: {  	[simem:s7], [sflag:s8] =	dma.local @!p0 [hbm:s6], $0xF7A  }
0x23: {  	s9 =	sor.u32 $0xD0000000, s2;
	s6 =	simm.s32 $0x108;
	_ =	swait.ge @!p0 [sflag:s8], $0x0  }
0x24: {  	s3 =	sadd.s32 $0x88, s3;
	s6 =	simm.s32 @!p1 $0x1082;
	[sflag:s4] =	ssyncset.s32 $0xFFFFF086  }
0x25: {  	[simem:s6], [sflag:s4] =	dma.local [hbm:s3], $0xF7A  }
0x26: {  	[smem:$0x3F98] =	sst s1;
	(tag) =	ssettag s2;
	_ =	strace s9  }
0x27: {  	s1 =	sld [smem:$0x3FA8]  }
0x28: {  	s2 =	sld [smem:$0x3FA9]  }
0x29: {  	s4 =	sld [smem:$0x3FAB]  }
0x2a: {  	p0 =	seq.s32 s5, $0x0;
	s5 =	sld [smem:$0x3FAC]  }
0x2b: {  	s6 =	sld [smem:$0x3FAD]  }
0x2c: {  	s7 =	sld [smem:$0x3FAE]  }
0x2d: {  	s3 =	simm.s32 $0x108;
	s8 =	sld [smem:$0x3FAF]  }
0x2e: {  	s3 =	simm.s32 @!p0 $0x1082;
	s9 =	sld [smem:$0x3FB0]  }
0x2f: {  	lr =	sadd.s32 s0, s3;
	s0 =	sld [smem:$0x3FA7]  }
0x30: {  	s3 =	sld [smem:$0x3FAA]  }
0x31: {  	[smem:$0x3FB3] =	sst s10  }
0x32: {  	s10 =	sld [smem:$0x3FB1];
	_ =	sdelay $0x3  }
0x33: {  	p0 =	seq.s32 s10, $0x1;
	s10 =	sld [smem:$0x3FB3];
	_ =	sdelay $0x3  }
0x34: {  	[smem:$0x3FB3] =	sst s10  }
0x35: {  	s10 =	sld [smem:$0x3FB2];
	_ =	sdelay $0x3  }
0x36: {  	p1 =	seq.s32 s10, $0x1;
	s10 =	sld [smem:$0x3FB3];
	_ =	sdelay $0x3  }
0x37: {  	[smem:$0x3FB3] =	sst s10  }
0x38: {  	s10 =	sld [smem:$0x3FB4]  }
0x39: {  	_ = 	snop;
	(pc) =	sbr.ind lr, $3  }
0x3a: {  	_ = 	snop  }
0x3b: {  	_ = 	snop  }
0x3c: {  	p2 =	seq.s32 s10, $0x1;
	s10 =	sld [smem:$0x3FB3]  }
0x3d: {  	_ =	shalt  }
0x3e: {  	_ =	shalt  }
0x3f: {  	_ =	shalt  }
0x40: {  	_ =	shalt  }
0x41: {  	_ =	shalt  }
0x42: {  	_ =	shalt  }
0x43: {  	_ =	shalt  }
0x44: {  	_ =	shalt  }
0x45: {  	_ =	shalt  }
0x46: {  	_ =	shalt  }
0x47: {  	_ =	shalt  }
0x48: {  	_ =	shalt  }
0x49: {  	_ =	shalt  }
0x4a: {  	_ =	shalt  }
0x4b: {  	_ =	shalt  }
0x4c: {  	_ =	shalt  }
0x4d: {  	_ =	shalt  }
0x4e: {  	_ =	shalt  }
0x4f: {  	_ =	shalt  }
0x50: {  	_ =	shalt  }
0x51: {  	_ =	shalt  }
0x52: {  	_ =	shalt  }
0x53: {  	_ =	shalt  }
0x54: {  	_ =	shalt  }
0x55: {  	_ =	shalt  }
0x56: {  	_ =	shalt  }
0x57: {  	_ =	shalt  }
0x58: {  	_ =	shalt  }
0x59: {  	_ =	shalt  }
0x5a: {  	_ =	shalt  }
0x5b: {  	_ =	shalt  }
0x5c: {  	_ =	shalt  }
0x5d: {  	_ =	shalt  }
0x5e: {  	_ =	shalt  }
0x5f: {  	_ =	shalt  }
0x60: {  	_ =	shalt  }
0x61: {  	_ =	shalt  }
0x62: {  	_ =	shalt  }
0x63: {  	_ =	shalt  }
0x64: {  	_ =	shalt  }
0x65: {  	_ =	shalt  }
0x66: {  	_ =	shalt  }
0x67: {  	_ =	shalt  }
0x68: {  	_ =	shalt  }
0x69: {  	_ =	shalt  }
0x6a: {  	_ =	shalt  }
0x6b: {  	_ =	shalt  }
0x6c: {  	_ =	shalt  }
0x6d: {  	_ =	shalt  }
0x6e: {  	_ =	shalt  }
0x6f: {  	_ =	shalt  }
0x70: {  	_ =	shalt  }
0x71: {  	_ =	shalt  }
0x72: {  	_ =	shalt  }
0x73: {  	_ =	shalt  }
0x74: {  	_ =	shalt  }
0x75: {  	_ =	shalt  }
0x76: {  	_ =	shalt  }
0x77: {  	_ =	shalt  }
0x78: {  	_ =	shalt  }
0x79: {  	_ =	shalt  }
0x7a: {  	_ =	shalt  }
0x7b: {  	_ =	shalt  }
0x7c: {  	_ =	shalt  }
0x7d: {  	_ =	shalt  }
0x7e: {  	_ =	shalt  }
0x7f: {  	_ =	shalt  }
0x80: {  	_ =	shalt  }
0x81: {  	_ =	shalt  }
0x82: {  	_ =	shalt  }
0x83: {  	_ =	shalt  }
0x84: {  	_ =	shalt  }
0x85: {  	_ =	shalt  }
0x86: {  	_ =	shalt  }
0x87: {  	_ =	shalt  }
.Lfunc_end0:
.L_simem_size_0:
called_computation.1_lowered:
.L_overlay_start_0:
0x88: {  	s2 =	sld [smem:$0x3FD9]  }
0x89: {  	s3 =	sld [smem:$0x3FFE];
	_ =	sdelay $0x1  }
0x8a: {  	s1 =	srdreg.scid  }
0x8b: {  	s0 =	sand.u32 $0x1, s1  }
0x8c: {  	s16 =	sshll.u32 s0, $0xA;
	s2 =	sadd.s32 s3, s2  }
0x8d: {  	s2 =	sadd.s32 s2, s16  }
0x8e: {  	[smem:$0x3FBF] =	sst s2  }
0x8f: {  	_ = 	snop  }
0x90: {  	(tm) =	ssettm $0x1  }
0x91: {  	s17 =	sld [smem:$0x3FFB];
	_ =	sdelay $0x3  }
0x92: {  	_ =	strace s17  }
0x93: {  	s2 =	sld [smem:$0x3FFC];
	_ =	sdelay $0x3  }
0x94: {  	_ =	strace s2  }
0x95: {  	s2 =	sld [smem:$0x3FFD];
	_ =	sdelay $0x3  }
0x96: {  	_ =	strace s2  }
0x97: {  	_ =	strace $0x8FFFFFFF  }
0x98: {  	s18 =	sld [smem:$0x3FDB];
	_ =	sdelay $0x1  }
0x99: {  	s19 =	simm.s32 $_scs_section_size  }
0x9a: {  	s4 =	simm.s32 $_size__tile_overlayer_lowered;
	s5 =	simm.s32 $_tile_overlayer_lowered  }
0x9b: {  	s22 =	simm.s32 $0x1BFF;
	s21 =	sshll.u32 s5, $0x1;
	s2 =	sadd.s32 s19, s18  }
0x9c: {  	s6 =	simm.s32 $0x0;
	s20 =	sshll.u32 s4, $0x1;
	s4 =	sadd.s32 s21, s2  }
0x9d: {  	[timem:s6], [sflag:s22] =	dma.local [hbm:s4], s20  }
0x9e: {  	_ =	swait.ge [sflag:s22], s20  }
0x9f: {  	s3 =	ssub.s32 $0x0, s20;
	[sflag:s22] =	ssyncset.done $0x0  }
0xa0: {  	[sflag:s22] =	ssyncadd.s32 s3;
	_ =	sdelay $0x1  }
0xa1: {  	s23 =	simm.s32 $0x1B8B  }
0xa2: {  	_ =	swait.ge [sflag:s23], $0x1  }
0xa3: {  	[sflag:s23] =	ssyncset.done $0x0  }
0xa4: {  	s25 =	simm.s32 $0x1B8E;
	s24 =	sld [smem:$0x3FFE];
	[sflag:s23] =	ssyncadd.s32 $0xFFFFFFFF  }
0xa5: {  	s26 =	simm.s32 $execute0_lowered;
	[smem:$0x3FD2] =	sst s25  }
0xa6: {  	s4 =	sshll.u32 s26, $0x1;
	_ =	strace $0x80000049;
	[dreg:$0x1] =	wrdreg $0xFFFFFFFF  }
0xa7: {  	s28 =	simm.s32 $_size_execute0_lowered;
	s2 =	sadd.s32 s2, s4;
	[dreg:$0x0] =	wrdreg $0x0  }
0xa8: {  	s4 =	sshll.u32 s28, $0x1;
	[dreg:$0x2] =	wrdreg s2  }
0xa9: {  	[dreg:$0x3] =	wrdreg s4  }
0xaa: {  	[dreg:$0x4] =	wrdreg $0xC0  }
0xab: {  	_ =	task [dreg:s6], $0x5FFFF  }
0xac: {  	[dreg:$0x1] =	wrdreg $0xFFFFFFFF  }
0xad: {  	[dreg:$0x0] =	wrdreg $0x60  }
0xae: {  	[dreg:$0x2] =	wrdreg s24  }
0xaf: {  	[dreg:$0x3] =	wrdreg $0x90000  }
0xb0: {  	[dreg:$0x4] =	wrdreg $0x9  }
0xb1: {  	_ =	task.clear_ibuf [dreg:s6], $0x5FFFF;
	_ =	strace $0x90000049  }
0xb2: {  	s29 =	simm.s32 $0x9;
	_ =	strace $0x8000004B  }
0xb3: {  	_ =	swait.ge [sflag:s29], $0x1  }
0xb4: {  	[sflag:s29] =	ssyncadd.s32 $0xFFFFFFFF  }
0xb5: {  	_ =	strace $0x9000004B  }
0xb6: {  	_ =	sfence  }
0xb7: {  	s30 =	sld [smem:$0x0];
	_ =	sdelay $0x2  }
0xb8: {  	s31 =	sshll.u32 s1, $0xD;
	s1 =	sshrl.u32 s1, $0x2  }
0xb9: {  	s3 =	sand.u32 $0x4000, s31;
	s1 =	sadd.s32 s1, s30  }
0xba: {  	s0 =	sor.u32 s3, s0;
	s1 =	sshll.u32 s1, $0x11  }
0xbb: {  	s0 =	sor.u32 s1, s0  }
0xbc: {  	s0 =	sadd.s32 $0x8F2B, s0  }
0xbd: {  	[sflag:s0] =	ssyncadd.remote.s32 $0x1  }
0xbe: {  	_ =	sfence.sel $0xFFFF  }
0xbf: {  	[dreg:$0x0] =	wrdreg $0xFFFFFFFF;
	(pc) =	sbr.abs _section_cstart, $3  }
0xc0: {  	[dreg:$0x1] =	wrdreg $0xFFFFFFFF  }
0xc1: {  	_ =	task.clear_ibuf [dreg:s6], $0x2FFFF;
	_ =	strace $0x9FFFFFFF  }
0xc2: {  	(tm) =	ssettm $0x7FFFFFFF  }
0xc3: {  	_ =	shalt  }
tec
execute0_lowered:
.L_overlay_start_1:
0x0: {  	(tag) =	ssettag $0x1  }
0x1: {  	s0 =	rddreg [dreg:$0x0]  }
0x2: {  	s2 =	rddreg [dreg:$0x1]  }
0x3: {  	s3 =	simm.s32 $0x0;
	s9 =	stileid.u32;
	s6 =	srdreg.scid  }
0x4: {  	s15 =	simm.s32 $0x3;
	s16 =	simm.s32 $0x800;
	s17 =	simm.s32 $0x80  }
0x5: {  	s18 =	simm.s32 $0x1000;
	s19 =	simm.s32 $0x5000;
	s20 =	simm.s32 $0x1  }
0x6: {  	s22 =	simm.s32 $0x2;
	s11 =	simm.s32 $0x880;
	[smem:$0x7FF] =	sst s3  }
0x7: {  	s1 =	smul.u32 $0xA00, s9;
	s4 =	sadd.s32 $0x15A00, s0;
	s5 =	sadd.s32 $0x40400, s0  }
0x8: {  	s6 =	sand.u32 $0x1, s6;
	s7 =	sadd.s32 $0x3DC00, s0;
	s8 =	smul.u32 $0x50000, s9  }
0x9: {  	s10 =	sadd.s32 $0x91000, s0;
	s31 =	sshll.u32 s9, $0x6;
	s9 =	smul.u32 $0x2800, s9  }
0xa: {  	_ =	strace $0x8000004A;
	[dreg:$0x3] =	wrdreg s7;
	s28 =	ssub.s32 $0x2, s6  }
0xb: {  	[dreg:$0x4] =	wrdreg s10;
	p0 =	sne.s32 s6, $0x0;
	s10 =	simm.s32 $0x100  }
0xc: {  	s1 =	sadd.s32 s1, s0;
	s0 =	sadd.s32 $0xB9000, s0;
	s29 =	sshrl.u32 s28, $0x1  }
.Ltmp0:
0xd: {  	s30 =	sshrl.u32 s8, $0x2;
	[dreg:$0x7] =	wrdreg s9;
	(pc) =	sbr.rel .LBB2_1-.Ltmp0, $4  }
0xe: {  	s8 =	sor.u32 $0x1C03, s31;
	[dreg:$0x5] =	wrdreg s0;
	s0 =	ssub.s32 s28, s29  }
0xf: {  	s7 =	sadd.s32 s30, s2;
	[dreg:$0x6] =	wrdreg s8;
	s0 =	smax.u32 s0, $0x1  }
0x10: {  	s12 =	sadd.s32 $0xBA00, s1;
	s7 =	sshrl.u32 s7, $0x3;
	[dreg:$0x8] =	wrdreg s0  }
0x11: {  	s13 =	sadd.s32 $0x1A00, s1;
	s0 =	simm.s32 $0x0;
	[dreg:$0x9] =	wrdreg s7  }
.LBB2_7:
0x12: {  	s6 =	sadd.s32 s7, s13;
	[sflag:s15] =	ssyncadd.s32 $0xFFFFC000  }
0x13: {  	[tilespmem:s3], [sflag:$0x3] =	stream.linear.gather [hbm4b:s6+s3], $0x800, $0x38;
	[tilespmem:$0x1D000] =	vst v63  }
0x14: {  	_ =	swait.ge [sflag:s15], $0x800  }
0x15: {  	[sflag:s15] =	ssyncset.done $0x0  }
0x16: {  	s8 =	sadd.s32 s7, s12;
	[sflag:s15] =	ssyncadd.s32 $0xFFFFF800  }
0x17: {  	[tilespmem:s16], [sflag:$0x3] =	stream.linear.gather [hbm4b:s8+s3], $0x800, $0x38;
	[tilespmem:$0x1D000] =	vst v63  }
0x18: {  	_ =	swait.ge [sflag:s15], $0x800  }
0x19: {  	[sflag:s15] =	ssyncset.done $0x0  }
0x1a: {  	[sflag:s15] =	ssyncadd.s32 $0xFFFFF800  }
0x1b: {  	[tilespmem:s18], [sflag:$0x1] =	stream.indirect.gather [hbm4b:s5+s17], $0x80, s3, s17, $0xb8;
	[tilespmem:$0x1D000] =	vst v63  }
0x1c: {  	_ = 	snop  }
0x1d: {  	[tilespmem:s19], [sflag:$0x2] =	stream.indirect.gather [hbm4b:s5+s17], $0x80, s17, s17, $0xb8;
	[tilespmem:$0x1D000] =	vst v63  }
0x1e: {  	_ =	swait.ge [sflag:s20], $0x4000  }
0x1f: {  	[sflag:s20] =	ssyncset.done $0x0  }
0x20: {  	[sflag:s20] =	ssyncadd.s32 $0xFFFFC000  }
0x21: {  	[spmem:s2] =	stream.indirect.scatter.add.f32 [tilespmem:s18], [sflag:$0x3], $0x80, s16, s17, $0xb8;
	[tilespmem:$0x1D000] =	vst v63  }
0x22: {  	_ =	swait.ge [sflag:s15], $0x4000  }
0x23: {  	[sflag:s15] =	ssyncset.done $0x0  }
0x24: {  	[sflag:s15] =	ssyncadd.s32 $0xFFFFC000  }
0x25: {  	[tilespmem:s18], [sflag:$0x1] =	stream.indirect.gather [hbm4b:s5+s17], $0x80, s10, s17, $0xb8;
	[tilespmem:$0x1D000] =	vst v63  }
0x26: {  	_ =	swait.ge [sflag:s22], $0x4000  }
0x27: {  	[sflag:s22] =	ssyncset.done $0x0  }
0x28: {  	[sflag:s22] =	ssyncadd.s32 $0xFFFFC000  }
0x29: {  	[spmem:s2] =	stream.indirect.scatter.add.f32 [tilespmem:s19], [sflag:$0x3], $0x80, s11, s17, $0xb8;
	[tilespmem:$0x1D000] =	vst v63  }
0x2a: {  	_ =	swait.ge [sflag:s15], $0x4000  }
0x2b: {  	[sflag:s15] =	ssyncset.done $0x0  }
0x2c: {  	[sflag:s15] =	ssyncadd.s32 $0xFFFFC000  }
0x2d: {  	[tilespmem:s19], [sflag:$0x2] =	stream.indirect.gather [hbm4b:s5+s17], $0x80, s9, s17, $0xb8;
	[tilespmem:$0x1D000] =	vst v63  }
0x2e: {  	_ =	swait.ge [sflag:s20], $0x4000  }
0x2f: {  	[sflag:s20] =	ssyncset.done $0x0  }
0x30: {  	[sflag:s20] =	ssyncadd.s32 $0xFFFFC000  }
0x31: {  	[spmem:s2] =	stream.indirect.scatter.add.f32 [tilespmem:s18], [sflag:$0x3], $0x80, s14, s17, $0xb8;
	[tilespmem:$0x1D000] =	vst v63  }
0x32: {  	_ =	swait.ge [sflag:s15], $0x4000  }
0x33: {  	[sflag:s15] =	ssyncset.done $0x0  }
0x34: {  	[sflag:s15] =	ssyncadd.s32 $0xFFFFC000  }
0x35: {  	[tilespmem:s18], [sflag:$0x1] =	stream.indirect.gather [hbm4b:s5+s17], $0x80, s21, s17, $0xb8;
	[tilespmem:$0x1D000] =	vst v63  }
0x36: {  	_ =	swait.ge [sflag:s22], $0x4000  }
0x37: {  	[sflag:s22] =	ssyncset.done $0x0  }
0x38: {  	[sflag:s22] =	ssyncadd.s32 $0xFFFFC000  }
0x39: {  	[spmem:s2] =	stream.indirect.scatter.add.f32 [tilespmem:s19], [sflag:$0x3], $0x80, s23, s17, $0xb8;
	[tilespmem:$0x1D000] =	vst v63  }
0x3a: {  	_ =	swait.ge [sflag:s15], $0x4000  }
0x3b: {  	[sflag:s15] =	ssyncset.done $0x0  }
0x3c: {  	[sflag:s15] =	ssyncadd.s32 $0xFFFFC000  }
0x3d: {  	[tilespmem:s19], [sflag:$0x2] =	stream.indirect.gather [hbm4b:s5+s17], $0x80, s24, s17, $0xb8;
	[tilespmem:$0x1D000] =	vst v63  }
0x3e: {  	_ =	swait.ge [sflag:s20], $0x4000  }
0x3f: {  	[sflag:s20] =	ssyncset.done $0x0  }
0x40: {  	[sflag:s20] =	ssyncadd.s32 $0xFFFFC000  }
0x41: {  	[spmem:s2] =	stream.indirect.scatter.add.f32 [tilespmem:s18], [sflag:$0x3], $0x80, s25, s17, $0xb8;
	[tilespmem:$0x1D000] =	vst v63  }
0x42: {  	_ =	swait.ge [sflag:s15], $0x4000  }
0x43: {  	[sflag:s15] =	ssyncset.done $0x0  }
0x44: {  	[sflag:s15] =	ssyncadd.s32 $0xFFFFC000  }
0x45: {  	[tilespmem:s18], [sflag:$0x1] =	stream.indirect.gather [hbm4b:s5+s17], $0x80, s26, s17, $0xb8;
	[tilespmem:$0x1D000] =	vst v63  }
0x46: {  	_ =	swait.ge [sflag:s22], $0x4000  }
0x47: {  	[sflag:s22] =	ssyncset.done $0x0  }
0x48: {  	[sflag:s22] =	ssyncadd.s32 $0xFFFFC000  }
0x49: {  	[spmem:s2] =	stream.indirect.scatter.add.f32 [tilespmem:s19], [sflag:$0x3], $0x80, s28, s17, $0xb8;
	[tilespmem:$0x1D000] =	vst v63  }
0x4a: {  	_ =	swait.ge [sflag:s15], $0x4000  }
0x4b: {  	[sflag:s15] =	ssyncset.done $0x0  }
0x4c: {  	[sflag:s15] =	ssyncadd.s32 $0xFFFFC000  }
0x4d: {  	[tilespmem:s19], [sflag:$0x2] =	stream.indirect.gather [hbm4b:s5+s17], $0x80, s29, s17, $0xb8;
	[tilespmem:$0x1D000] =	vst v63  }
0x4e: {  	_ =	swait.ge [sflag:s20], $0x4000  }
0x4f: {  	[sflag:s20] =	ssyncset.done $0x0  }
0x50: {  	[sflag:s20] =	ssyncadd.s32 $0xFFFFC000  }
0x51: {  	[spmem:s2] =	stream.indirect.scatter.add.f32 [tilespmem:s18], [sflag:$0x3], $0x80, s30, s17, $0xb8;
	[tilespmem:$0x1D000] =	vst v63  }
0x52: {  	_ =	swait.ge [sflag:s15], $0x4000  }
0x53: {  	[sflag:s15] =	ssyncset.done $0x0  }
0x54: {  	[sflag:s15] =	ssyncadd.s32 $0xFFFFC000  }
0x55: {  	[tilespmem:s18], [sflag:$0x1] =	stream.indirect.gather [hbm4b:s5+s17], $0x80, s31, s17, $0xb8;
	[tilespmem:$0x1D000] =	vst v63  }
0x56: {  	_ =	swait.ge [sflag:s22], $0x4000  }
0x57: {  	[sflag:s22] =	ssyncset.done $0x0  }
0x58: {  	[sflag:s22] =	ssyncadd.s32 $0xFFFFC000  }
0x59: {  	[spmem:s2] =	stream.indirect.scatter.add.f32 [tilespmem:s19], [sflag:$0x3], $0x80, s0, s17, $0xb8;
	[tilespmem:$0x1D000] =	vst v63  }
0x5a: {  	_ =	swait.ge [sflag:s15], $0x4000  }
0x5b: {  	[sflag:s15] =	ssyncset.done $0x0  }
0x5c: {  	[sflag:s15] =	ssyncadd.s32 $0xFFFFC000  }
0x5d: {  	[tilespmem:s19], [sflag:$0x2] =	stream.indirect.gather [hbm4b:s5+s17], $0x80, s1, s17, $0xb8;
	[tilespmem:$0x1D000] =	vst v63  }
0x5e: {  	_ =	swait.ge [sflag:s20], $0x4000  }
0x5f: {  	[sflag:s20] =	ssyncset.done $0x0  }
0x60: {  	s6 =	simm.s32 $0xC00;
	[sflag:s20] =	ssyncadd.s32 $0xFFFFC000  }
0x61: {  	[spmem:s2] =	stream.indirect.scatter.add.f32 [tilespmem:s18], [sflag:$0x3], $0x80, s6, s17, $0xb8;
	[tilespmem:$0x1D000] =	vst v63  }
0x62: {  	_ =	swait.ge [sflag:s15], $0x4000  }
0x63: {  	[sflag:s15] =	ssyncset.done $0x0  }
0x64: {  	s7 =	simm.s32 $0x500;
	[sflag:s15] =	ssyncadd.s32 $0xFFFFC000  }
0x65: {  	[tilespmem:s18], [sflag:$0x1] =	stream.indirect.gather [hbm4b:s5+s17], $0x80, s7, s17, $0xb8;
	[tilespmem:$0x1D000] =	vst v63  }
0x66: {  	_ =	swait.ge [sflag:s22], $0x4000  }
0x67: {  	[sflag:s22] =	ssyncset.done $0x0  }
0x68: {  	s8 =	simm.s32 $0xC80;
	[sflag:s22] =	ssyncadd.s32 $0xFFFFC000  }
0x69: {  	[spmem:s2] =	stream.indirect.scatter.add.f32 [tilespmem:s19], [sflag:$0x3], $0x80, s8, s17, $0xb8;
	[tilespmem:$0x1D000] =	vst v63  }
0x6a: {  	_ =	swait.ge [sflag:s15], $0x4000  }
0x6b: {  	[sflag:s15] =	ssyncset.done $0x0  }
0x6c: {  	s9 =	simm.s32 $0x580;
	[sflag:s15] =	ssyncadd.s32 $0xFFFFC000  }
0x6d: {  	[tilespmem:s19], [sflag:$0x2] =	stream.indirect.gather [hbm4b:s5+s17], $0x80, s9, s17, $0xb8;
	[tilespmem:$0x1D000] =	vst v63  }
0x6e: {  	_ =	swait.ge [sflag:s20], $0x4000  }
0x6f: {  	[sflag:s20] =	ssyncset.done $0x0  }
0x70: {  	s14 =	simm.s32 $0xD00;
	[sflag:s20] =	ssyncadd.s32 $0xFFFFC000  }
0x71: {  	[spmem:s2] =	stream.indirect.scatter.add.f32 [tilespmem:s18], [sflag:$0x3], $0x80, s14, s17, $0xb8;
	[tilespmem:$0x1D000] =	vst v63  }
0x72: {  	_ =	swait.ge [sflag:s15], $0x4000  }
0x73: {  	[sflag:s15] =	ssyncset.done $0x0  }
0x74: {  	s21 =	simm.s32 $0x600;
	[sflag:s15] =	ssyncadd.s32 $0xFFFFC000  }
0x75: {  	[tilespmem:s18], [sflag:$0x1] =	stream.indirect.gather [hbm4b:s5+s17], $0x80, s21, s17, $0xb8;
	[tilespmem:$0x1D000] =	vst v63  }
0x76: {  	_ =	swait.ge [sflag:s22], $0x4000  }
0x77: {  	[sflag:s22] =	ssyncset.done $0x0  }
0x78: {  	s23 =	simm.s32 $0xD80;
	[sflag:s22] =	ssyncadd.s32 $0xFFFFC000  }
0x79: {  	[spmem:s2] =	stream.indirect.scatter.add.f32 [tilespmem:s19], [sflag:$0x3], $0x80, s23, s17, $0xb8;
	[tilespmem:$0x1D000] =	vst v63  }
0x7a: {  	_ =	swait.ge [sflag:s15], $0x4000  }
0x7b: {  	[sflag:s15] =	ssyncset.done $0x0  }
0x7c: {  	s24 =	simm.s32 $0x680;
	[sflag:s15] =	ssyncadd.s32 $0xFFFFC000  }
0x7d: {  	[tilespmem:s19], [sflag:$0x2] =	stream.indirect.gather [hbm4b:s5+s17], $0x80, s24, s17, $0xb8;
	[tilespmem:$0x1D000] =	vst v63  }
0x7e: {  	_ =	swait.ge [sflag:s20], $0x4000  }
0x7f: {  	[sflag:s20] =	ssyncset.done $0x0  }
0x80: {  	s25 =	simm.s32 $0xE00;
	[sflag:s20] =	ssyncadd.s32 $0xFFFFC000  }
0x81: {  	[spmem:s2] =	stream.indirect.scatter.add.f32 [tilespmem:s18], [sflag:$0x3], $0x80, s25, s17, $0xb8;
	[tilespmem:$0x1D000] =	vst v63  }
0x82: {  	_ =	swait.ge [sflag:s15], $0x4000  }
0x83: {  	[sflag:s15] =	ssyncset.done $0x0  }
0x84: {  	s26 =	simm.s32 $0x700;
	[sflag:s15] =	ssyncadd.s32 $0xFFFFC000  }
0x85: {  	[tilespmem:s18], [sflag:$0x1] =	stream.indirect.gather [hbm4b:s5+s17], $0x80, s26, s17, $0xb8;
	[tilespmem:$0x1D000] =	vst v63  }
0x86: {  	_ =	swait.ge [sflag:s22], $0x4000  }
0x87: {  	[sflag:s22] =	ssyncset.done $0x0  }
0x88: {  	s28 =	simm.s32 $0xE80;
	[sflag:s22] =	ssyncadd.s32 $0xFFFFC000  }
0x89: {  	[spmem:s2] =	stream.indirect.scatter.add.f32 [tilespmem:s19], [sflag:$0x3], $0x80, s28, s17, $0xb8;
	[tilespmem:$0x1D000] =	vst v63  }
0x8a: {  	_ =	swait.ge [sflag:s15], $0x4000  }
0x8b: {  	[sflag:s15] =	ssyncset.done $0x0  }
0x8c: {  	s29 =	simm.s32 $0x780;
	[sflag:s15] =	ssyncadd.s32 $0xFFFFC000  }
0x8d: {  	[tilespmem:s19], [sflag:$0x2] =	stream.indirect.gather [hbm4b:s5+s17], $0x80, s29, s17, $0xb8;
	[tilespmem:$0x1D000] =	vst v63  }
0x8e: {  	_ =	swait.ge [sflag:s20], $0x4000  }
0x8f: {  	[sflag:s20] =	ssyncset.done $0x0  }
0x90: {  	s30 =	simm.s32 $0xF00;
	[sflag:s20] =	ssyncadd.s32 $0xFFFFC000  }
0x91: {  	[spmem:s2] =	stream.indirect.scatter.add.f32 [tilespmem:s18], [sflag:$0x3], $0x80, s30, s17, $0xb8;
	[tilespmem:$0x1D000] =	vst v63  }
0x92: {  	_ =	swait.ge [sflag:s15], $0x4000  }
0x93: {  	[sflag:s15] =	ssyncset.done $0x0  }
0x94: {  	[sflag:s15] =	ssyncadd.s32 $0xFFFFC000  }
0x95: {  	_ =	swait.ge [sflag:s22], $0x4000  }
0x96: {  	[sflag:s22] =	ssyncset.done $0x0  }
0x97: {  	s31 =	simm.s32 $0xF80;
	[sflag:s22] =	ssyncadd.s32 $0xFFFFC000  }
0x98: {  	[spmem:s2] =	stream.indirect.scatter.add.f32 [tilespmem:s19], [sflag:$0x3], $0x80, s31, s17, $0xb8;
	[tilespmem:$0x1D000] =	vst v63  }
0x99: {  	_ =	swait.ge [sflag:s15], $0x4000  }
0x9a: {  	[sflag:s15] =	ssyncset.done $0x0;
	s6 =	rddreg [dreg:$0x5]  }
0x9b: {  	s0 =	rddreg [dreg:$0xa];
	[sflag:s15] =	ssyncadd.s32 $0xFFFFC000  }
.LBB2_8:
0x9c: {  	s7 =	rddreg [dreg:$0x7];
	[bflag:$0x0] =	sbarrier.arrive $0xFFFF  }
0x9d: {  	s8 =	rddreg [dreg:$0x6]  }
0x9e: {  	s6 =	sadd.s32 s6, s7;
	s7 =	rddreg [dreg:$0x9]  }
0x9f: {  	[hbm:s6], [sflag:s8] =	dma.local [spmem:s7], $0x2800  }
0xa0: {  	_ =	swait.ge [sflag:s15], $0x2800  }
0xa1: {  	s0 =	sadd.s32 $0x1, s0;
	s31 =	rddreg [dreg:$0x8]  }
0xa2: {  	p1 =	sne.s32 s0, s31  }
.Ltmp1:
0xa3: {  	_ = 	snop;
	(pc) =	sbr.rel @!p1 .LBB2_9-.Ltmp1, $3  }
0xa4: {  	_ =	sdelay $0x1  }
0xa5: {  	[sflag:s15] =	ssyncset.done $0x0  }
0xa6: {  	[sflag:s15] =	ssyncadd.s32 $0xFFFFD800  }
.LBB2_1:
0xa7: {  	[dreg:$0xa] =	wrdreg s0  }
0xa8: {  	s6 =	rddreg [dreg:$0x3]  }
0xa9: {  	[spmem:s7], [sflag:s8] =	dma.local [hbm:s6], $0x2800  }
.Ltmp2:
0xaa: {  	_ =	swait.ge [sflag:s15], $0x2800;
	(pc) =	sbr.rel @p0 .LBB2_5-.Ltmp2, $4  }
0xab: {  	[sflag:s15] =	ssyncset.done $0x0  }
0xac: {  	[sflag:s15] =	ssyncadd.s32 $0xFFFFD800  }
0xad: {  	[bflag:$0x0] =	sbarrier.arrive $0xFFFF  }
0xae: {  	s6 =	sadd.s32 $0x0, s13  }
0xaf: {  	[tilespmem:s3], [sflag:$0x3] =	stream.linear.gather [hbm4b:s6+s3], $0x800, $0x38;
	[tilespmem:$0x1D000] =	vst v63  }
0xb0: {  	_ =	swait.ge [sflag:s15], $0x800  }
0xb1: {  	[sflag:s15] =	ssyncset.done $0x0  }
0xb2: {  	s9 =	sadd.s32 $0x0, s12;
	[sflag:s15] =	ssyncadd.s32 $0xFFFFF800  }
0xb3: {  	[tilespmem:s16], [sflag:$0x3] =	stream.linear.gather [hbm4b:s9+s3], $0x800, $0x38;
	[tilespmem:$0x1D000] =	vst v63  }
0xb4: {  	_ =	swait.ge [sflag:s15], $0x800  }
0xb5: {  	[sflag:s15] =	ssyncset.done $0x0  }
0xb6: {  	[sflag:s15] =	ssyncadd.s32 $0xFFFFF800  }
0xb7: {  	[tilespmem:s18], [sflag:$0x1] =	stream.indirect.gather [hbm4b:s4+s17], $0x80, s3, s17, $0xb8;
	[tilespmem:$0x1D000] =	vst v63  }
0xb8: {  	_ = 	snop  }
0xb9: {  	[tilespmem:s19], [sflag:$0x2] =	stream.indirect.gather [hbm4b:s4+s17], $0x80, s17, s17, $0xb8;
	[tilespmem:$0x1D000] =	vst v63  }
0xba: {  	_ =	swait.ge [sflag:s20], $0x4000  }
0xbb: {  	[sflag:s20] =	ssyncset.done $0x0  }
0xbc: {  	[sflag:s20] =	ssyncadd.s32 $0xFFFFC000  }
0xbd: {  	[spmem:s2] =	stream.indirect.scatter.add.f32 [tilespmem:s18], [sflag:$0x3], $0x80, s16, s17, $0xb8;
	[tilespmem:$0x1D000] =	vst v63  }
0xbe: {  	_ =	swait.ge [sflag:s15], $0x4000  }
0xbf: {  	[sflag:s15] =	ssyncset.done $0x0  }
0xc0: {  	[sflag:s15] =	ssyncadd.s32 $0xFFFFC000  }
0xc1: {  	[tilespmem:s18], [sflag:$0x1] =	stream.indirect.gather [hbm4b:s4+s17], $0x80, s10, s17, $0xb8;
	[tilespmem:$0x1D000] =	vst v63  }
0xc2: {  	_ =	swait.ge [sflag:s22], $0x4000  }
0xc3: {  	[sflag:s22] =	ssyncset.done $0x0  }
0xc4: {  	[sflag:s22] =	ssyncadd.s32 $0xFFFFC000  }
0xc5: {  	[spmem:s2] =	stream.indirect.scatter.add.f32 [tilespmem:s19], [sflag:$0x3], $0x80, s11, s17, $0xb8;
	[tilespmem:$0x1D000] =	vst v63  }
0xc6: {  	_ =	swait.ge [sflag:s15], $0x4000  }
0xc7: {  	[sflag:s15] =	ssyncset.done $0x0  }
0xc8: {  	s9 =	simm.s32 $0x180;
	[sflag:s15] =	ssyncadd.s32 $0xFFFFC000  }
0xc9: {  	[tilespmem:s19], [sflag:$0x2] =	stream.indirect.gather [hbm4b:s4+s17], $0x80, s9, s17, $0xb8;
	[tilespmem:$0x1D000] =	vst v63  }
0xca: {  	_ =	swait.ge [sflag:s20], $0x4000  }
0xcb: {  	[sflag:s20] =	ssyncset.done $0x0  }
0xcc: {  	s14 =	simm.s32 $0x900;
	[sflag:s20] =	ssyncadd.s32 $0xFFFFC000  }
0xcd: {  	[spmem:s2] =	stream.indirect.scatter.add.f32 [tilespmem:s18], [sflag:$0x3], $0x80, s14, s17, $0xb8;
	[tilespmem:$0x1D000] =	vst v63  }
0xce: {  	_ =	swait.ge [sflag:s15], $0x4000  }
0xcf: {  	[sflag:s15] =	ssyncset.done $0x0  }
0xd0: {  	s21 =	simm.s32 $0x200;
	[sflag:s15] =	ssyncadd.s32 $0xFFFFC000  }
0xd1: {  	[tilespmem:s18], [sflag:$0x1] =	stream.indirect.gather [hbm4b:s4+s17], $0x80, s21, s17, $0xb8;
	[tilespmem:$0x1D000] =	vst v63  }
0xd2: {  	_ =	swait.ge [sflag:s22], $0x4000  }
0xd3: {  	[sflag:s22] =	ssyncset.done $0x0  }
0xd4: {  	s23 =	simm.s32 $0x980;
	[sflag:s22] =	ssyncadd.s32 $0xFFFFC000  }
0xd5: {  	[spmem:s2] =	stream.indirect.scatter.add.f32 [tilespmem:s19], [sflag:$0x3], $0x80, s23, s17, $0xb8;
	[tilespmem:$0x1D000] =	vst v63  }
0xd6: {  	_ =	swait.ge [sflag:s15], $0x4000  }
0xd7: {  	[sflag:s15] =	ssyncset.done $0x0  }
0xd8: {  	s24 =	simm.s32 $0x280;
	[sflag:s15] =	ssyncadd.s32 $0xFFFFC000  }
0xd9: {  	[tilespmem:s19], [sflag:$0x2] =	stream.indirect.gather [hbm4b:s4+s17], $0x80, s24, s17, $0xb8;
	[tilespmem:$0x1D000] =	vst v63  }
0xda: {  	_ =	swait.ge [sflag:s20], $0x4000  }
0xdb: {  	[sflag:s20] =	ssyncset.done $0x0  }
0xdc: {  	s25 =	simm.s32 $0xA00;
	[sflag:s20] =	ssyncadd.s32 $0xFFFFC000  }
0xdd: {  	[spmem:s2] =	stream.indirect.scatter.add.f32 [tilespmem:s18], [sflag:$0x3], $0x80, s25, s17, $0xb8;
	[tilespmem:$0x1D000] =	vst v63  }
0xde: {  	_ =	swait.ge [sflag:s15], $0x4000  }
0xdf: {  	[sflag:s15] =	ssyncset.done $0x0  }
0xe0: {  	s26 =	simm.s32 $0x300;
	[sflag:s15] =	ssyncadd.s32 $0xFFFFC000  }
0xe1: {  	[tilespmem:s18], [sflag:$0x1] =	stream.indirect.gather [hbm4b:s4+s17], $0x80, s26, s17, $0xb8;
	[tilespmem:$0x1D000] =	vst v63  }
0xe2: {  	_ =	swait.ge [sflag:s22], $0x4000  }
0xe3: {  	[sflag:s22] =	ssyncset.done $0x0  }
0xe4: {  	s28 =	simm.s32 $0xA80;
	[sflag:s22] =	ssyncadd.s32 $0xFFFFC000  }
0xe5: {  	[spmem:s2] =	stream.indirect.scatter.add.f32 [tilespmem:s19], [sflag:$0x3], $0x80, s28, s17, $0xb8;
	[tilespmem:$0x1D000] =	vst v63  }
0xe6: {  	_ =	swait.ge [sflag:s15], $0x4000  }
0xe7: {  	[sflag:s15] =	ssyncset.done $0x0  }
0xe8: {  	s29 =	simm.s32 $0x380;
	[sflag:s15] =	ssyncadd.s32 $0xFFFFC000  }
0xe9: {  	[tilespmem:s19], [sflag:$0x2] =	stream.indirect.gather [hbm4b:s4+s17], $0x80, s29, s17, $0xb8;
	[tilespmem:$0x1D000] =	vst v63  }
0xea: {  	_ =	swait.ge [sflag:s20], $0x4000  }
0xeb: {  	[sflag:s20] =	ssyncset.done $0x0  }
0xec: {  	s30 =	simm.s32 $0xB00;
	[sflag:s20] =	ssyncadd.s32 $0xFFFFC000  }
0xed: {  	[spmem:s2] =	stream.indirect.scatter.add.f32 [tilespmem:s18], [sflag:$0x3], $0x80, s30, s17, $0xb8;
	[tilespmem:$0x1D000] =	vst v63  }
0xee: {  	_ =	swait.ge [sflag:s15], $0x4000  }
0xef: {  	[sflag:s15] =	ssyncset.done $0x0  }
0xf0: {  	s31 =	simm.s32 $0x400;
	[sflag:s15] =	ssyncadd.s32 $0xFFFFC000  }
0xf1: {  	[tilespmem:s18], [sflag:$0x1] =	stream.indirect.gather [hbm4b:s4+s17], $0x80, s31, s17, $0xb8;
	[tilespmem:$0x1D000] =	vst v63  }
0xf2: {  	_ =	swait.ge [sflag:s22], $0x4000  }
0xf3: {  	[sflag:s22] =	ssyncset.done $0x0  }
0xf4: {  	s0 =	simm.s32 $0xB80;
	[sflag:s22] =	ssyncadd.s32 $0xFFFFC000  }
0xf5: {  	[spmem:s2] =	stream.indirect.scatter.add.f32 [tilespmem:s19], [sflag:$0x3], $0x80, s0, s17, $0xb8;
	[tilespmem:$0x1D000] =	vst v63  }
0xf6: {  	_ =	swait.ge [sflag:s15], $0x4000  }
0xf7: {  	[sflag:s15] =	ssyncset.done $0x0  }
0xf8: {  	s1 =	simm.s32 $0x480;
	[sflag:s15] =	ssyncadd.s32 $0xFFFFC000  }
0xf9: {  	[tilespmem:s19], [sflag:$0x2] =	stream.indirect.gather [hbm4b:s4+s17], $0x80, s1, s17, $0xb8;
	[tilespmem:$0x1D000] =	vst v63  }
0xfa: {  	_ =	swait.ge [sflag:s20], $0x4000  }
0xfb: {  	[sflag:s20] =	ssyncset.done $0x0  }
0xfc: {  	s10 =	simm.s32 $0xC00;
	[sflag:s20] =	ssyncadd.s32 $0xFFFFC000  }
0xfd: {  	[spmem:s2] =	stream.indirect.scatter.add.f32 [tilespmem:s18], [sflag:$0x3], $0x80, s10, s17, $0xb8;
	[tilespmem:$0x1D000] =	vst v63  }
0xfe: {  	_ =	swait.ge [sflag:s15], $0x4000  }
0xff: {  	[sflag:s15] =	ssyncset.done $0x0  }
0x100: {  	s11 =	simm.s32 $0x500;
	[sflag:s15] =	ssyncadd.s32 $0xFFFFC000  }
0x101: {  	[tilespmem:s18], [sflag:$0x1] =	stream.indirect.gather [hbm4b:s4+s17], $0x80, s11, s17, $0xb8;
	[tilespmem:$0x1D000] =	vst v63  }
0x102: {  	_ =	swait.ge [sflag:s22], $0x4000  }
0x103: {  	[sflag:s22] =	ssyncset.done $0x0  }
0x104: {  	s7 =	simm.s32 $0xC80;
	[sflag:s22] =	ssyncadd.s32 $0xFFFFC000  }
0x105: {  	[spmem:s2] =	stream.indirect.scatter.add.f32 [tilespmem:s19], [sflag:$0x3], $0x80, s7, s17, $0xb8;
	[tilespmem:$0x1D000] =	vst v63  }
0x106: {  	_ =	swait.ge [sflag:s15], $0x4000  }
0x107: {  	[sflag:s15] =	ssyncset.done $0x0  }
0x108: {  	s8 =	simm.s32 $0x580;
	[sflag:s15] =	ssyncadd.s32 $0xFFFFC000  }
0x109: {  	[tilespmem:s19], [sflag:$0x2] =	stream.indirect.gather [hbm4b:s4+s17], $0x80, s8, s17, $0xb8;
	[tilespmem:$0x1D000] =	vst v63  }
0x10a: {  	_ =	swait.ge [sflag:s20], $0x4000  }
0x10b: {  	[sflag:s20] =	ssyncset.done $0x0  }
0x10c: {  	s10 =	simm.s32 $0xD00;
	[sflag:s20] =	ssyncadd.s32 $0xFFFFC000  }
0x10d: {  	[spmem:s2] =	stream.indirect.scatter.add.f32 [tilespmem:s18], [sflag:$0x3], $0x80, s10, s17, $0xb8;
	[tilespmem:$0x1D000] =	vst v63  }
0x10e: {  	_ =	swait.ge [sflag:s15], $0x4000  }
0x10f: {  	[sflag:s15] =	ssyncset.done $0x0  }
0x110: {  	s11 =	simm.s32 $0x600;
	[sflag:s15] =	ssyncadd.s32 $0xFFFFC000  }
0x111: {  	[tilespmem:s18], [sflag:$0x1] =	stream.indirect.gather [hbm4b:s4+s17], $0x80, s11, s17, $0xb8;
	[tilespmem:$0x1D000] =	vst v63  }
0x112: {  	_ =	swait.ge [sflag:s22], $0x4000  }
0x113: {  	[sflag:s22] =	ssyncset.done $0x0  }
0x114: {  	s7 =	simm.s32 $0xD80;
	[sflag:s22] =	ssyncadd.s32 $0xFFFFC000  }
0x115: {  	[spmem:s2] =	stream.indirect.scatter.add.f32 [tilespmem:s19], [sflag:$0x3], $0x80, s7, s17, $0xb8;
	[tilespmem:$0x1D000] =	vst v63  }
0x116: {  	_ =	swait.ge [sflag:s15], $0x4000  }
0x117: {  	[sflag:s15] =	ssyncset.done $0x0  }
0x118: {  	s8 =	simm.s32 $0x680;
	[sflag:s15] =	ssyncadd.s32 $0xFFFFC000  }
0x119: {  	[tilespmem:s19], [sflag:$0x2] =	stream.indirect.gather [hbm4b:s4+s17], $0x80, s8, s17, $0xb8;
	[tilespmem:$0x1D000] =	vst v63  }
0x11a: {  	_ =	swait.ge [sflag:s20], $0x4000  }
0x11b: {  	[sflag:s20] =	ssyncset.done $0x0  }
0x11c: {  	s10 =	simm.s32 $0xE00;
	[sflag:s20] =	ssyncadd.s32 $0xFFFFC000  }
0x11d: {  	[spmem:s2] =	stream.indirect.scatter.add.f32 [tilespmem:s18], [sflag:$0x3], $0x80, s10, s17, $0xb8;
	[tilespmem:$0x1D000] =	vst v63  }
0x11e: {  	_ =	swait.ge [sflag:s15], $0x4000  }
0x11f: {  	[sflag:s15] =	ssyncset.done $0x0  }
0x120: {  	s11 =	simm.s32 $0x700;
	[sflag:s15] =	ssyncadd.s32 $0xFFFFC000  }
0x121: {  	[tilespmem:s18], [sflag:$0x1] =	stream.indirect.gather [hbm4b:s4+s17], $0x80, s11, s17, $0xb8;
	[tilespmem:$0x1D000] =	vst v63  }
0x122: {  	_ =	swait.ge [sflag:s22], $0x4000  }
0x123: {  	[sflag:s22] =	ssyncset.done $0x0  }
0x124: {  	s7 =	simm.s32 $0xE80;
	[sflag:s22] =	ssyncadd.s32 $0xFFFFC000  }
0x125: {  	[spmem:s2] =	stream.indirect.scatter.add.f32 [tilespmem:s19], [sflag:$0x3], $0x80, s7, s17, $0xb8;
	[tilespmem:$0x1D000] =	vst v63  }
0x126: {  	_ =	swait.ge [sflag:s15], $0x4000  }
0x127: {  	[sflag:s15] =	ssyncset.done $0x0  }
0x128: {  	s8 =	simm.s32 $0x780;
	[sflag:s15] =	ssyncadd.s32 $0xFFFFC000  }
0x129: {  	[tilespmem:s19], [sflag:$0x2] =	stream.indirect.gather [hbm4b:s4+s17], $0x80, s8, s17, $0xb8;
	[tilespmem:$0x1D000] =	vst v63  }
0x12a: {  	_ =	swait.ge [sflag:s20], $0x4000  }
0x12b: {  	[sflag:s20] =	ssyncset.done $0x0  }
0x12c: {  	s10 =	simm.s32 $0xF00;
	[sflag:s20] =	ssyncadd.s32 $0xFFFFC000  }
0x12d: {  	[spmem:s2] =	stream.indirect.scatter.add.f32 [tilespmem:s18], [sflag:$0x3], $0x80, s10, s17, $0xb8;
	[tilespmem:$0x1D000] =	vst v63  }
0x12e: {  	_ =	swait.ge [sflag:s15], $0x4000  }
0x12f: {  	[sflag:s15] =	ssyncset.done $0x0  }
0x130: {  	[sflag:s15] =	ssyncadd.s32 $0xFFFFC000  }
0x131: {  	_ =	swait.ge [sflag:s22], $0x4000  }
0x132: {  	[sflag:s22] =	ssyncset.done $0x0  }
0x133: {  	s11 =	simm.s32 $0xF80;
	[sflag:s22] =	ssyncadd.s32 $0xFFFFC000  }
0x134: {  	[spmem:s2] =	stream.indirect.scatter.add.f32 [tilespmem:s19], [sflag:$0x3], $0x80, s11, s17, $0xb8;
	[tilespmem:$0x1D000] =	vst v63  }
0x135: {  	_ =	swait.ge [sflag:s15], $0x4000  }
0x136: {  	s7 =	simm.s32 $0x100;
	s8 =	simm.s32 $0x200;
	[sflag:s15] =	ssyncset.done $0x0  }
.LBB2_3:
0x137: {  	s10 =	sadd.s32 s7, s13  }
0x138: {  	[sflag:s15] =	ssyncadd.s32 $0xFFFFC000;
	s11 =	smov.u32 s8;
	s6 =	sadd.s32 $0x100, s8  }
0x139: {  	[tilespmem:s3], [sflag:$0x3] =	stream.linear.gather [hbm4b:s10+s3], $0x800, $0x38;
	[tilespmem:$0x1D000] =	vst v63  }
0x13a: {  	s10 =	simm.s32 $0x100  }
0x13b: {  	p1 =	seq.s32 s8, $0x900;
	_ =	swait.ge [sflag:s15], $0x800  }
0x13c: {  	s8 =	sadd.s32 s7, s12;
	[sflag:s15] =	ssyncset.done $0x0  }
0x13d: {  	s7 =	smov.u32 s11;
	s11 =	simm.s32 $0x880;
	[sflag:s15] =	ssyncadd.s32 $0xFFFFF800  }
0x13e: {  	[tilespmem:s16], [sflag:$0x3] =	stream.linear.gather [hbm4b:s8+s3], $0x800, $0x38;
	[tilespmem:$0x1D000] =	vst v63  }
0x13f: {  	_ =	swait.ge [sflag:s15], $0x800  }
0x140: {  	[sflag:s15] =	ssyncset.done $0x0  }
0x141: {  	[sflag:s15] =	ssyncadd.s32 $0xFFFFF800  }
0x142: {  	[tilespmem:s18], [sflag:$0x1] =	stream.indirect.gather [hbm4b:s4+s17], $0x80, s3, s17, $0xb8;
	[tilespmem:$0x1D000] =	vst v63  }
0x143: {  	_ = 	snop  }
0x144: {  	[tilespmem:s19], [sflag:$0x2] =	stream.indirect.gather [hbm4b:s4+s17], $0x80, s17, s17, $0xb8;
	[tilespmem:$0x1D000] =	vst v63  }
0x145: {  	_ =	swait.ge [sflag:s20], $0x4000  }
0x146: {  	[sflag:s20] =	ssyncset.done $0x0  }
0x147: {  	[sflag:s20] =	ssyncadd.s32 $0xFFFFC000  }
0x148: {  	[spmem:s2] =	stream.indirect.scatter.add.f32 [tilespmem:s18], [sflag:$0x3], $0x80, s16, s17, $0xb8;
	[tilespmem:$0x1D000] =	vst v63  }
0x149: {  	_ =	swait.ge [sflag:s15], $0x4000  }
0x14a: {  	[sflag:s15] =	ssyncset.done $0x0  }
0x14b: {  	[sflag:s15] =	ssyncadd.s32 $0xFFFFC000  }
0x14c: {  	[tilespmem:s18], [sflag:$0x1] =	stream.indirect.gather [hbm4b:s4+s17], $0x80, s10, s17, $0xb8;
	[tilespmem:$0x1D000] =	vst v63  }
0x14d: {  	_ =	swait.ge [sflag:s22], $0x4000  }
0x14e: {  	[sflag:s22] =	ssyncset.done $0x0  }
0x14f: {  	[sflag:s22] =	ssyncadd.s32 $0xFFFFC000  }
0x150: {  	[spmem:s2] =	stream.indirect.scatter.add.f32 [tilespmem:s19], [sflag:$0x3], $0x80, s11, s17, $0xb8;
	[tilespmem:$0x1D000] =	vst v63  }
0x151: {  	_ =	swait.ge [sflag:s15], $0x4000  }
0x152: {  	[sflag:s15] =	ssyncset.done $0x0  }
0x153: {  	[sflag:s15] =	ssyncadd.s32 $0xFFFFC000  }
0x154: {  	[tilespmem:s19], [sflag:$0x2] =	stream.indirect.gather [hbm4b:s4+s17], $0x80, s9, s17, $0xb8;
	[tilespmem:$0x1D000] =	vst v63  }
0x155: {  	_ =	swait.ge [sflag:s20], $0x4000  }
0x156: {  	[sflag:s20] =	ssyncset.done $0x0  }
0x157: {  	[sflag:s20] =	ssyncadd.s32 $0xFFFFC000  }
0x158: {  	[spmem:s2] =	stream.indirect.scatter.add.f32 [tilespmem:s18], [sflag:$0x3], $0x80, s14, s17, $0xb8;
	[tilespmem:$0x1D000] =	vst v63  }
0x159: {  	_ =	swait.ge [sflag:s15], $0x4000  }
0x15a: {  	[sflag:s15] =	ssyncset.done $0x0  }
0x15b: {  	[sflag:s15] =	ssyncadd.s32 $0xFFFFC000  }
0x15c: {  	[tilespmem:s18], [sflag:$0x1] =	stream.indirect.gather [hbm4b:s4+s17], $0x80, s21, s17, $0xb8;
	[tilespmem:$0x1D000] =	vst v63  }
0x15d: {  	_ =	swait.ge [sflag:s22], $0x4000  }
0x15e: {  	[sflag:s22] =	ssyncset.done $0x0  }
0x15f: {  	[sflag:s22] =	ssyncadd.s32 $0xFFFFC000  }
0x160: {  	[spmem:s2] =	stream.indirect.scatter.add.f32 [tilespmem:s19], [sflag:$0x3], $0x80, s23, s17, $0xb8;
	[tilespmem:$0x1D000] =	vst v63  }
0x161: {  	_ =	swait.ge [sflag:s15], $0x4000  }
0x162: {  	[sflag:s15] =	ssyncset.done $0x0  }
0x163: {  	[sflag:s15] =	ssyncadd.s32 $0xFFFFC000  }
0x164: {  	[tilespmem:s19], [sflag:$0x2] =	stream.indirect.gather [hbm4b:s4+s17], $0x80, s24, s17, $0xb8;
	[tilespmem:$0x1D000] =	vst v63  }
0x165: {  	_ =	swait.ge [sflag:s20], $0x4000  }
0x166: {  	[sflag:s20] =	ssyncset.done $0x0  }
0x167: {  	[sflag:s20] =	ssyncadd.s32 $0xFFFFC000  }
0x168: {  	[spmem:s2] =	stream.indirect.scatter.add.f32 [tilespmem:s18], [sflag:$0x3], $0x80, s25, s17, $0xb8;
	[tilespmem:$0x1D000] =	vst v63  }
0x169: {  	_ =	swait.ge [sflag:s15], $0x4000  }
0x16a: {  	[sflag:s15] =	ssyncset.done $0x0  }
0x16b: {  	[sflag:s15] =	ssyncadd.s32 $0xFFFFC000  }
0x16c: {  	[tilespmem:s18], [sflag:$0x1] =	stream.indirect.gather [hbm4b:s4+s17], $0x80, s26, s17, $0xb8;
	[tilespmem:$0x1D000] =	vst v63  }
0x16d: {  	_ =	swait.ge [sflag:s22], $0x4000  }
0x16e: {  	[sflag:s22] =	ssyncset.done $0x0  }
0x16f: {  	[sflag:s22] =	ssyncadd.s32 $0xFFFFC000  }
0x170: {  	[spmem:s2] =	stream.indirect.scatter.add.f32 [tilespmem:s19], [sflag:$0x3], $0x80, s28, s17, $0xb8;
	[tilespmem:$0x1D000] =	vst v63  }
0x171: {  	_ =	swait.ge [sflag:s15], $0x4000  }
0x172: {  	[sflag:s15] =	ssyncset.done $0x0  }
0x173: {  	[sflag:s15] =	ssyncadd.s32 $0xFFFFC000  }
0x174: {  	[tilespmem:s19], [sflag:$0x2] =	stream.indirect.gather [hbm4b:s4+s17], $0x80, s29, s17, $0xb8;
	[tilespmem:$0x1D000] =	vst v63  }
0x175: {  	_ =	swait.ge [sflag:s20], $0x4000  }
0x176: {  	[sflag:s20] =	ssyncset.done $0x0  }
0x177: {  	[sflag:s20] =	ssyncadd.s32 $0xFFFFC000  }
0x178: {  	[spmem:s2] =	stream.indirect.scatter.add.f32 [tilespmem:s18], [sflag:$0x3], $0x80, s30, s17, $0xb8;
	[tilespmem:$0x1D000] =	vst v63  }
0x179: {  	_ =	swait.ge [sflag:s15], $0x4000  }
0x17a: {  	[sflag:s15] =	ssyncset.done $0x0  }
0x17b: {  	[sflag:s15] =	ssyncadd.s32 $0xFFFFC000  }
0x17c: {  	[tilespmem:s18], [sflag:$0x1] =	stream.indirect.gather [hbm4b:s4+s17], $0x80, s31, s17, $0xb8;
	[tilespmem:$0x1D000] =	vst v63  }
0x17d: {  	_ =	swait.ge [sflag:s22], $0x4000  }
0x17e: {  	[sflag:s22] =	ssyncset.done $0x0  }
0x17f: {  	[sflag:s22] =	ssyncadd.s32 $0xFFFFC000  }
0x180: {  	[spmem:s2] =	stream.indirect.scatter.add.f32 [tilespmem:s19], [sflag:$0x3], $0x80, s0, s17, $0xb8;
	[tilespmem:$0x1D000] =	vst v63  }
0x181: {  	_ =	swait.ge [sflag:s15], $0x4000  }
0x182: {  	[sflag:s15] =	ssyncset.done $0x0  }
0x183: {  	[sflag:s15] =	ssyncadd.s32 $0xFFFFC000  }
0x184: {  	[tilespmem:s19], [sflag:$0x2] =	stream.indirect.gather [hbm4b:s4+s17], $0x80, s1, s17, $0xb8;
	[tilespmem:$0x1D000] =	vst v63  }
0x185: {  	_ =	swait.ge [sflag:s20], $0x4000  }
0x186: {  	[sflag:s20] =	ssyncset.done $0x0  }
0x187: {  	s8 =	simm.s32 $0xC00;
	[sflag:s20] =	ssyncadd.s32 $0xFFFFC000  }
0x188: {  	[spmem:s2] =	stream.indirect.scatter.add.f32 [tilespmem:s18], [sflag:$0x3], $0x80, s8, s17, $0xb8;
	[tilespmem:$0x1D000] =	vst v63  }
0x189: {  	_ =	swait.ge [sflag:s15], $0x4000  }
0x18a: {  	[sflag:s15] =	ssyncset.done $0x0  }
0x18b: {  	s8 =	simm.s32 $0x500;
	[sflag:s15] =	ssyncadd.s32 $0xFFFFC000  }
0x18c: {  	[tilespmem:s18], [sflag:$0x1] =	stream.indirect.gather [hbm4b:s4+s17], $0x80, s8, s17, $0xb8;
	[tilespmem:$0x1D000] =	vst v63  }
0x18d: {  	_ =	swait.ge [sflag:s22], $0x4000  }
0x18e: {  	[sflag:s22] =	ssyncset.done $0x0  }
0x18f: {  	s8 =	simm.s32 $0xC80;
	[sflag:s22] =	ssyncadd.s32 $0xFFFFC000  }
0x190: {  	[spmem:s2] =	stream.indirect.scatter.add.f32 [tilespmem:s19], [sflag:$0x3], $0x80, s8, s17, $0xb8;
	[tilespmem:$0x1D000] =	vst v63  }
0x191: {  	_ =	swait.ge [sflag:s15], $0x4000  }
0x192: {  	[sflag:s15] =	ssyncset.done $0x0  }
0x193: {  	s8 =	simm.s32 $0x580;
	[sflag:s15] =	ssyncadd.s32 $0xFFFFC000  }
0x194: {  	[tilespmem:s19], [sflag:$0x2] =	stream.indirect.gather [hbm4b:s4+s17], $0x80, s8, s17, $0xb8;
	[tilespmem:$0x1D000] =	vst v63  }
0x195: {  	_ =	swait.ge [sflag:s20], $0x4000  }
0x196: {  	[sflag:s20] =	ssyncset.done $0x0  }
0x197: {  	s8 =	simm.s32 $0xD00;
	[sflag:s20] =	ssyncadd.s32 $0xFFFFC000  }
0x198: {  	[spmem:s2] =	stream.indirect.scatter.add.f32 [tilespmem:s18], [sflag:$0x3], $0x80, s8, s17, $0xb8;
	[tilespmem:$0x1D000] =	vst v63  }
0x199: {  	_ =	swait.ge [sflag:s15], $0x4000  }
0x19a: {  	[sflag:s15] =	ssyncset.done $0x0  }
0x19b: {  	s8 =	simm.s32 $0x600;
	[sflag:s15] =	ssyncadd.s32 $0xFFFFC000  }
0x19c: {  	[tilespmem:s18], [sflag:$0x1] =	stream.indirect.gather [hbm4b:s4+s17], $0x80, s8, s17, $0xb8;
	[tilespmem:$0x1D000] =	vst v63  }
0x19d: {  	_ =	swait.ge [sflag:s22], $0x4000  }
0x19e: {  	[sflag:s22] =	ssyncset.done $0x0  }
0x19f: {  	s8 =	simm.s32 $0xD80;
	[sflag:s22] =	ssyncadd.s32 $0xFFFFC000  }
0x1a0: {  	[spmem:s2] =	stream.indirect.scatter.add.f32 [tilespmem:s19], [sflag:$0x3], $0x80, s8, s17, $0xb8;
	[tilespmem:$0x1D000] =	vst v63  }
0x1a1: {  	_ =	swait.ge [sflag:s15], $0x4000  }
0x1a2: {  	[sflag:s15] =	ssyncset.done $0x0  }
0x1a3: {  	s8 =	simm.s32 $0x680;
	[sflag:s15] =	ssyncadd.s32 $0xFFFFC000  }
0x1a4: {  	[tilespmem:s19], [sflag:$0x2] =	stream.indirect.gather [hbm4b:s4+s17], $0x80, s8, s17, $0xb8;
	[tilespmem:$0x1D000] =	vst v63  }
0x1a5: {  	_ =	swait.ge [sflag:s20], $0x4000  }
0x1a6: {  	[sflag:s20] =	ssyncset.done $0x0  }
0x1a7: {  	s8 =	simm.s32 $0xE00;
	[sflag:s20] =	ssyncadd.s32 $0xFFFFC000  }
0x1a8: {  	[spmem:s2] =	stream.indirect.scatter.add.f32 [tilespmem:s18], [sflag:$0x3], $0x80, s8, s17, $0xb8;
	[tilespmem:$0x1D000] =	vst v63  }
0x1a9: {  	_ =	swait.ge [sflag:s15], $0x4000  }
0x1aa: {  	[sflag:s15] =	ssyncset.done $0x0  }
0x1ab: {  	s8 =	simm.s32 $0x700;
	[sflag:s15] =	ssyncadd.s32 $0xFFFFC000  }
0x1ac: {  	[tilespmem:s18], [sflag:$0x1] =	stream.indirect.gather [hbm4b:s4+s17], $0x80, s8, s17, $0xb8;
	[tilespmem:$0x1D000] =	vst v63  }
0x1ad: {  	_ =	swait.ge [sflag:s22], $0x4000  }
0x1ae: {  	[sflag:s22] =	ssyncset.done $0x0  }
0x1af: {  	s8 =	simm.s32 $0xE80;
	[sflag:s22] =	ssyncadd.s32 $0xFFFFC000  }
0x1b0: {  	[spmem:s2] =	stream.indirect.scatter.add.f32 [tilespmem:s19], [sflag:$0x3], $0x80, s8, s17, $0xb8;
	[tilespmem:$0x1D000] =	vst v63  }
0x1b1: {  	_ =	swait.ge [sflag:s15], $0x4000  }
0x1b2: {  	[sflag:s15] =	ssyncset.done $0x0  }
0x1b3: {  	s8 =	simm.s32 $0x780;
	[sflag:s15] =	ssyncadd.s32 $0xFFFFC000  }
0x1b4: {  	[tilespmem:s19], [sflag:$0x2] =	stream.indirect.gather [hbm4b:s4+s17], $0x80, s8, s17, $0xb8;
	[tilespmem:$0x1D000] =	vst v63  }
0x1b5: {  	_ =	swait.ge [sflag:s20], $0x4000  }
0x1b6: {  	[sflag:s20] =	ssyncset.done $0x0  }
0x1b7: {  	s8 =	simm.s32 $0xF00;
	[sflag:s20] =	ssyncadd.s32 $0xFFFFC000  }
0x1b8: {  	[spmem:s2] =	stream.indirect.scatter.add.f32 [tilespmem:s18], [sflag:$0x3], $0x80, s8, s17, $0xb8;
	[tilespmem:$0x1D000] =	vst v63  }
0x1b9: {  	_ =	swait.ge [sflag:s15], $0x4000  }
0x1ba: {  	[sflag:s15] =	ssyncset.done $0x0  }
0x1bb: {  	[sflag:s15] =	ssyncadd.s32 $0xFFFFC000  }
0x1bc: {  	_ =	swait.ge [sflag:s22], $0x4000  }
.Ltmp3:
0x1bd: {  	[sflag:s22] =	ssyncset.done $0x0;
	(pc) =	sbr.rel @!p1 .LBB2_3-.Ltmp3, $4  }
0x1be: {  	s8 =	simm.s32 $0xF80;
	[sflag:s22] =	ssyncadd.s32 $0xFFFFC000  }
0x1bf: {  	[spmem:s2] =	stream.indirect.scatter.add.f32 [tilespmem:s19], [sflag:$0x3], $0x80, s8, s17, $0xb8;
	[tilespmem:$0x1D000] =	vst v63  }
0x1c0: {  	_ =	swait.ge [sflag:s15], $0x4000  }
0x1c1: {  	s8 =	smov.u32 s6;
	[sflag:s15] =	ssyncset.done $0x0  }
0x1c2: {  	s6 =	sadd.s32 s7, s13;
	[sflag:s15] =	ssyncadd.s32 $0xFFFFC000  }
0x1c3: {  	[tilespmem:s3], [sflag:$0x3] =	stream.linear.gather [hbm4b:s6+s3], $0x800, $0x38;
	[tilespmem:$0x1D000] =	vst v63  }
0x1c4: {  	_ =	swait.ge [sflag:s15], $0x800  }
0x1c5: {  	[sflag:s15] =	ssyncset.done $0x0  }
0x1c6: {  	s8 =	sadd.s32 s7, s12;
	[sflag:s15] =	ssyncadd.s32 $0xFFFFF800  }
0x1c7: {  	[tilespmem:s16], [sflag:$0x3] =	stream.linear.gather [hbm4b:s8+s3], $0x800, $0x38;
	[tilespmem:$0x1D000] =	vst v63  }
0x1c8: {  	_ =	swait.ge [sflag:s15], $0x800  }
0x1c9: {  	[sflag:s15] =	ssyncset.done $0x0  }
0x1ca: {  	[sflag:s15] =	ssyncadd.s32 $0xFFFFF800  }
0x1cb: {  	[tilespmem:s18], [sflag:$0x1] =	stream.indirect.gather [hbm4b:s4+s17], $0x80, s3, s17, $0xb8;
	[tilespmem:$0x1D000] =	vst v63  }
0x1cc: {  	_ = 	snop  }
0x1cd: {  	[tilespmem:s19], [sflag:$0x2] =	stream.indirect.gather [hbm4b:s4+s17], $0x80, s17, s17, $0xb8;
	[tilespmem:$0x1D000] =	vst v63  }
0x1ce: {  	_ =	swait.ge [sflag:s20], $0x4000  }
0x1cf: {  	[sflag:s20] =	ssyncset.done $0x0  }
0x1d0: {  	[sflag:s20] =	ssyncadd.s32 $0xFFFFC000  }
0x1d1: {  	[spmem:s2] =	stream.indirect.scatter.add.f32 [tilespmem:s18], [sflag:$0x3], $0x80, s16, s17, $0xb8;
	[tilespmem:$0x1D000] =	vst v63  }
0x1d2: {  	_ =	swait.ge [sflag:s15], $0x4000  }
0x1d3: {  	[sflag:s15] =	ssyncset.done $0x0  }
0x1d4: {  	[sflag:s15] =	ssyncadd.s32 $0xFFFFC000  }
0x1d5: {  	[tilespmem:s18], [sflag:$0x1] =	stream.indirect.gather [hbm4b:s4+s17], $0x80, s10, s17, $0xb8;
	[tilespmem:$0x1D000] =	vst v63  }
0x1d6: {  	_ =	swait.ge [sflag:s22], $0x4000  }
0x1d7: {  	[sflag:s22] =	ssyncset.done $0x0  }
0x1d8: {  	[sflag:s22] =	ssyncadd.s32 $0xFFFFC000  }
0x1d9: {  	[spmem:s2] =	stream.indirect.scatter.add.f32 [tilespmem:s19], [sflag:$0x3], $0x80, s11, s17, $0xb8;
	[tilespmem:$0x1D000] =	vst v63  }
0x1da: {  	_ =	swait.ge [sflag:s15], $0x4000  }
0x1db: {  	[sflag:s15] =	ssyncset.done $0x0  }
0x1dc: {  	[sflag:s15] =	ssyncadd.s32 $0xFFFFC000  }
0x1dd: {  	[tilespmem:s19], [sflag:$0x2] =	stream.indirect.gather [hbm4b:s4+s17], $0x80, s9, s17, $0xb8;
	[tilespmem:$0x1D000] =	vst v63  }
0x1de: {  	_ =	swait.ge [sflag:s20], $0x4000  }
0x1df: {  	[sflag:s20] =	ssyncset.done $0x0  }
0x1e0: {  	[sflag:s20] =	ssyncadd.s32 $0xFFFFC000  }
0x1e1: {  	[spmem:s2] =	stream.indirect.scatter.add.f32 [tilespmem:s18], [sflag:$0x3], $0x80, s14, s17, $0xb8;
	[tilespmem:$0x1D000] =	vst v63  }
0x1e2: {  	_ =	swait.ge [sflag:s15], $0x4000  }
0x1e3: {  	[sflag:s15] =	ssyncset.done $0x0  }
0x1e4: {  	[sflag:s15] =	ssyncadd.s32 $0xFFFFC000  }
0x1e5: {  	[tilespmem:s18], [sflag:$0x1] =	stream.indirect.gather [hbm4b:s4+s17], $0x80, s21, s17, $0xb8;
	[tilespmem:$0x1D000] =	vst v63  }
0x1e6: {  	_ =	swait.ge [sflag:s22], $0x4000  }
0x1e7: {  	[sflag:s22] =	ssyncset.done $0x0  }
0x1e8: {  	[sflag:s22] =	ssyncadd.s32 $0xFFFFC000  }
0x1e9: {  	[spmem:s2] =	stream.indirect.scatter.add.f32 [tilespmem:s19], [sflag:$0x3], $0x80, s23, s17, $0xb8;
	[tilespmem:$0x1D000] =	vst v63  }
0x1ea: {  	_ =	swait.ge [sflag:s15], $0x4000  }
0x1eb: {  	[sflag:s15] =	ssyncset.done $0x0  }
0x1ec: {  	[sflag:s15] =	ssyncadd.s32 $0xFFFFC000  }
0x1ed: {  	[tilespmem:s19], [sflag:$0x2] =	stream.indirect.gather [hbm4b:s4+s17], $0x80, s24, s17, $0xb8;
	[tilespmem:$0x1D000] =	vst v63  }
0x1ee: {  	_ =	swait.ge [sflag:s20], $0x4000  }
0x1ef: {  	[sflag:s20] =	ssyncset.done $0x0  }
0x1f0: {  	[sflag:s20] =	ssyncadd.s32 $0xFFFFC000  }
0x1f1: {  	[spmem:s2] =	stream.indirect.scatter.add.f32 [tilespmem:s18], [sflag:$0x3], $0x80, s25, s17, $0xb8;
	[tilespmem:$0x1D000] =	vst v63  }
0x1f2: {  	_ =	swait.ge [sflag:s15], $0x4000  }
0x1f3: {  	[sflag:s15] =	ssyncset.done $0x0  }
0x1f4: {  	[sflag:s15] =	ssyncadd.s32 $0xFFFFC000  }
0x1f5: {  	[tilespmem:s18], [sflag:$0x1] =	stream.indirect.gather [hbm4b:s4+s17], $0x80, s26, s17, $0xb8;
	[tilespmem:$0x1D000] =	vst v63  }
0x1f6: {  	_ =	swait.ge [sflag:s22], $0x4000  }
0x1f7: {  	[sflag:s22] =	ssyncset.done $0x0  }
0x1f8: {  	[sflag:s22] =	ssyncadd.s32 $0xFFFFC000  }
0x1f9: {  	[spmem:s2] =	stream.indirect.scatter.add.f32 [tilespmem:s19], [sflag:$0x3], $0x80, s28, s17, $0xb8;
	[tilespmem:$0x1D000] =	vst v63  }
0x1fa: {  	_ =	swait.ge [sflag:s15], $0x4000  }
0x1fb: {  	[sflag:s15] =	ssyncset.done $0x0  }
0x1fc: {  	[sflag:s15] =	ssyncadd.s32 $0xFFFFC000  }
0x1fd: {  	[tilespmem:s19], [sflag:$0x2] =	stream.indirect.gather [hbm4b:s4+s17], $0x80, s29, s17, $0xb8;
	[tilespmem:$0x1D000] =	vst v63  }
0x1fe: {  	_ =	swait.ge [sflag:s20], $0x4000  }
0x1ff: {  	[sflag:s20] =	ssyncset.done $0x0  }
0x200: {  	[sflag:s20] =	ssyncadd.s32 $0xFFFFC000  }
0x201: {  	[spmem:s2] =	stream.indirect.scatter.add.f32 [tilespmem:s18], [sflag:$0x3], $0x80, s30, s17, $0xb8;
	[tilespmem:$0x1D000] =	vst v63  }
0x202: {  	_ =	swait.ge [sflag:s15], $0x4000  }
0x203: {  	[sflag:s15] =	ssyncset.done $0x0  }
0x204: {  	[sflag:s15] =	ssyncadd.s32 $0xFFFFC000  }
0x205: {  	[tilespmem:s18], [sflag:$0x1] =	stream.indirect.gather [hbm4b:s4+s17], $0x80, s31, s17, $0xb8;
	[tilespmem:$0x1D000] =	vst v63  }
0x206: {  	_ =	swait.ge [sflag:s22], $0x4000  }
0x207: {  	[sflag:s22] =	ssyncset.done $0x0  }
0x208: {  	[sflag:s22] =	ssyncadd.s32 $0xFFFFC000  }
0x209: {  	[spmem:s2] =	stream.indirect.scatter.add.f32 [tilespmem:s19], [sflag:$0x3], $0x80, s0, s17, $0xb8;
	[tilespmem:$0x1D000] =	vst v63  }
0x20a: {  	_ =	swait.ge [sflag:s15], $0x4000  }
0x20b: {  	[sflag:s15] =	ssyncset.done $0x0  }
0x20c: {  	[sflag:s15] =	ssyncadd.s32 $0xFFFFC000  }
0x20d: {  	[tilespmem:s19], [sflag:$0x2] =	stream.indirect.gather [hbm4b:s4+s17], $0x80, s1, s17, $0xb8;
	[tilespmem:$0x1D000] =	vst v63  }
0x20e: {  	_ =	swait.ge [sflag:s20], $0x4000  }
0x20f: {  	[sflag:s20] =	ssyncset.done $0x0  }
0x210: {  	s6 =	simm.s32 $0xC00;
	[sflag:s20] =	ssyncadd.s32 $0xFFFFC000  }
0x211: {  	[spmem:s2] =	stream.indirect.scatter.add.f32 [tilespmem:s18], [sflag:$0x3], $0x80, s6, s17, $0xb8;
	[tilespmem:$0x1D000] =	vst v63  }
0x212: {  	_ =	swait.ge [sflag:s15], $0x4000  }
0x213: {  	[sflag:s15] =	ssyncset.done $0x0  }
0x214: {  	s7 =	simm.s32 $0x500;
	[sflag:s15] =	ssyncadd.s32 $0xFFFFC000  }
0x215: {  	[tilespmem:s18], [sflag:$0x1] =	stream.indirect.gather [hbm4b:s4+s17], $0x80, s7, s17, $0xb8;
	[tilespmem:$0x1D000] =	vst v63  }
0x216: {  	_ =	swait.ge [sflag:s22], $0x4000  }
0x217: {  	[sflag:s22] =	ssyncset.done $0x0  }
0x218: {  	s8 =	simm.s32 $0xC80;
	[sflag:s22] =	ssyncadd.s32 $0xFFFFC000  }
0x219: {  	[spmem:s2] =	stream.indirect.scatter.add.f32 [tilespmem:s19], [sflag:$0x3], $0x80, s8, s17, $0xb8;
	[tilespmem:$0x1D000] =	vst v63  }
0x21a: {  	_ =	swait.ge [sflag:s15], $0x4000  }
0x21b: {  	[sflag:s15] =	ssyncset.done $0x0  }
0x21c: {  	s9 =	simm.s32 $0x580;
	[sflag:s15] =	ssyncadd.s32 $0xFFFFC000  }
0x21d: {  	[tilespmem:s19], [sflag:$0x2] =	stream.indirect.gather [hbm4b:s4+s17], $0x80, s9, s17, $0xb8;
	[tilespmem:$0x1D000] =	vst v63  }
0x21e: {  	_ =	swait.ge [sflag:s20], $0x4000  }
0x21f: {  	[sflag:s20] =	ssyncset.done $0x0  }
0x220: {  	s14 =	simm.s32 $0xD00;
	[sflag:s20] =	ssyncadd.s32 $0xFFFFC000  }
0x221: {  	[spmem:s2] =	stream.indirect.scatter.add.f32 [tilespmem:s18], [sflag:$0x3], $0x80, s14, s17, $0xb8;
	[tilespmem:$0x1D000] =	vst v63  }
0x222: {  	_ =	swait.ge [sflag:s15], $0x4000  }
0x223: {  	[sflag:s15] =	ssyncset.done $0x0  }
0x224: {  	s21 =	simm.s32 $0x600;
	[sflag:s15] =	ssyncadd.s32 $0xFFFFC000  }
0x225: {  	[tilespmem:s18], [sflag:$0x1] =	stream.indirect.gather [hbm4b:s4+s17], $0x80, s21, s17, $0xb8;
	[tilespmem:$0x1D000] =	vst v63  }
0x226: {  	_ =	swait.ge [sflag:s22], $0x4000  }
0x227: {  	[sflag:s22] =	ssyncset.done $0x0  }
0x228: {  	s23 =	simm.s32 $0xD80;
	[sflag:s22] =	ssyncadd.s32 $0xFFFFC000  }
0x229: {  	[spmem:s2] =	stream.indirect.scatter.add.f32 [tilespmem:s19], [sflag:$0x3], $0x80, s23, s17, $0xb8;
	[tilespmem:$0x1D000] =	vst v63  }
0x22a: {  	_ =	swait.ge [sflag:s15], $0x4000  }
0x22b: {  	[sflag:s15] =	ssyncset.done $0x0  }
0x22c: {  	s24 =	simm.s32 $0x680;
	[sflag:s15] =	ssyncadd.s32 $0xFFFFC000  }
0x22d: {  	[tilespmem:s19], [sflag:$0x2] =	stream.indirect.gather [hbm4b:s4+s17], $0x80, s24, s17, $0xb8;
	[tilespmem:$0x1D000] =	vst v63  }
0x22e: {  	_ =	swait.ge [sflag:s20], $0x4000  }
0x22f: {  	[sflag:s20] =	ssyncset.done $0x0  }
0x230: {  	s25 =	simm.s32 $0xE00;
	[sflag:s20] =	ssyncadd.s32 $0xFFFFC000  }
0x231: {  	[spmem:s2] =	stream.indirect.scatter.add.f32 [tilespmem:s18], [sflag:$0x3], $0x80, s25, s17, $0xb8;
	[tilespmem:$0x1D000] =	vst v63  }
0x232: {  	_ =	swait.ge [sflag:s15], $0x4000  }
0x233: {  	[sflag:s15] =	ssyncset.done $0x0  }
0x234: {  	s26 =	simm.s32 $0x700;
	[sflag:s15] =	ssyncadd.s32 $0xFFFFC000  }
0x235: {  	[tilespmem:s18], [sflag:$0x1] =	stream.indirect.gather [hbm4b:s4+s17], $0x80, s26, s17, $0xb8;
	[tilespmem:$0x1D000] =	vst v63  }
0x236: {  	_ =	swait.ge [sflag:s22], $0x4000  }
0x237: {  	[sflag:s22] =	ssyncset.done $0x0  }
0x238: {  	s28 =	simm.s32 $0xE80;
	[sflag:s22] =	ssyncadd.s32 $0xFFFFC000  }
0x239: {  	[spmem:s2] =	stream.indirect.scatter.add.f32 [tilespmem:s19], [sflag:$0x3], $0x80, s28, s17, $0xb8;
	[tilespmem:$0x1D000] =	vst v63  }
0x23a: {  	_ =	swait.ge [sflag:s15], $0x4000  }
0x23b: {  	[sflag:s15] =	ssyncset.done $0x0  }
0x23c: {  	s29 =	simm.s32 $0x780;
	[sflag:s15] =	ssyncadd.s32 $0xFFFFC000  }
0x23d: {  	[tilespmem:s19], [sflag:$0x2] =	stream.indirect.gather [hbm4b:s4+s17], $0x80, s29, s17, $0xb8;
	[tilespmem:$0x1D000] =	vst v63  }
0x23e: {  	_ =	swait.ge [sflag:s20], $0x4000  }
0x23f: {  	[sflag:s20] =	ssyncset.done $0x0  }
0x240: {  	s30 =	simm.s32 $0xF00;
	[sflag:s20] =	ssyncadd.s32 $0xFFFFC000  }
0x241: {  	[spmem:s2] =	stream.indirect.scatter.add.f32 [tilespmem:s18], [sflag:$0x3], $0x80, s30, s17, $0xb8;
	[tilespmem:$0x1D000] =	vst v63  }
0x242: {  	_ =	swait.ge [sflag:s15], $0x4000  }
0x243: {  	[sflag:s15] =	ssyncset.done $0x0  }
0x244: {  	[sflag:s15] =	ssyncadd.s32 $0xFFFFC000  }
0x245: {  	_ =	swait.ge [sflag:s22], $0x4000  }
0x246: {  	[sflag:s22] =	ssyncset.done $0x0  }
.Ltmp4:
0x247: {  	s31 =	simm.s32 $0xF80;
	[sflag:s22] =	ssyncadd.s32 $0xFFFFC000;
	(pc) =	sbr.rel .LBB2_8-.Ltmp4, $4  }
0x248: {  	[spmem:s2] =	stream.indirect.scatter.add.f32 [tilespmem:s19], [sflag:$0x3], $0x80, s31, s17, $0xb8;
	[tilespmem:$0x1D000] =	vst v63  }
0x249: {  	_ =	swait.ge [sflag:s15], $0x4000  }
0x24a: {  	[sflag:s15] =	ssyncset.done $0x0;
	s6 =	rddreg [dreg:$0x4]  }
0x24b: {  	s0 =	rddreg [dreg:$0xa];
	[sflag:s15] =	ssyncadd.s32 $0xFFFFC000  }
.LBB2_5:
0x24c: {  	[tilespmem:s3], [sflag:$0x3] =	stream.linear.gather [hbm4b:s6+s3], $0x800, $0x38;
	[tilespmem:$0x1D000] =	vst v63  }
0x24d: {  	_ =	swait.ge [sflag:s15], $0x800  }
0x24e: {  	[sflag:s15] =	ssyncset.done $0x0  }
0x24f: {  	s9 =	sadd.s32 $0x0, s12;
	[sflag:s15] =	ssyncadd.s32 $0xFFFFF800  }
0x250: {  	[tilespmem:s16], [sflag:$0x3] =	stream.linear.gather [hbm4b:s9+s3], $0x800, $0x38;
	[tilespmem:$0x1D000] =	vst v63  }
0x251: {  	_ =	swait.ge [sflag:s15], $0x800  }
0x252: {  	[sflag:s15] =	ssyncset.done $0x0  }
0x253: {  	[sflag:s15] =	ssyncadd.s32 $0xFFFFF800  }
0x254: {  	[tilespmem:s18], [sflag:$0x1] =	stream.indirect.gather [hbm4b:s5+s17], $0x80, s3, s17, $0xb8;
	[tilespmem:$0x1D000] =	vst v63  }
0x255: {  	_ = 	snop  }
0x256: {  	[tilespmem:s19], [sflag:$0x2] =	stream.indirect.gather [hbm4b:s5+s17], $0x80, s17, s17, $0xb8;
	[tilespmem:$0x1D000] =	vst v63  }
0x257: {  	_ =	swait.ge [sflag:s20], $0x4000  }
0x258: {  	[sflag:s20] =	ssyncset.done $0x0  }
0x259: {  	[sflag:s20] =	ssyncadd.s32 $0xFFFFC000  }
0x25a: {  	[spmem:s2] =	stream.indirect.scatter.add.f32 [tilespmem:s18], [sflag:$0x3], $0x80, s16, s17, $0xb8;
	[tilespmem:$0x1D000] =	vst v63  }
0x25b: {  	_ =	swait.ge [sflag:s15], $0x4000  }
0x25c: {  	[sflag:s15] =	ssyncset.done $0x0  }
0x25d: {  	[sflag:s15] =	ssyncadd.s32 $0xFFFFC000  }
0x25e: {  	[tilespmem:s18], [sflag:$0x1] =	stream.indirect.gather [hbm4b:s5+s17], $0x80, s10, s17, $0xb8;
	[tilespmem:$0x1D000] =	vst v63  }
0x25f: {  	_ =	swait.ge [sflag:s22], $0x4000  }
0x260: {  	[sflag:s22] =	ssyncset.done $0x0  }
0x261: {  	[sflag:s22] =	ssyncadd.s32 $0xFFFFC000  }
0x262: {  	[spmem:s2] =	stream.indirect.scatter.add.f32 [tilespmem:s19], [sflag:$0x3], $0x80, s11, s17, $0xb8;
	[tilespmem:$0x1D000] =	vst v63  }
0x263: {  	_ =	swait.ge [sflag:s15], $0x4000  }
0x264: {  	[sflag:s15] =	ssyncset.done $0x0  }
0x265: {  	s9 =	simm.s32 $0x180;
	[sflag:s15] =	ssyncadd.s32 $0xFFFFC000  }
0x266: {  	[tilespmem:s19], [sflag:$0x2] =	stream.indirect.gather [hbm4b:s5+s17], $0x80, s9, s17, $0xb8;
	[tilespmem:$0x1D000] =	vst v63  }
0x267: {  	_ =	swait.ge [sflag:s20], $0x4000  }
0x268: {  	[sflag:s20] =	ssyncset.done $0x0  }
0x269: {  	s14 =	simm.s32 $0x900;
	[sflag:s20] =	ssyncadd.s32 $0xFFFFC000  }
0x26a: {  	[spmem:s2] =	stream.indirect.scatter.add.f32 [tilespmem:s18], [sflag:$0x3], $0x80, s14, s17, $0xb8;
	[tilespmem:$0x1D000] =	vst v63  }
0x26b: {  	_ =	swait.ge [sflag:s15], $0x4000  }
0x26c: {  	[sflag:s15] =	ssyncset.done $0x0  }
0x26d: {  	s21 =	simm.s32 $0x200;
	[sflag:s15] =	ssyncadd.s32 $0xFFFFC000  }
0x26e: {  	[tilespmem:s18], [sflag:$0x1] =	stream.indirect.gather [hbm4b:s5+s17], $0x80, s21, s17, $0xb8;
	[tilespmem:$0x1D000] =	vst v63  }
0x26f: {  	_ =	swait.ge [sflag:s22], $0x4000  }
0x270: {  	[sflag:s22] =	ssyncset.done $0x0  }
0x271: {  	s23 =	simm.s32 $0x980;
	[sflag:s22] =	ssyncadd.s32 $0xFFFFC000  }
0x272: {  	[spmem:s2] =	stream.indirect.scatter.add.f32 [tilespmem:s19], [sflag:$0x3], $0x80, s23, s17, $0xb8;
	[tilespmem:$0x1D000] =	vst v63  }
0x273: {  	_ =	swait.ge [sflag:s15], $0x4000  }
0x274: {  	[sflag:s15] =	ssyncset.done $0x0  }
0x275: {  	s24 =	simm.s32 $0x280;
	[sflag:s15] =	ssyncadd.s32 $0xFFFFC000  }
0x276: {  	[tilespmem:s19], [sflag:$0x2] =	stream.indirect.gather [hbm4b:s5+s17], $0x80, s24, s17, $0xb8;
	[tilespmem:$0x1D000] =	vst v63  }
0x277: {  	_ =	swait.ge [sflag:s20], $0x4000  }
0x278: {  	[sflag:s20] =	ssyncset.done $0x0  }
0x279: {  	s25 =	simm.s32 $0xA00;
	[sflag:s20] =	ssyncadd.s32 $0xFFFFC000  }
0x27a: {  	[spmem:s2] =	stream.indirect.scatter.add.f32 [tilespmem:s18], [sflag:$0x3], $0x80, s25, s17, $0xb8;
	[tilespmem:$0x1D000] =	vst v63  }
0x27b: {  	_ =	swait.ge [sflag:s15], $0x4000  }
0x27c: {  	[sflag:s15] =	ssyncset.done $0x0  }
0x27d: {  	s26 =	simm.s32 $0x300;
	[sflag:s15] =	ssyncadd.s32 $0xFFFFC000  }
0x27e: {  	[tilespmem:s18], [sflag:$0x1] =	stream.indirect.gather [hbm4b:s5+s17], $0x80, s26, s17, $0xb8;
	[tilespmem:$0x1D000] =	vst v63  }
0x27f: {  	_ =	swait.ge [sflag:s22], $0x4000  }
0x280: {  	[sflag:s22] =	ssyncset.done $0x0  }
0x281: {  	s28 =	simm.s32 $0xA80;
	[sflag:s22] =	ssyncadd.s32 $0xFFFFC000  }
0x282: {  	[spmem:s2] =	stream.indirect.scatter.add.f32 [tilespmem:s19], [sflag:$0x3], $0x80, s28, s17, $0xb8;
	[tilespmem:$0x1D000] =	vst v63  }
0x283: {  	_ =	swait.ge [sflag:s15], $0x4000  }
0x284: {  	[sflag:s15] =	ssyncset.done $0x0  }
0x285: {  	s29 =	simm.s32 $0x380;
	[sflag:s15] =	ssyncadd.s32 $0xFFFFC000  }
0x286: {  	[tilespmem:s19], [sflag:$0x2] =	stream.indirect.gather [hbm4b:s5+s17], $0x80, s29, s17, $0xb8;
	[tilespmem:$0x1D000] =	vst v63  }
0x287: {  	_ =	swait.ge [sflag:s20], $0x4000  }
0x288: {  	[sflag:s20] =	ssyncset.done $0x0  }
0x289: {  	s30 =	simm.s32 $0xB00;
	[sflag:s20] =	ssyncadd.s32 $0xFFFFC000  }
0x28a: {  	[spmem:s2] =	stream.indirect.scatter.add.f32 [tilespmem:s18], [sflag:$0x3], $0x80, s30, s17, $0xb8;
	[tilespmem:$0x1D000] =	vst v63  }
0x28b: {  	_ =	swait.ge [sflag:s15], $0x4000  }
0x28c: {  	[sflag:s15] =	ssyncset.done $0x0  }
0x28d: {  	s31 =	simm.s32 $0x400;
	[sflag:s15] =	ssyncadd.s32 $0xFFFFC000  }
0x28e: {  	[tilespmem:s18], [sflag:$0x1] =	stream.indirect.gather [hbm4b:s5+s17], $0x80, s31, s17, $0xb8;
	[tilespmem:$0x1D000] =	vst v63  }
0x28f: {  	_ =	swait.ge [sflag:s22], $0x4000  }
0x290: {  	[sflag:s22] =	ssyncset.done $0x0  }
0x291: {  	s0 =	simm.s32 $0xB80;
	[sflag:s22] =	ssyncadd.s32 $0xFFFFC000  }
0x292: {  	[spmem:s2] =	stream.indirect.scatter.add.f32 [tilespmem:s19], [sflag:$0x3], $0x80, s0, s17, $0xb8;
	[tilespmem:$0x1D000] =	vst v63  }
0x293: {  	_ =	swait.ge [sflag:s15], $0x4000  }
0x294: {  	[sflag:s15] =	ssyncset.done $0x0  }
0x295: {  	s1 =	simm.s32 $0x480;
	[sflag:s15] =	ssyncadd.s32 $0xFFFFC000  }
0x296: {  	[tilespmem:s19], [sflag:$0x2] =	stream.indirect.gather [hbm4b:s5+s17], $0x80, s1, s17, $0xb8;
	[tilespmem:$0x1D000] =	vst v63  }
0x297: {  	_ =	swait.ge [sflag:s20], $0x4000  }
0x298: {  	[sflag:s20] =	ssyncset.done $0x0  }
0x299: {  	s10 =	simm.s32 $0xC00;
	[sflag:s20] =	ssyncadd.s32 $0xFFFFC000  }
0x29a: {  	[spmem:s2] =	stream.indirect.scatter.add.f32 [tilespmem:s18], [sflag:$0x3], $0x80, s10, s17, $0xb8;
	[tilespmem:$0x1D000] =	vst v63  }
0x29b: {  	_ =	swait.ge [sflag:s15], $0x4000  }
0x29c: {  	[sflag:s15] =	ssyncset.done $0x0  }
0x29d: {  	s11 =	simm.s32 $0x500;
	[sflag:s15] =	ssyncadd.s32 $0xFFFFC000  }
0x29e: {  	[tilespmem:s18], [sflag:$0x1] =	stream.indirect.gather [hbm4b:s5+s17], $0x80, s11, s17, $0xb8;
	[tilespmem:$0x1D000] =	vst v63  }
0x29f: {  	_ =	swait.ge [sflag:s22], $0x4000  }
0x2a0: {  	[sflag:s22] =	ssyncset.done $0x0  }
0x2a1: {  	s7 =	simm.s32 $0xC80;
	[sflag:s22] =	ssyncadd.s32 $0xFFFFC000  }
0x2a2: {  	[spmem:s2] =	stream.indirect.scatter.add.f32 [tilespmem:s19], [sflag:$0x3], $0x80, s7, s17, $0xb8;
	[tilespmem:$0x1D000] =	vst v63  }
0x2a3: {  	_ =	swait.ge [sflag:s15], $0x4000  }
0x2a4: {  	[sflag:s15] =	ssyncset.done $0x0  }
0x2a5: {  	s8 =	simm.s32 $0x580;
	[sflag:s15] =	ssyncadd.s32 $0xFFFFC000  }
0x2a6: {  	[tilespmem:s19], [sflag:$0x2] =	stream.indirect.gather [hbm4b:s5+s17], $0x80, s8, s17, $0xb8;
	[tilespmem:$0x1D000] =	vst v63  }
0x2a7: {  	_ =	swait.ge [sflag:s20], $0x4000  }
0x2a8: {  	[sflag:s20] =	ssyncset.done $0x0  }
0x2a9: {  	s10 =	simm.s32 $0xD00;
	[sflag:s20] =	ssyncadd.s32 $0xFFFFC000  }
0x2aa: {  	[spmem:s2] =	stream.indirect.scatter.add.f32 [tilespmem:s18], [sflag:$0x3], $0x80, s10, s17, $0xb8;
	[tilespmem:$0x1D000] =	vst v63  }
0x2ab: {  	_ =	swait.ge [sflag:s15], $0x4000  }
0x2ac: {  	[sflag:s15] =	ssyncset.done $0x0  }
0x2ad: {  	s11 =	simm.s32 $0x600;
	[sflag:s15] =	ssyncadd.s32 $0xFFFFC000  }
0x2ae: {  	[tilespmem:s18], [sflag:$0x1] =	stream.indirect.gather [hbm4b:s5+s17], $0x80, s11, s17, $0xb8;
	[tilespmem:$0x1D000] =	vst v63  }
0x2af: {  	_ =	swait.ge [sflag:s22], $0x4000  }
0x2b0: {  	[sflag:s22] =	ssyncset.done $0x0  }
0x2b1: {  	s7 =	simm.s32 $0xD80;
	[sflag:s22] =	ssyncadd.s32 $0xFFFFC000  }
0x2b2: {  	[spmem:s2] =	stream.indirect.scatter.add.f32 [tilespmem:s19], [sflag:$0x3], $0x80, s7, s17, $0xb8;
	[tilespmem:$0x1D000] =	vst v63  }
0x2b3: {  	_ =	swait.ge [sflag:s15], $0x4000  }
0x2b4: {  	[sflag:s15] =	ssyncset.done $0x0  }
0x2b5: {  	s8 =	simm.s32 $0x680;
	[sflag:s15] =	ssyncadd.s32 $0xFFFFC000  }
0x2b6: {  	[tilespmem:s19], [sflag:$0x2] =	stream.indirect.gather [hbm4b:s5+s17], $0x80, s8, s17, $0xb8;
	[tilespmem:$0x1D000] =	vst v63  }
0x2b7: {  	_ =	swait.ge [sflag:s20], $0x4000  }
0x2b8: {  	[sflag:s20] =	ssyncset.done $0x0  }
0x2b9: {  	s10 =	simm.s32 $0xE00;
	[sflag:s20] =	ssyncadd.s32 $0xFFFFC000  }
0x2ba: {  	[spmem:s2] =	stream.indirect.scatter.add.f32 [tilespmem:s18], [sflag:$0x3], $0x80, s10, s17, $0xb8;
	[tilespmem:$0x1D000] =	vst v63  }
0x2bb: {  	_ =	swait.ge [sflag:s15], $0x4000  }
0x2bc: {  	[sflag:s15] =	ssyncset.done $0x0  }
0x2bd: {  	s11 =	simm.s32 $0x700;
	[sflag:s15] =	ssyncadd.s32 $0xFFFFC000  }
0x2be: {  	[tilespmem:s18], [sflag:$0x1] =	stream.indirect.gather [hbm4b:s5+s17], $0x80, s11, s17, $0xb8;
	[tilespmem:$0x1D000] =	vst v63  }
0x2bf: {  	_ =	swait.ge [sflag:s22], $0x4000  }
0x2c0: {  	[sflag:s22] =	ssyncset.done $0x0  }
0x2c1: {  	s7 =	simm.s32 $0xE80;
	[sflag:s22] =	ssyncadd.s32 $0xFFFFC000  }
0x2c2: {  	[spmem:s2] =	stream.indirect.scatter.add.f32 [tilespmem:s19], [sflag:$0x3], $0x80, s7, s17, $0xb8;
	[tilespmem:$0x1D000] =	vst v63  }
0x2c3: {  	_ =	swait.ge [sflag:s15], $0x4000  }
0x2c4: {  	[sflag:s15] =	ssyncset.done $0x0  }
0x2c5: {  	s8 =	simm.s32 $0x780;
	[sflag:s15] =	ssyncadd.s32 $0xFFFFC000  }
0x2c6: {  	[tilespmem:s19], [sflag:$0x2] =	stream.indirect.gather [hbm4b:s5+s17], $0x80, s8, s17, $0xb8;
	[tilespmem:$0x1D000] =	vst v63  }
0x2c7: {  	_ =	swait.ge [sflag:s20], $0x4000  }
0x2c8: {  	[sflag:s20] =	ssyncset.done $0x0  }
0x2c9: {  	s10 =	simm.s32 $0xF00;
	[sflag:s20] =	ssyncadd.s32 $0xFFFFC000  }
0x2ca: {  	[spmem:s2] =	stream.indirect.scatter.add.f32 [tilespmem:s18], [sflag:$0x3], $0x80, s10, s17, $0xb8;
	[tilespmem:$0x1D000] =	vst v63  }
0x2cb: {  	_ =	swait.ge [sflag:s15], $0x4000  }
0x2cc: {  	[sflag:s15] =	ssyncset.done $0x0  }
0x2cd: {  	[sflag:s15] =	ssyncadd.s32 $0xFFFFC000  }
0x2ce: {  	_ =	swait.ge [sflag:s22], $0x4000  }
0x2cf: {  	[sflag:s22] =	ssyncset.done $0x0  }
0x2d0: {  	s11 =	simm.s32 $0xF80;
	[sflag:s22] =	ssyncadd.s32 $0xFFFFC000  }
0x2d1: {  	[spmem:s2] =	stream.indirect.scatter.add.f32 [tilespmem:s19], [sflag:$0x3], $0x80, s11, s17, $0xb8;
	[tilespmem:$0x1D000] =	vst v63  }
0x2d2: {  	_ =	swait.ge [sflag:s15], $0x4000  }
0x2d3: {  	s6 =	simm.s32 $0x200;
	s7 =	simm.s32 $0x100;
	[sflag:s15] =	ssyncset.done $0x0  }
.LBB2_6:
0x2d4: {  	s10 =	sadd.s32 s7, s13  }
0x2d5: {  	[sflag:s15] =	ssyncadd.s32 $0xFFFFC000;
	s11 =	smov.u32 s6;
	s8 =	sadd.s32 $0x100, s6  }
0x2d6: {  	[tilespmem:s3], [sflag:$0x3] =	stream.linear.gather [hbm4b:s10+s3], $0x800, $0x38;
	[tilespmem:$0x1D000] =	vst v63  }
0x2d7: {  	s10 =	simm.s32 $0x100  }
0x2d8: {  	p1 =	sne.s32 s6, $0x900;
	_ =	swait.ge [sflag:s15], $0x800  }
0x2d9: {  	s6 =	sadd.s32 s7, s12;
	[sflag:s15] =	ssyncset.done $0x0  }
0x2da: {  	s7 =	smov.u32 s11;
	s11 =	simm.s32 $0x880;
	[sflag:s15] =	ssyncadd.s32 $0xFFFFF800  }
0x2db: {  	[tilespmem:s16], [sflag:$0x3] =	stream.linear.gather [hbm4b:s6+s3], $0x800, $0x38;
	[tilespmem:$0x1D000] =	vst v63  }
0x2dc: {  	_ =	swait.ge [sflag:s15], $0x800  }
0x2dd: {  	[sflag:s15] =	ssyncset.done $0x0  }
0x2de: {  	[sflag:s15] =	ssyncadd.s32 $0xFFFFF800  }
0x2df: {  	[tilespmem:s18], [sflag:$0x1] =	stream.indirect.gather [hbm4b:s5+s17], $0x80, s3, s17, $0xb8;
	[tilespmem:$0x1D000] =	vst v63  }
0x2e0: {  	_ = 	snop  }
0x2e1: {  	[tilespmem:s19], [sflag:$0x2] =	stream.indirect.gather [hbm4b:s5+s17], $0x80, s17, s17, $0xb8;
	[tilespmem:$0x1D000] =	vst v63  }
0x2e2: {  	_ =	swait.ge [sflag:s20], $0x4000  }
0x2e3: {  	[sflag:s20] =	ssyncset.done $0x0  }
0x2e4: {  	[sflag:s20] =	ssyncadd.s32 $0xFFFFC000  }
0x2e5: {  	[spmem:s2] =	stream.indirect.scatter.add.f32 [tilespmem:s18], [sflag:$0x3], $0x80, s16, s17, $0xb8;
	[tilespmem:$0x1D000] =	vst v63  }
0x2e6: {  	_ =	swait.ge [sflag:s15], $0x4000  }
0x2e7: {  	[sflag:s15] =	ssyncset.done $0x0  }
0x2e8: {  	[sflag:s15] =	ssyncadd.s32 $0xFFFFC000  }
0x2e9: {  	[tilespmem:s18], [sflag:$0x1] =	stream.indirect.gather [hbm4b:s5+s17], $0x80, s10, s17, $0xb8;
	[tilespmem:$0x1D000] =	vst v63  }
0x2ea: {  	_ =	swait.ge [sflag:s22], $0x4000  }
0x2eb: {  	[sflag:s22] =	ssyncset.done $0x0  }
0x2ec: {  	[sflag:s22] =	ssyncadd.s32 $0xFFFFC000  }
0x2ed: {  	[spmem:s2] =	stream.indirect.scatter.add.f32 [tilespmem:s19], [sflag:$0x3], $0x80, s11, s17, $0xb8;
	[tilespmem:$0x1D000] =	vst v63  }
0x2ee: {  	_ =	swait.ge [sflag:s15], $0x4000  }
0x2ef: {  	[sflag:s15] =	ssyncset.done $0x0  }
0x2f0: {  	[sflag:s15] =	ssyncadd.s32 $0xFFFFC000  }
0x2f1: {  	[tilespmem:s19], [sflag:$0x2] =	stream.indirect.gather [hbm4b:s5+s17], $0x80, s9, s17, $0xb8;
	[tilespmem:$0x1D000] =	vst v63  }
0x2f2: {  	_ =	swait.ge [sflag:s20], $0x4000  }
0x2f3: {  	[sflag:s20] =	ssyncset.done $0x0  }
0x2f4: {  	[sflag:s20] =	ssyncadd.s32 $0xFFFFC000  }
0x2f5: {  	[spmem:s2] =	stream.indirect.scatter.add.f32 [tilespmem:s18], [sflag:$0x3], $0x80, s14, s17, $0xb8;
	[tilespmem:$0x1D000] =	vst v63  }
0x2f6: {  	_ =	swait.ge [sflag:s15], $0x4000  }
0x2f7: {  	[sflag:s15] =	ssyncset.done $0x0  }
0x2f8: {  	[sflag:s15] =	ssyncadd.s32 $0xFFFFC000  }
0x2f9: {  	[tilespmem:s18], [sflag:$0x1] =	stream.indirect.gather [hbm4b:s5+s17], $0x80, s21, s17, $0xb8;
	[tilespmem:$0x1D000] =	vst v63  }
0x2fa: {  	_ =	swait.ge [sflag:s22], $0x4000  }
0x2fb: {  	[sflag:s22] =	ssyncset.done $0x0  }
0x2fc: {  	[sflag:s22] =	ssyncadd.s32 $0xFFFFC000  }
0x2fd: {  	[spmem:s2] =	stream.indirect.scatter.add.f32 [tilespmem:s19], [sflag:$0x3], $0x80, s23, s17, $0xb8;
	[tilespmem:$0x1D000] =	vst v63  }
0x2fe: {  	_ =	swait.ge [sflag:s15], $0x4000  }
0x2ff: {  	[sflag:s15] =	ssyncset.done $0x0  }
0x300: {  	[sflag:s15] =	ssyncadd.s32 $0xFFFFC000  }
0x301: {  	[tilespmem:s19], [sflag:$0x2] =	stream.indirect.gather [hbm4b:s5+s17], $0x80, s24, s17, $0xb8;
	[tilespmem:$0x1D000] =	vst v63  }
0x302: {  	_ =	swait.ge [sflag:s20], $0x4000  }
0x303: {  	[sflag:s20] =	ssyncset.done $0x0  }
0x304: {  	[sflag:s20] =	ssyncadd.s32 $0xFFFFC000  }
0x305: {  	[spmem:s2] =	stream.indirect.scatter.add.f32 [tilespmem:s18], [sflag:$0x3], $0x80, s25, s17, $0xb8;
	[tilespmem:$0x1D000] =	vst v63  }
0x306: {  	_ =	swait.ge [sflag:s15], $0x4000  }
0x307: {  	[sflag:s15] =	ssyncset.done $0x0  }
0x308: {  	[sflag:s15] =	ssyncadd.s32 $0xFFFFC000  }
0x309: {  	[tilespmem:s18], [sflag:$0x1] =	stream.indirect.gather [hbm4b:s5+s17], $0x80, s26, s17, $0xb8;
	[tilespmem:$0x1D000] =	vst v63  }
0x30a: {  	_ =	swait.ge [sflag:s22], $0x4000  }
0x30b: {  	[sflag:s22] =	ssyncset.done $0x0  }
0x30c: {  	[sflag:s22] =	ssyncadd.s32 $0xFFFFC000  }
0x30d: {  	[spmem:s2] =	stream.indirect.scatter.add.f32 [tilespmem:s19], [sflag:$0x3], $0x80, s28, s17, $0xb8;
	[tilespmem:$0x1D000] =	vst v63  }
0x30e: {  	_ =	swait.ge [sflag:s15], $0x4000  }
0x30f: {  	[sflag:s15] =	ssyncset.done $0x0  }
0x310: {  	[sflag:s15] =	ssyncadd.s32 $0xFFFFC000  }
0x311: {  	[tilespmem:s19], [sflag:$0x2] =	stream.indirect.gather [hbm4b:s5+s17], $0x80, s29, s17, $0xb8;
	[tilespmem:$0x1D000] =	vst v63  }
0x312: {  	_ =	swait.ge [sflag:s20], $0x4000  }
0x313: {  	[sflag:s20] =	ssyncset.done $0x0  }
0x314: {  	[sflag:s20] =	ssyncadd.s32 $0xFFFFC000  }
0x315: {  	[spmem:s2] =	stream.indirect.scatter.add.f32 [tilespmem:s18], [sflag:$0x3], $0x80, s30, s17, $0xb8;
	[tilespmem:$0x1D000] =	vst v63  }
0x316: {  	_ =	swait.ge [sflag:s15], $0x4000  }
0x317: {  	[sflag:s15] =	ssyncset.done $0x0  }
0x318: {  	[sflag:s15] =	ssyncadd.s32 $0xFFFFC000  }
0x319: {  	[tilespmem:s18], [sflag:$0x1] =	stream.indirect.gather [hbm4b:s5+s17], $0x80, s31, s17, $0xb8;
	[tilespmem:$0x1D000] =	vst v63  }
0x31a: {  	_ =	swait.ge [sflag:s22], $0x4000  }
0x31b: {  	[sflag:s22] =	ssyncset.done $0x0  }
0x31c: {  	[sflag:s22] =	ssyncadd.s32 $0xFFFFC000  }
0x31d: {  	[spmem:s2] =	stream.indirect.scatter.add.f32 [tilespmem:s19], [sflag:$0x3], $0x80, s0, s17, $0xb8;
	[tilespmem:$0x1D000] =	vst v63  }
0x31e: {  	_ =	swait.ge [sflag:s15], $0x4000  }
0x31f: {  	[sflag:s15] =	ssyncset.done $0x0  }
0x320: {  	[sflag:s15] =	ssyncadd.s32 $0xFFFFC000  }
0x321: {  	[tilespmem:s19], [sflag:$0x2] =	stream.indirect.gather [hbm4b:s5+s17], $0x80, s1, s17, $0xb8;
	[tilespmem:$0x1D000] =	vst v63  }
0x322: {  	_ =	swait.ge [sflag:s20], $0x4000  }
0x323: {  	[sflag:s20] =	ssyncset.done $0x0  }
0x324: {  	s6 =	simm.s32 $0xC00;
	[sflag:s20] =	ssyncadd.s32 $0xFFFFC000  }
0x325: {  	[spmem:s2] =	stream.indirect.scatter.add.f32 [tilespmem:s18], [sflag:$0x3], $0x80, s6, s17, $0xb8;
	[tilespmem:$0x1D000] =	vst v63  }
0x326: {  	_ =	swait.ge [sflag:s15], $0x4000  }
0x327: {  	[sflag:s15] =	ssyncset.done $0x0  }
0x328: {  	s6 =	simm.s32 $0x500;
	[sflag:s15] =	ssyncadd.s32 $0xFFFFC000  }
0x329: {  	[tilespmem:s18], [sflag:$0x1] =	stream.indirect.gather [hbm4b:s5+s17], $0x80, s6, s17, $0xb8;
	[tilespmem:$0x1D000] =	vst v63  }
0x32a: {  	_ =	swait.ge [sflag:s22], $0x4000  }
0x32b: {  	[sflag:s22] =	ssyncset.done $0x0  }
0x32c: {  	s6 =	simm.s32 $0xC80;
	[sflag:s22] =	ssyncadd.s32 $0xFFFFC000  }
0x32d: {  	[spmem:s2] =	stream.indirect.scatter.add.f32 [tilespmem:s19], [sflag:$0x3], $0x80, s6, s17, $0xb8;
	[tilespmem:$0x1D000] =	vst v63  }
0x32e: {  	_ =	swait.ge [sflag:s15], $0x4000  }
0x32f: {  	[sflag:s15] =	ssyncset.done $0x0  }
0x330: {  	s6 =	simm.s32 $0x580;
	[sflag:s15] =	ssyncadd.s32 $0xFFFFC000  }
0x331: {  	[tilespmem:s19], [sflag:$0x2] =	stream.indirect.gather [hbm4b:s5+s17], $0x80, s6, s17, $0xb8;
	[tilespmem:$0x1D000] =	vst v63  }
0x332: {  	_ =	swait.ge [sflag:s20], $0x4000  }
0x333: {  	[sflag:s20] =	ssyncset.done $0x0  }
0x334: {  	s6 =	simm.s32 $0xD00;
	[sflag:s20] =	ssyncadd.s32 $0xFFFFC000  }
0x335: {  	[spmem:s2] =	stream.indirect.scatter.add.f32 [tilespmem:s18], [sflag:$0x3], $0x80, s6, s17, $0xb8;
	[tilespmem:$0x1D000] =	vst v63  }
0x336: {  	_ =	swait.ge [sflag:s15], $0x4000  }
0x337: {  	[sflag:s15] =	ssyncset.done $0x0  }
0x338: {  	s6 =	simm.s32 $0x600;
	[sflag:s15] =	ssyncadd.s32 $0xFFFFC000  }
0x339: {  	[tilespmem:s18], [sflag:$0x1] =	stream.indirect.gather [hbm4b:s5+s17], $0x80, s6, s17, $0xb8;
	[tilespmem:$0x1D000] =	vst v63  }
0x33a: {  	_ =	swait.ge [sflag:s22], $0x4000  }
0x33b: {  	[sflag:s22] =	ssyncset.done $0x0  }
0x33c: {  	s6 =	simm.s32 $0xD80;
	[sflag:s22] =	ssyncadd.s32 $0xFFFFC000  }
0x33d: {  	[spmem:s2] =	stream.indirect.scatter.add.f32 [tilespmem:s19], [sflag:$0x3], $0x80, s6, s17, $0xb8;
	[tilespmem:$0x1D000] =	vst v63  }
0x33e: {  	_ =	swait.ge [sflag:s15], $0x4000  }
0x33f: {  	[sflag:s15] =	ssyncset.done $0x0  }
0x340: {  	s6 =	simm.s32 $0x680;
	[sflag:s15] =	ssyncadd.s32 $0xFFFFC000  }
0x341: {  	[tilespmem:s19], [sflag:$0x2] =	stream.indirect.gather [hbm4b:s5+s17], $0x80, s6, s17, $0xb8;
	[tilespmem:$0x1D000] =	vst v63  }
0x342: {  	_ =	swait.ge [sflag:s20], $0x4000  }
0x343: {  	[sflag:s20] =	ssyncset.done $0x0  }
0x344: {  	s6 =	simm.s32 $0xE00;
	[sflag:s20] =	ssyncadd.s32 $0xFFFFC000  }
0x345: {  	[spmem:s2] =	stream.indirect.scatter.add.f32 [tilespmem:s18], [sflag:$0x3], $0x80, s6, s17, $0xb8;
	[tilespmem:$0x1D000] =	vst v63  }
0x346: {  	_ =	swait.ge [sflag:s15], $0x4000  }
0x347: {  	[sflag:s15] =	ssyncset.done $0x0  }
0x348: {  	s6 =	simm.s32 $0x700;
	[sflag:s15] =	ssyncadd.s32 $0xFFFFC000  }
0x349: {  	[tilespmem:s18], [sflag:$0x1] =	stream.indirect.gather [hbm4b:s5+s17], $0x80, s6, s17, $0xb8;
	[tilespmem:$0x1D000] =	vst v63  }
0x34a: {  	_ =	swait.ge [sflag:s22], $0x4000  }
0x34b: {  	[sflag:s22] =	ssyncset.done $0x0  }
0x34c: {  	s6 =	simm.s32 $0xE80;
	[sflag:s22] =	ssyncadd.s32 $0xFFFFC000  }
0x34d: {  	[spmem:s2] =	stream.indirect.scatter.add.f32 [tilespmem:s19], [sflag:$0x3], $0x80, s6, s17, $0xb8;
	[tilespmem:$0x1D000] =	vst v63  }
0x34e: {  	_ =	swait.ge [sflag:s15], $0x4000  }
0x34f: {  	[sflag:s15] =	ssyncset.done $0x0  }
0x350: {  	s6 =	simm.s32 $0x780;
	[sflag:s15] =	ssyncadd.s32 $0xFFFFC000  }
0x351: {  	[tilespmem:s19], [sflag:$0x2] =	stream.indirect.gather [hbm4b:s5+s17], $0x80, s6, s17, $0xb8;
	[tilespmem:$0x1D000] =	vst v63  }
0x352: {  	_ =	swait.ge [sflag:s20], $0x4000  }
0x353: {  	[sflag:s20] =	ssyncset.done $0x0  }
0x354: {  	s6 =	simm.s32 $0xF00;
	[sflag:s20] =	ssyncadd.s32 $0xFFFFC000  }
0x355: {  	[spmem:s2] =	stream.indirect.scatter.add.f32 [tilespmem:s18], [sflag:$0x3], $0x80, s6, s17, $0xb8;
	[tilespmem:$0x1D000] =	vst v63  }
0x356: {  	_ =	swait.ge [sflag:s15], $0x4000  }
0x357: {  	[sflag:s15] =	ssyncset.done $0x0  }
0x358: {  	[sflag:s15] =	ssyncadd.s32 $0xFFFFC000  }
0x359: {  	_ =	swait.ge [sflag:s22], $0x4000  }
.Ltmp5:
0x35a: {  	[sflag:s22] =	ssyncset.done $0x0;
	(pc) =	sbr.rel @p1 .LBB2_6-.Ltmp5, $4  }
0x35b: {  	s6 =	simm.s32 $0xF80;
	[sflag:s22] =	ssyncadd.s32 $0xFFFFC000  }
0x35c: {  	[spmem:s2] =	stream.indirect.scatter.add.f32 [tilespmem:s19], [sflag:$0x3], $0x80, s6, s17, $0xb8;
	[tilespmem:$0x1D000] =	vst v63  }
0x35d: {  	_ =	swait.ge [sflag:s15], $0x4000  }
0x35e: {  	s6 =	smov.u32 s8;
	[sflag:s15] =	ssyncset.done $0x0  }
.Ltmp6:
0x35f: {  	_ = 	snop;
	(pc) =	sbr.rel .LBB2_7-.Ltmp6, $1  }
0x360: {  	_ =	sdelay $0x3  }
.LBB2_9:
0x361: {  	_ =	sfence.sel $0x180000  }
0x362: {  	[bflag:$0x0] =	sbarrier.arrive $0xFFFF  }
0x363: {  	_ =	strace $0x9000004A  }
0x364: {  	s0 =	stileid.u32;
	[bflag:$0x2] =	sbarrier.arrive $0xFFFF  }
0x365: {  	p0 =	sne.s32 s0, $0x0;
	s0 =	rddreg [dreg:$0x2]  }
0x366: {  	s0 =	sadd.s32 @!p0 $0x100000, s0  }
0x367: {  	[sflag:s0] =	ssyncadd.tile.s32 @!p0 $0x1;
	_ =	shalt  }
.Lfunc_end2:
_tile_overlayer_lowered:
.L_overlay_start_2:
0x368: {  	(tag) =	ssettag $0x2  }
0x369: {  	s0 =	rddreg [dreg:$0x0];
	s2 =	stileid.u32  }
0x36a: {  	s1 =	rddreg [dreg:$0x1];
	p0 =	sne.s32 s2, $0x0  }
0x36b: {  	s3 =	rddreg [dreg:$0x2];
	[bflag:$0x3] =	sbarrier.arrive $0xFFFF;
	s2 =	simm.s32 @!p0 $0x1C03  }
0x36c: {  	[timem:s3], [sflag:s2] =	dma.local @!p0 [hbm:s0], s1  }
0x36d: {  	s0 =	simm.s32 @!p0 $0x3  }
0x36e: {  	_ =	swait.ge @!p0 [sflag:s0], s1  }
0x36f: {  	s1 =	ssub.s32 @!p0 $0x0, s1;
	[sflag:s0] =	ssyncset.done @!p0 $0x0  }
0x370: {  	[sflag:s0] =	ssyncadd.s32 @!p0 s1  }
0x371: {  	[bflag:$0x3] =	sbarrier.arrive $0xFFFF  }
0x372: {  	_ =	shalt  }

// kernel: kernel.14.cloned.1.call-start
scs
__scs_entry_jumppad:
0x0: {  	(pc) =	sbr.rel $0x88, $3  }
0x1: {  	(tag) =	ssettag $0x0;
	lr =	simm.s32 $0x1  }
0x2: {  	[smem:$0x3F98] =	sst lr;
	_ =	strace $0xD0000000  }
0x3: {  	_ = 	snop  }
0x4: {  	_ = 	snop  }
0x5: {  	_ = 	snop  }
0x6: {  	_ = 	snop  }
0x7: {  	_ = 	snop  }
__scs_overlays_trampoline_lowered:
0x8: {  	[smem:$0x3FA7] =	sst s0  }
0x9: {  	[smem:$0x3FA8] =	sst s1  }
0xa: {  	[smem:$0x3FA9] =	sst s2  }
0xb: {  	[smem:$0x3FAA] =	sst s3  }
0xc: {  	[smem:$0x3FAB] =	sst s4  }
0xd: {  	[smem:$0x3FAC] =	sst s5  }
0xe: {  	[smem:$0x3FAD] =	sst s6  }
0xf: {  	[smem:$0x3FAE] =	sst s7  }
0x10: {  	[smem:$0x3FAF] =	sst s8  }
0x11: {  	[smem:$0x3FB0] =	sst s9;
	s0 =	simm.s32 @!p0 $0x0  }
0x12: {  	s1 =	sld [smem:$0x3F96];
	s0 =	simm.s32 @p0 $0x1  }
0x13: {  	[smem:$0x3FB1] =	sst s0;
	s0 =	simm.s32 @!p1 $0x0  }
0x14: {  	s2 =	sld [smem:$0x3F95];
	s0 =	simm.s32 @p1 $0x1  }
0x15: {  	[smem:$0x3FB2] =	sst s0;
	s0 =	simm.s32 @!p2 $0x0  }
0x16: {  	s3 =	sld [smem:$0x3FDB];
	s0 =	simm.s32 @p2 $0x1  }
0x17: {  	s4 =	simm.s32 $0x1BF5;
	[smem:$0x3FB4] =	sst s0  }
0x18: {  	s0 =	sld [smem:$0x3F97];
	_ =	swait.ge [sflag:s4], $0x0  }
0x19: {  	s7 =	sld [smem:$0x3F98]  }
0x1a: {  	s8 =	sadd.s32 $0xFFFFE003, lr  }
0x1b: {  	s9 =	sadd.s32 $0xFFFFFEF7, lr;
	s5 =	simm.s32 $0xFFFFFFFF;
	p2 =	slt.u32 s8, $0xFFFFF086  }
0x1c: {  	p1 =	slt.u32 s9, $0xF7A;
	s5 =	simm.s32 @!p2 $0x0  }
0x1d: {  	s5 =	simm.s32 @p1 $0x1;
	p0 =	seq.s32 s7, s2  }
0x1e: {  	s7 =	smul.u32 @!p0 $0xF7A, s2;
	p2 =	seq.s32 @!p0 s5, $0x0  }
0x1f: {  	s9 =	smul.u32 $0xF7A, s1;
	s8 =	simm.s32 @!p0 $0x1BF5;
	p2 =	por !p2, p0  }
0x20: {  	[sflag:s8] =	ssyncset.s32 @!p0 $0xFFFFF086;
	s6 =	sadd.s32 @!p0 s3, s7;
	s7 =	simm.s32 @!p0 $0x108  }
0x21: {  	s3 =	sadd.s32 s3, s9;
	s6 =	sadd.s32 @!p0 $0x88, s6;
	s7 =	simm.s32 @p2 $0x1082  }
0x22: {  	[simem:s7], [sflag:s8] =	dma.local @!p0 [hbm:s6], $0xF7A  }
0x23: {  	s9 =	sor.u32 $0xD0000000, s2;
	s6 =	simm.s32 $0x108;
	_ =	swait.ge @!p0 [sflag:s8], $0x0  }
0x24: {  	s3 =	sadd.s32 $0x88, s3;
	s6 =	simm.s32 @!p1 $0x1082;
	[sflag:s4] =	ssyncset.s32 $0xFFFFF086  }
0x25: {  	[simem:s6], [sflag:s4] =	dma.local [hbm:s3], $0xF7A  }
0x26: {  	[smem:$0x3F98] =	sst s1;
	(tag) =	ssettag s2;
	_ =	strace s9  }
0x27: {  	s1 =	sld [smem:$0x3FA8]  }
0x28: {  	s2 =	sld [smem:$0x3FA9]  }
0x29: {  	s4 =	sld [smem:$0x3FAB]  }
0x2a: {  	p0 =	seq.s32 s5, $0x0;
	s5 =	sld [smem:$0x3FAC]  }
0x2b: {  	s6 =	sld [smem:$0x3FAD]  }
0x2c: {  	s7 =	sld [smem:$0x3FAE]  }
0x2d: {  	s3 =	simm.s32 $0x108;
	s8 =	sld [smem:$0x3FAF]  }
0x2e: {  	s3 =	simm.s32 @!p0 $0x1082;
	s9 =	sld [smem:$0x3FB0]  }
0x2f: {  	lr =	sadd.s32 s0, s3;
	s0 =	sld [smem:$0x3FA7]  }
0x30: {  	s3 =	sld [smem:$0x3FAA]  }
0x31: {  	[smem:$0x3FB3] =	sst s10  }
0x32: {  	s10 =	sld [smem:$0x3FB1];
	_ =	sdelay $0x3  }
0x33: {  	p0 =	seq.s32 s10, $0x1;
	s10 =	sld [smem:$0x3FB3];
	_ =	sdelay $0x3  }
0x34: {  	[smem:$0x3FB3] =	sst s10  }
0x35: {  	s10 =	sld [smem:$0x3FB2];
	_ =	sdelay $0x3  }
0x36: {  	p1 =	seq.s32 s10, $0x1;
	s10 =	sld [smem:$0x3FB3];
	_ =	sdelay $0x3  }
0x37: {  	[smem:$0x3FB3] =	sst s10  }
0x38: {  	s10 =	sld [smem:$0x3FB4]  }
0x39: {  	_ = 	snop;
	(pc) =	sbr.ind lr, $3  }
0x3a: {  	_ = 	snop  }
0x3b: {  	_ = 	snop  }
0x3c: {  	p2 =	seq.s32 s10, $0x1;
	s10 =	sld [smem:$0x3FB3]  }
0x3d: {  	_ =	shalt  }
0x3e: {  	_ =	shalt  }
0x3f: {  	_ =	shalt  }
0x40: {  	_ =	shalt  }
0x41: {  	_ =	shalt  }
0x42: {  	_ =	shalt  }
0x43: {  	_ =	shalt  }
0x44: {  	_ =	shalt  }
0x45: {  	_ =	shalt  }
0x46: {  	_ =	shalt  }
0x47: {  	_ =	shalt  }
0x48: {  	_ =	shalt  }
0x49: {  	_ =	shalt  }
0x4a: {  	_ =	shalt  }
0x4b: {  	_ =	shalt  }
0x4c: {  	_ =	shalt  }
0x4d: {  	_ =	shalt  }
0x4e: {  	_ =	shalt  }
0x4f: {  	_ =	shalt  }
0x50: {  	_ =	shalt  }
0x51: {  	_ =	shalt  }
0x52: {  	_ =	shalt  }
0x53: {  	_ =	shalt  }
0x54: {  	_ =	shalt  }
0x55: {  	_ =	shalt  }
0x56: {  	_ =	shalt  }
0x57: {  	_ =	shalt  }
0x58: {  	_ =	shalt  }
0x59: {  	_ =	shalt  }
0x5a: {  	_ =	shalt  }
0x5b: {  	_ =	shalt  }
0x5c: {  	_ =	shalt  }
0x5d: {  	_ =	shalt  }
0x5e: {  	_ =	shalt  }
0x5f: {  	_ =	shalt  }
0x60: {  	_ =	shalt  }
0x61: {  	_ =	shalt  }
0x62: {  	_ =	shalt  }
0x63: {  	_ =	shalt  }
0x64: {  	_ =	shalt  }
0x65: {  	_ =	shalt  }
0x66: {  	_ =	shalt  }
0x67: {  	_ =	shalt  }
0x68: {  	_ =	shalt  }
0x69: {  	_ =	shalt  }
0x6a: {  	_ =	shalt  }
0x6b: {  	_ =	shalt  }
0x6c: {  	_ =	shalt  }
0x6d: {  	_ =	shalt  }
0x6e: {  	_ =	shalt  }
0x6f: {  	_ =	shalt  }
0x70: {  	_ =	shalt  }
0x71: {  	_ =	shalt  }
0x72: {  	_ =	shalt  }
0x73: {  	_ =	shalt  }
0x74: {  	_ =	shalt  }
0x75: {  	_ =	shalt  }
0x76: {  	_ =	shalt  }
0x77: {  	_ =	shalt  }
0x78: {  	_ =	shalt  }
0x79: {  	_ =	shalt  }
0x7a: {  	_ =	shalt  }
0x7b: {  	_ =	shalt  }
0x7c: {  	_ =	shalt  }
0x7d: {  	_ =	shalt  }
0x7e: {  	_ =	shalt  }
0x7f: {  	_ =	shalt  }
0x80: {  	_ =	shalt  }
0x81: {  	_ =	shalt  }
0x82: {  	_ =	shalt  }
0x83: {  	_ =	shalt  }
0x84: {  	_ =	shalt  }
0x85: {  	_ =	shalt  }
0x86: {  	_ =	shalt  }
0x87: {  	_ =	shalt  }
.Lfunc_end0:
.L_simem_size_0:
called_computation.2_lowered:
.L_overlay_start_0:
0x88: {  	s2 =	sld [smem:$0x3FD9]  }
0x89: {  	s3 =	sld [smem:$0x3FFE];
	_ =	sdelay $0x1  }
0x8a: {  	s1 =	srdreg.scid  }
0x8b: {  	s0 =	sand.u32 $0x1, s1  }
0x8c: {  	s16 =	sshll.u32 s0, $0xA;
	s2 =	sadd.s32 s3, s2  }
0x8d: {  	s2 =	sadd.s32 s2, s16  }
0x8e: {  	[smem:$0x3FBF] =	sst s2  }
0x8f: {  	_ = 	snop  }
0x90: {  	(tm) =	ssettm $0x1  }
0x91: {  	s17 =	sld [smem:$0x3FFB];
	_ =	sdelay $0x3  }
0x92: {  	_ =	strace s17  }
0x93: {  	s2 =	sld [smem:$0x3FFC];
	_ =	sdelay $0x3  }
0x94: {  	_ =	strace s2  }
0x95: {  	s2 =	sld [smem:$0x3FFD];
	_ =	sdelay $0x3  }
0x96: {  	_ =	strace s2  }
0x97: {  	_ =	strace $0x8FFFFFFF  }
0x98: {  	s18 =	sld [smem:$0x3FDB];
	_ =	sdelay $0x1  }
0x99: {  	s19 =	simm.s32 $_scs_section_size  }
0x9a: {  	s4 =	simm.s32 $_size__tile_overlayer_lowered;
	s5 =	simm.s32 $_tile_overlayer_lowered  }
0x9b: {  	s22 =	simm.s32 $0x1BFF;
	s21 =	sshll.u32 s5, $0x1;
	s2 =	sadd.s32 s19, s18  }
0x9c: {  	s6 =	simm.s32 $0x0;
	s20 =	sshll.u32 s4, $0x1;
	s4 =	sadd.s32 s21, s2  }
0x9d: {  	[timem:s6], [sflag:s22] =	dma.local [hbm:s4], s20  }
0x9e: {  	_ =	swait.ge [sflag:s22], s20  }
0x9f: {  	s3 =	ssub.s32 $0x0, s20;
	[sflag:s22] =	ssyncset.done $0x0  }
0xa0: {  	[sflag:s22] =	ssyncadd.s32 s3;
	_ =	sdelay $0x1  }
0xa1: {  	s23 =	simm.s32 $0x1B8B  }
0xa2: {  	_ =	swait.ge [sflag:s23], $0x1  }
0xa3: {  	[sflag:s23] =	ssyncset.done $0x0  }
0xa4: {  	s25 =	simm.s32 $0x1B8E;
	s24 =	sld [smem:$0x3FFE];
	[sflag:s23] =	ssyncadd.s32 $0xFFFFFFFF  }
0xa5: {  	s26 =	simm.s32 $execute0_lowered;
	[smem:$0x3FD2] =	sst s25  }
0xa6: {  	s4 =	sshll.u32 s26, $0x1;
	_ =	strace $0x8000004C;
	[dreg:$0x1] =	wrdreg $0xFFFFFFFF  }
0xa7: {  	s28 =	simm.s32 $_size_execute0_lowered;
	s2 =	sadd.s32 s2, s4;
	[dreg:$0x0] =	wrdreg $0x0  }
0xa8: {  	s4 =	sshll.u32 s28, $0x1;
	[dreg:$0x2] =	wrdreg s2  }
0xa9: {  	[dreg:$0x3] =	wrdreg s4  }
0xaa: {  	[dreg:$0x4] =	wrdreg $0xC0  }
0xab: {  	_ =	task [dreg:s6], $0x5FFFF  }
0xac: {  	[dreg:$0x1] =	wrdreg $0xFFFFFFFF  }
0xad: {  	[dreg:$0x0] =	wrdreg $0x60  }
0xae: {  	[dreg:$0x2] =	wrdreg s24  }
0xaf: {  	[dreg:$0x3] =	wrdreg $0x90000  }
0xb0: {  	[dreg:$0x4] =	wrdreg $0x9  }
0xb1: {  	_ =	task.clear_ibuf [dreg:s6], $0x5FFFF;
	_ =	strace $0x9000004C  }
0xb2: {  	s29 =	simm.s32 $0x9;
	_ =	strace $0x8000004E  }
0xb3: {  	_ =	swait.ge [sflag:s29], $0x1  }
0xb4: {  	[sflag:s29] =	ssyncadd.s32 $0xFFFFFFFF  }
0xb5: {  	_ =	strace $0x9000004E  }
0xb6: {  	_ =	sfence  }
0xb7: {  	s30 =	sld [smem:$0x0];
	_ =	sdelay $0x2  }
0xb8: {  	s31 =	sshll.u32 s1, $0xD;
	s1 =	sshrl.u32 s1, $0x2  }
0xb9: {  	s3 =	sand.u32 $0x4000, s31;
	s1 =	sadd.s32 s1, s30  }
0xba: {  	s0 =	sor.u32 s3, s0;
	s1 =	sshll.u32 s1, $0x11  }
0xbb: {  	s0 =	sor.u32 s1, s0  }
0xbc: {  	s0 =	sadd.s32 $0x8F2B, s0  }
0xbd: {  	[sflag:s0] =	ssyncadd.remote.s32 $0x1  }
0xbe: {  	_ =	sfence.sel $0xFFFF  }
0xbf: {  	[dreg:$0x0] =	wrdreg $0xFFFFFFFF;
	(pc) =	sbr.abs _section_cstart, $3  }
0xc0: {  	[dreg:$0x1] =	wrdreg $0xFFFFFFFF  }
0xc1: {  	_ =	task.clear_ibuf [dreg:s6], $0x2FFFF;
	_ =	strace $0x9FFFFFFF  }
0xc2: {  	(tm) =	ssettm $0x7FFFFFFF  }
0xc3: {  	_ =	shalt  }
tec
execute0_lowered:
.L_overlay_start_1:
0x0: {  	(tag) =	ssettag $0x1  }
0x1: {  	s0 =	rddreg [dreg:$0x0]  }
0x2: {  	s2 =	rddreg [dreg:$0x1]  }
0x3: {  	s3 =	simm.s32 $0x0;
	s9 =	stileid.u32;
	s6 =	srdreg.scid  }
0x4: {  	s15 =	simm.s32 $0x3;
	s16 =	simm.s32 $0x800;
	s17 =	simm.s32 $0x80  }
0x5: {  	s18 =	simm.s32 $0x1000;
	s19 =	simm.s32 $0x5000;
	s20 =	simm.s32 $0x1  }
0x6: {  	s22 =	simm.s32 $0x2;
	s11 =	simm.s32 $0x880;
	[smem:$0x7FF] =	sst s3  }
0x7: {  	s1 =	smul.u32 $0xA00, s9;
	s4 =	sadd.s32 $0x15A00, s0;
	s5 =	sadd.s32 $0x40400, s0  }
0x8: {  	s6 =	sand.u32 $0x1, s6;
	s7 =	sadd.s32 $0x3DC00, s0;
	s8 =	smul.u32 $0x50000, s9  }
0x9: {  	s10 =	sadd.s32 $0x68400, s0;
	s31 =	sshll.u32 s9, $0x6;
	s9 =	smul.u32 $0x2800, s9  }
0xa: {  	_ =	strace $0x8000004D;
	[dreg:$0x3] =	wrdreg s7;
	s28 =	ssub.s32 $0x2, s6  }
0xb: {  	[dreg:$0x4] =	wrdreg s10;
	p0 =	sne.s32 s6, $0x0;
	s10 =	simm.s32 $0x100  }
0xc: {  	s1 =	sadd.s32 s1, s0;
	s0 =	sadd.s32 $0x90400, s0;
	s29 =	sshrl.u32 s28, $0x1  }
.Ltmp0:
0xd: {  	s30 =	sshrl.u32 s8, $0x2;
	[dreg:$0x7] =	wrdreg s9;
	(pc) =	sbr.rel .LBB2_1-.Ltmp0, $4  }
0xe: {  	s8 =	sor.u32 $0x1C03, s31;
	[dreg:$0x5] =	wrdreg s0;
	s0 =	ssub.s32 s28, s29  }
0xf: {  	s7 =	sadd.s32 s30, s2;
	[dreg:$0x6] =	wrdreg s8;
	s0 =	smax.u32 s0, $0x1  }
0x10: {  	s12 =	sadd.s32 $0xBA00, s1;
	s7 =	sshrl.u32 s7, $0x3;
	[dreg:$0x8] =	wrdreg s0  }
0x11: {  	s13 =	sadd.s32 $0x1A00, s1;
	s0 =	simm.s32 $0x0;
	[dreg:$0x9] =	wrdreg s7  }
.LBB2_7:
0x12: {  	s6 =	sadd.s32 s7, s13;
	[sflag:s15] =	ssyncadd.s32 $0xFFFFC000  }
0x13: {  	[tilespmem:s3], [sflag:$0x3] =	stream.linear.gather [hbm4b:s6+s3], $0x800, $0x38;
	[tilespmem:$0x1D000] =	vst v63  }
0x14: {  	_ =	swait.ge [sflag:s15], $0x800  }
0x15: {  	[sflag:s15] =	ssyncset.done $0x0  }
0x16: {  	s8 =	sadd.s32 s7, s12;
	[sflag:s15] =	ssyncadd.s32 $0xFFFFF800  }
0x17: {  	[tilespmem:s16], [sflag:$0x3] =	stream.linear.gather [hbm4b:s8+s3], $0x800, $0x38;
	[tilespmem:$0x1D000] =	vst v63  }
0x18: {  	_ =	swait.ge [sflag:s15], $0x800  }
0x19: {  	[sflag:s15] =	ssyncset.done $0x0  }
0x1a: {  	[sflag:s15] =	ssyncadd.s32 $0xFFFFF800  }
0x1b: {  	[tilespmem:s18], [sflag:$0x1] =	stream.indirect.gather [hbm4b:s5+s17], $0x80, s3, s17, $0xb8;
	[tilespmem:$0x1D000] =	vst v63  }
0x1c: {  	_ = 	snop  }
0x1d: {  	[tilespmem:s19], [sflag:$0x2] =	stream.indirect.gather [hbm4b:s5+s17], $0x80, s17, s17, $0xb8;
	[tilespmem:$0x1D000] =	vst v63  }
0x1e: {  	_ =	swait.ge [sflag:s20], $0x4000  }
0x1f: {  	[sflag:s20] =	ssyncset.done $0x0  }
0x20: {  	[sflag:s20] =	ssyncadd.s32 $0xFFFFC000  }
0x21: {  	[spmem:s2] =	stream.indirect.scatter.add.f32 [tilespmem:s18], [sflag:$0x3], $0x80, s16, s17, $0xb8;
	[tilespmem:$0x1D000] =	vst v63  }
0x22: {  	_ =	swait.ge [sflag:s15], $0x4000  }
0x23: {  	[sflag:s15] =	ssyncset.done $0x0  }
0x24: {  	[sflag:s15] =	ssyncadd.s32 $0xFFFFC000  }
0x25: {  	[tilespmem:s18], [sflag:$0x1] =	stream.indirect.gather [hbm4b:s5+s17], $0x80, s10, s17, $0xb8;
	[tilespmem:$0x1D000] =	vst v63  }
0x26: {  	_ =	swait.ge [sflag:s22], $0x4000  }
0x27: {  	[sflag:s22] =	ssyncset.done $0x0  }
0x28: {  	[sflag:s22] =	ssyncadd.s32 $0xFFFFC000  }
0x29: {  	[spmem:s2] =	stream.indirect.scatter.add.f32 [tilespmem:s19], [sflag:$0x3], $0x80, s11, s17, $0xb8;
	[tilespmem:$0x1D000] =	vst v63  }
0x2a: {  	_ =	swait.ge [sflag:s15], $0x4000  }
0x2b: {  	[sflag:s15] =	ssyncset.done $0x0  }
0x2c: {  	[sflag:s15] =	ssyncadd.s32 $0xFFFFC000  }
0x2d: {  	[tilespmem:s19], [sflag:$0x2] =	stream.indirect.gather [hbm4b:s5+s17], $0x80, s9, s17, $0xb8;
	[tilespmem:$0x1D000] =	vst v63  }
0x2e: {  	_ =	swait.ge [sflag:s20], $0x4000  }
0x2f: {  	[sflag:s20] =	ssyncset.done $0x0  }
0x30: {  	[sflag:s20] =	ssyncadd.s32 $0xFFFFC000  }
0x31: {  	[spmem:s2] =	stream.indirect.scatter.add.f32 [tilespmem:s18], [sflag:$0x3], $0x80, s14, s17, $0xb8;
	[tilespmem:$0x1D000] =	vst v63  }
0x32: {  	_ =	swait.ge [sflag:s15], $0x4000  }
0x33: {  	[sflag:s15] =	ssyncset.done $0x0  }
0x34: {  	[sflag:s15] =	ssyncadd.s32 $0xFFFFC000  }
0x35: {  	[tilespmem:s18], [sflag:$0x1] =	stream.indirect.gather [hbm4b:s5+s17], $0x80, s21, s17, $0xb8;
	[tilespmem:$0x1D000] =	vst v63  }
0x36: {  	_ =	swait.ge [sflag:s22], $0x4000  }
0x37: {  	[sflag:s22] =	ssyncset.done $0x0  }
0x38: {  	[sflag:s22] =	ssyncadd.s32 $0xFFFFC000  }
0x39: {  	[spmem:s2] =	stream.indirect.scatter.add.f32 [tilespmem:s19], [sflag:$0x3], $0x80, s23, s17, $0xb8;
	[tilespmem:$0x1D000] =	vst v63  }
0x3a: {  	_ =	swait.ge [sflag:s15], $0x4000  }
0x3b: {  	[sflag:s15] =	ssyncset.done $0x0  }
0x3c: {  	[sflag:s15] =	ssyncadd.s32 $0xFFFFC000  }
0x3d: {  	[tilespmem:s19], [sflag:$0x2] =	stream.indirect.gather [hbm4b:s5+s17], $0x80, s24, s17, $0xb8;
	[tilespmem:$0x1D000] =	vst v63  }
0x3e: {  	_ =	swait.ge [sflag:s20], $0x4000  }
0x3f: {  	[sflag:s20] =	ssyncset.done $0x0  }
0x40: {  	[sflag:s20] =	ssyncadd.s32 $0xFFFFC000  }
0x41: {  	[spmem:s2] =	stream.indirect.scatter.add.f32 [tilespmem:s18], [sflag:$0x3], $0x80, s25, s17, $0xb8;
	[tilespmem:$0x1D000] =	vst v63  }
0x42: {  	_ =	swait.ge [sflag:s15], $0x4000  }
0x43: {  	[sflag:s15] =	ssyncset.done $0x0  }
0x44: {  	[sflag:s15] =	ssyncadd.s32 $0xFFFFC000  }
0x45: {  	[tilespmem:s18], [sflag:$0x1] =	stream.indirect.gather [hbm4b:s5+s17], $0x80, s26, s17, $0xb8;
	[tilespmem:$0x1D000] =	vst v63  }
0x46: {  	_ =	swait.ge [sflag:s22], $0x4000  }
0x47: {  	[sflag:s22] =	ssyncset.done $0x0  }
0x48: {  	[sflag:s22] =	ssyncadd.s32 $0xFFFFC000  }
0x49: {  	[spmem:s2] =	stream.indirect.scatter.add.f32 [tilespmem:s19], [sflag:$0x3], $0x80, s28, s17, $0xb8;
	[tilespmem:$0x1D000] =	vst v63  }
0x4a: {  	_ =	swait.ge [sflag:s15], $0x4000  }
0x4b: {  	[sflag:s15] =	ssyncset.done $0x0  }
0x4c: {  	[sflag:s15] =	ssyncadd.s32 $0xFFFFC000  }
0x4d: {  	[tilespmem:s19], [sflag:$0x2] =	stream.indirect.gather [hbm4b:s5+s17], $0x80, s29, s17, $0xb8;
	[tilespmem:$0x1D000] =	vst v63  }
0x4e: {  	_ =	swait.ge [sflag:s20], $0x4000  }
0x4f: {  	[sflag:s20] =	ssyncset.done $0x0  }
0x50: {  	[sflag:s20] =	ssyncadd.s32 $0xFFFFC000  }
0x51: {  	[spmem:s2] =	stream.indirect.scatter.add.f32 [tilespmem:s18], [sflag:$0x3], $0x80, s30, s17, $0xb8;
	[tilespmem:$0x1D000] =	vst v63  }
0x52: {  	_ =	swait.ge [sflag:s15], $0x4000  }
0x53: {  	[sflag:s15] =	ssyncset.done $0x0  }
0x54: {  	[sflag:s15] =	ssyncadd.s32 $0xFFFFC000  }
0x55: {  	[tilespmem:s18], [sflag:$0x1] =	stream.indirect.gather [hbm4b:s5+s17], $0x80, s31, s17, $0xb8;
	[tilespmem:$0x1D000] =	vst v63  }
0x56: {  	_ =	swait.ge [sflag:s22], $0x4000  }
0x57: {  	[sflag:s22] =	ssyncset.done $0x0  }
0x58: {  	[sflag:s22] =	ssyncadd.s32 $0xFFFFC000  }
0x59: {  	[spmem:s2] =	stream.indirect.scatter.add.f32 [tilespmem:s19], [sflag:$0x3], $0x80, s0, s17, $0xb8;
	[tilespmem:$0x1D000] =	vst v63  }
0x5a: {  	_ =	swait.ge [sflag:s15], $0x4000  }
0x5b: {  	[sflag:s15] =	ssyncset.done $0x0  }
0x5c: {  	[sflag:s15] =	ssyncadd.s32 $0xFFFFC000  }
0x5d: {  	[tilespmem:s19], [sflag:$0x2] =	stream.indirect.gather [hbm4b:s5+s17], $0x80, s1, s17, $0xb8;
	[tilespmem:$0x1D000] =	vst v63  }
0x5e: {  	_ =	swait.ge [sflag:s20], $0x4000  }
0x5f: {  	[sflag:s20] =	ssyncset.done $0x0  }
0x60: {  	s6 =	simm.s32 $0xC00;
	[sflag:s20] =	ssyncadd.s32 $0xFFFFC000  }
0x61: {  	[spmem:s2] =	stream.indirect.scatter.add.f32 [tilespmem:s18], [sflag:$0x3], $0x80, s6, s17, $0xb8;
	[tilespmem:$0x1D000] =	vst v63  }
0x62: {  	_ =	swait.ge [sflag:s15], $0x4000  }
0x63: {  	[sflag:s15] =	ssyncset.done $0x0  }
0x64: {  	s7 =	simm.s32 $0x500;
	[sflag:s15] =	ssyncadd.s32 $0xFFFFC000  }
0x65: {  	[tilespmem:s18], [sflag:$0x1] =	stream.indirect.gather [hbm4b:s5+s17], $0x80, s7, s17, $0xb8;
	[tilespmem:$0x1D000] =	vst v63  }
0x66: {  	_ =	swait.ge [sflag:s22], $0x4000  }
0x67: {  	[sflag:s22] =	ssyncset.done $0x0  }
0x68: {  	s8 =	simm.s32 $0xC80;
	[sflag:s22] =	ssyncadd.s32 $0xFFFFC000  }
0x69: {  	[spmem:s2] =	stream.indirect.scatter.add.f32 [tilespmem:s19], [sflag:$0x3], $0x80, s8, s17, $0xb8;
	[tilespmem:$0x1D000] =	vst v63  }
0x6a: {  	_ =	swait.ge [sflag:s15], $0x4000  }
0x6b: {  	[sflag:s15] =	ssyncset.done $0x0  }
0x6c: {  	s9 =	simm.s32 $0x580;
	[sflag:s15] =	ssyncadd.s32 $0xFFFFC000  }
0x6d: {  	[tilespmem:s19], [sflag:$0x2] =	stream.indirect.gather [hbm4b:s5+s17], $0x80, s9, s17, $0xb8;
	[tilespmem:$0x1D000] =	vst v63  }
0x6e: {  	_ =	swait.ge [sflag:s20], $0x4000  }
0x6f: {  	[sflag:s20] =	ssyncset.done $0x0  }
0x70: {  	s14 =	simm.s32 $0xD00;
	[sflag:s20] =	ssyncadd.s32 $0xFFFFC000  }
0x71: {  	[spmem:s2] =	stream.indirect.scatter.add.f32 [tilespmem:s18], [sflag:$0x3], $0x80, s14, s17, $0xb8;
	[tilespmem:$0x1D000] =	vst v63  }
0x72: {  	_ =	swait.ge [sflag:s15], $0x4000  }
0x73: {  	[sflag:s15] =	ssyncset.done $0x0  }
0x74: {  	s21 =	simm.s32 $0x600;
	[sflag:s15] =	ssyncadd.s32 $0xFFFFC000  }
0x75: {  	[tilespmem:s18], [sflag:$0x1] =	stream.indirect.gather [hbm4b:s5+s17], $0x80, s21, s17, $0xb8;
	[tilespmem:$0x1D000] =	vst v63  }
0x76: {  	_ =	swait.ge [sflag:s22], $0x4000  }
0x77: {  	[sflag:s22] =	ssyncset.done $0x0  }
0x78: {  	s23 =	simm.s32 $0xD80;
	[sflag:s22] =	ssyncadd.s32 $0xFFFFC000  }
0x79: {  	[spmem:s2] =	stream.indirect.scatter.add.f32 [tilespmem:s19], [sflag:$0x3], $0x80, s23, s17, $0xb8;
	[tilespmem:$0x1D000] =	vst v63  }
0x7a: {  	_ =	swait.ge [sflag:s15], $0x4000  }
0x7b: {  	[sflag:s15] =	ssyncset.done $0x0  }
0x7c: {  	s24 =	simm.s32 $0x680;
	[sflag:s15] =	ssyncadd.s32 $0xFFFFC000  }
0x7d: {  	[tilespmem:s19], [sflag:$0x2] =	stream.indirect.gather [hbm4b:s5+s17], $0x80, s24, s17, $0xb8;
	[tilespmem:$0x1D000] =	vst v63  }
0x7e: {  	_ =	swait.ge [sflag:s20], $0x4000  }
0x7f: {  	[sflag:s20] =	ssyncset.done $0x0  }
0x80: {  	s25 =	simm.s32 $0xE00;
	[sflag:s20] =	ssyncadd.s32 $0xFFFFC000  }
0x81: {  	[spmem:s2] =	stream.indirect.scatter.add.f32 [tilespmem:s18], [sflag:$0x3], $0x80, s25, s17, $0xb8;
	[tilespmem:$0x1D000] =	vst v63  }
0x82: {  	_ =	swait.ge [sflag:s15], $0x4000  }
0x83: {  	[sflag:s15] =	ssyncset.done $0x0  }
0x84: {  	s26 =	simm.s32 $0x700;
	[sflag:s15] =	ssyncadd.s32 $0xFFFFC000  }
0x85: {  	[tilespmem:s18], [sflag:$0x1] =	stream.indirect.gather [hbm4b:s5+s17], $0x80, s26, s17, $0xb8;
	[tilespmem:$0x1D000] =	vst v63  }
0x86: {  	_ =	swait.ge [sflag:s22], $0x4000  }
0x87: {  	[sflag:s22] =	ssyncset.done $0x0  }
0x88: {  	s28 =	simm.s32 $0xE80;
	[sflag:s22] =	ssyncadd.s32 $0xFFFFC000  }
0x89: {  	[spmem:s2] =	stream.indirect.scatter.add.f32 [tilespmem:s19], [sflag:$0x3], $0x80, s28, s17, $0xb8;
	[tilespmem:$0x1D000] =	vst v63  }
0x8a: {  	_ =	swait.ge [sflag:s15], $0x4000  }
0x8b: {  	[sflag:s15] =	ssyncset.done $0x0  }
0x8c: {  	s29 =	simm.s32 $0x780;
	[sflag:s15] =	ssyncadd.s32 $0xFFFFC000  }
0x8d: {  	[tilespmem:s19], [sflag:$0x2] =	stream.indirect.gather [hbm4b:s5+s17], $0x80, s29, s17, $0xb8;
	[tilespmem:$0x1D000] =	vst v63  }
0x8e: {  	_ =	swait.ge [sflag:s20], $0x4000  }
0x8f: {  	[sflag:s20] =	ssyncset.done $0x0  }
0x90: {  	s30 =	simm.s32 $0xF00;
	[sflag:s20] =	ssyncadd.s32 $0xFFFFC000  }
0x91: {  	[spmem:s2] =	stream.indirect.scatter.add.f32 [tilespmem:s18], [sflag:$0x3], $0x80, s30, s17, $0xb8;
	[tilespmem:$0x1D000] =	vst v63  }
0x92: {  	_ =	swait.ge [sflag:s15], $0x4000  }
0x93: {  	[sflag:s15] =	ssyncset.done $0x0  }
0x94: {  	[sflag:s15] =	ssyncadd.s32 $0xFFFFC000  }
0x95: {  	_ =	swait.ge [sflag:s22], $0x4000  }
0x96: {  	[sflag:s22] =	ssyncset.done $0x0  }
0x97: {  	s31 =	simm.s32 $0xF80;
	[sflag:s22] =	ssyncadd.s32 $0xFFFFC000  }
0x98: {  	[spmem:s2] =	stream.indirect.scatter.add.f32 [tilespmem:s19], [sflag:$0x3], $0x80, s31, s17, $0xb8;
	[tilespmem:$0x1D000] =	vst v63  }
0x99: {  	_ =	swait.ge [sflag:s15], $0x4000  }
0x9a: {  	[sflag:s15] =	ssyncset.done $0x0;
	s6 =	rddreg [dreg:$0x5]  }
0x9b: {  	s0 =	rddreg [dreg:$0xa];
	[sflag:s15] =	ssyncadd.s32 $0xFFFFC000  }
.LBB2_8:
0x9c: {  	s7 =	rddreg [dreg:$0x7];
	[bflag:$0x0] =	sbarrier.arrive $0xFFFF  }
0x9d: {  	s8 =	rddreg [dreg:$0x6]  }
0x9e: {  	s6 =	sadd.s32 s6, s7;
	s7 =	rddreg [dreg:$0x9]  }
0x9f: {  	[hbm:s6], [sflag:s8] =	dma.local [spmem:s7], $0x2800  }
0xa0: {  	_ =	swait.ge [sflag:s15], $0x2800  }
0xa1: {  	s0 =	sadd.s32 $0x1, s0;
	s31 =	rddreg [dreg:$0x8]  }
0xa2: {  	p1 =	sne.s32 s0, s31  }
.Ltmp1:
0xa3: {  	_ = 	snop;
	(pc) =	sbr.rel @!p1 .LBB2_9-.Ltmp1, $3  }
0xa4: {  	_ =	sdelay $0x1  }
0xa5: {  	[sflag:s15] =	ssyncset.done $0x0  }
0xa6: {  	[sflag:s15] =	ssyncadd.s32 $0xFFFFD800  }
.LBB2_1:
0xa7: {  	[dreg:$0xa] =	wrdreg s0  }
0xa8: {  	s6 =	rddreg [dreg:$0x3]  }
0xa9: {  	[spmem:s7], [sflag:s8] =	dma.local [hbm:s6], $0x2800  }
.Ltmp2:
0xaa: {  	_ =	swait.ge [sflag:s15], $0x2800;
	(pc) =	sbr.rel @p0 .LBB2_5-.Ltmp2, $4  }
0xab: {  	[sflag:s15] =	ssyncset.done $0x0  }
0xac: {  	[sflag:s15] =	ssyncadd.s32 $0xFFFFD800  }
0xad: {  	[bflag:$0x0] =	sbarrier.arrive $0xFFFF  }
0xae: {  	s6 =	sadd.s32 $0x0, s13  }
0xaf: {  	[tilespmem:s3], [sflag:$0x3] =	stream.linear.gather [hbm4b:s6+s3], $0x800, $0x38;
	[tilespmem:$0x1D000] =	vst v63  }
0xb0: {  	_ =	swait.ge [sflag:s15], $0x800  }
0xb1: {  	[sflag:s15] =	ssyncset.done $0x0  }
0xb2: {  	s9 =	sadd.s32 $0x0, s12;
	[sflag:s15] =	ssyncadd.s32 $0xFFFFF800  }
0xb3: {  	[tilespmem:s16], [sflag:$0x3] =	stream.linear.gather [hbm4b:s9+s3], $0x800, $0x38;
	[tilespmem:$0x1D000] =	vst v63  }
0xb4: {  	_ =	swait.ge [sflag:s15], $0x800  }
0xb5: {  	[sflag:s15] =	ssyncset.done $0x0  }
0xb6: {  	[sflag:s15] =	ssyncadd.s32 $0xFFFFF800  }
0xb7: {  	[tilespmem:s18], [sflag:$0x1] =	stream.indirect.gather [hbm4b:s4+s17], $0x80, s3, s17, $0xb8;
	[tilespmem:$0x1D000] =	vst v63  }
0xb8: {  	_ = 	snop  }
0xb9: {  	[tilespmem:s19], [sflag:$0x2] =	stream.indirect.gather [hbm4b:s4+s17], $0x80, s17, s17, $0xb8;
	[tilespmem:$0x1D000] =	vst v63  }
0xba: {  	_ =	swait.ge [sflag:s20], $0x4000  }
0xbb: {  	[sflag:s20] =	ssyncset.done $0x0  }
0xbc: {  	[sflag:s20] =	ssyncadd.s32 $0xFFFFC000  }
0xbd: {  	[spmem:s2] =	stream.indirect.scatter.add.f32 [tilespmem:s18], [sflag:$0x3], $0x80, s16, s17, $0xb8;
	[tilespmem:$0x1D000] =	vst v63  }
0xbe: {  	_ =	swait.ge [sflag:s15], $0x4000  }
0xbf: {  	[sflag:s15] =	ssyncset.done $0x0  }
0xc0: {  	[sflag:s15] =	ssyncadd.s32 $0xFFFFC000  }
0xc1: {  	[tilespmem:s18], [sflag:$0x1] =	stream.indirect.gather [hbm4b:s4+s17], $0x80, s10, s17, $0xb8;
	[tilespmem:$0x1D000] =	vst v63  }
0xc2: {  	_ =	swait.ge [sflag:s22], $0x4000  }
0xc3: {  	[sflag:s22] =	ssyncset.done $0x0  }
0xc4: {  	[sflag:s22] =	ssyncadd.s32 $0xFFFFC000  }
0xc5: {  	[spmem:s2] =	stream.indirect.scatter.add.f32 [tilespmem:s19], [sflag:$0x3], $0x80, s11, s17, $0xb8;
	[tilespmem:$0x1D000] =	vst v63  }
0xc6: {  	_ =	swait.ge [sflag:s15], $0x4000  }
0xc7: {  	[sflag:s15] =	ssyncset.done $0x0  }
0xc8: {  	s9 =	simm.s32 $0x180;
	[sflag:s15] =	ssyncadd.s32 $0xFFFFC000  }
0xc9: {  	[tilespmem:s19], [sflag:$0x2] =	stream.indirect.gather [hbm4b:s4+s17], $0x80, s9, s17, $0xb8;
	[tilespmem:$0x1D000] =	vst v63  }
0xca: {  	_ =	swait.ge [sflag:s20], $0x4000  }
0xcb: {  	[sflag:s20] =	ssyncset.done $0x0  }
0xcc: {  	s14 =	simm.s32 $0x900;
	[sflag:s20] =	ssyncadd.s32 $0xFFFFC000  }
0xcd: {  	[spmem:s2] =	stream.indirect.scatter.add.f32 [tilespmem:s18], [sflag:$0x3], $0x80, s14, s17, $0xb8;
	[tilespmem:$0x1D000] =	vst v63  }
0xce: {  	_ =	swait.ge [sflag:s15], $0x4000  }
0xcf: {  	[sflag:s15] =	ssyncset.done $0x0  }
0xd0: {  	s21 =	simm.s32 $0x200;
	[sflag:s15] =	ssyncadd.s32 $0xFFFFC000  }
0xd1: {  	[tilespmem:s18], [sflag:$0x1] =	stream.indirect.gather [hbm4b:s4+s17], $0x80, s21, s17, $0xb8;
	[tilespmem:$0x1D000] =	vst v63  }
0xd2: {  	_ =	swait.ge [sflag:s22], $0x4000  }
0xd3: {  	[sflag:s22] =	ssyncset.done $0x0  }
0xd4: {  	s23 =	simm.s32 $0x980;
	[sflag:s22] =	ssyncadd.s32 $0xFFFFC000  }
0xd5: {  	[spmem:s2] =	stream.indirect.scatter.add.f32 [tilespmem:s19], [sflag:$0x3], $0x80, s23, s17, $0xb8;
	[tilespmem:$0x1D000] =	vst v63  }
0xd6: {  	_ =	swait.ge [sflag:s15], $0x4000  }
0xd7: {  	[sflag:s15] =	ssyncset.done $0x0  }
0xd8: {  	s24 =	simm.s32 $0x280;
	[sflag:s15] =	ssyncadd.s32 $0xFFFFC000  }
0xd9: {  	[tilespmem:s19], [sflag:$0x2] =	stream.indirect.gather [hbm4b:s4+s17], $0x80, s24, s17, $0xb8;
	[tilespmem:$0x1D000] =	vst v63  }
0xda: {  	_ =	swait.ge [sflag:s20], $0x4000  }
0xdb: {  	[sflag:s20] =	ssyncset.done $0x0  }
0xdc: {  	s25 =	simm.s32 $0xA00;
	[sflag:s20] =	ssyncadd.s32 $0xFFFFC000  }
0xdd: {  	[spmem:s2] =	stream.indirect.scatter.add.f32 [tilespmem:s18], [sflag:$0x3], $0x80, s25, s17, $0xb8;
	[tilespmem:$0x1D000] =	vst v63  }
0xde: {  	_ =	swait.ge [sflag:s15], $0x4000  }
0xdf: {  	[sflag:s15] =	ssyncset.done $0x0  }
0xe0: {  	s26 =	simm.s32 $0x300;
	[sflag:s15] =	ssyncadd.s32 $0xFFFFC000  }
0xe1: {  	[tilespmem:s18], [sflag:$0x1] =	stream.indirect.gather [hbm4b:s4+s17], $0x80, s26, s17, $0xb8;
	[tilespmem:$0x1D000] =	vst v63  }
0xe2: {  	_ =	swait.ge [sflag:s22], $0x4000  }
0xe3: {  	[sflag:s22] =	ssyncset.done $0x0  }
0xe4: {  	s28 =	simm.s32 $0xA80;
	[sflag:s22] =	ssyncadd.s32 $0xFFFFC000  }
0xe5: {  	[spmem:s2] =	stream.indirect.scatter.add.f32 [tilespmem:s19], [sflag:$0x3], $0x80, s28, s17, $0xb8;
	[tilespmem:$0x1D000] =	vst v63  }
0xe6: {  	_ =	swait.ge [sflag:s15], $0x4000  }
0xe7: {  	[sflag:s15] =	ssyncset.done $0x0  }
0xe8: {  	s29 =	simm.s32 $0x380;
	[sflag:s15] =	ssyncadd.s32 $0xFFFFC000  }
0xe9: {  	[tilespmem:s19], [sflag:$0x2] =	stream.indirect.gather [hbm4b:s4+s17], $0x80, s29, s17, $0xb8;
	[tilespmem:$0x1D000] =	vst v63  }
0xea: {  	_ =	swait.ge [sflag:s20], $0x4000  }
0xeb: {  	[sflag:s20] =	ssyncset.done $0x0  }
0xec: {  	s30 =	simm.s32 $0xB00;
	[sflag:s20] =	ssyncadd.s32 $0xFFFFC000  }
0xed: {  	[spmem:s2] =	stream.indirect.scatter.add.f32 [tilespmem:s18], [sflag:$0x3], $0x80, s30, s17, $0xb8;
	[tilespmem:$0x1D000] =	vst v63  }
0xee: {  	_ =	swait.ge [sflag:s15], $0x4000  }
0xef: {  	[sflag:s15] =	ssyncset.done $0x0  }
0xf0: {  	s31 =	simm.s32 $0x400;
	[sflag:s15] =	ssyncadd.s32 $0xFFFFC000  }
0xf1: {  	[tilespmem:s18], [sflag:$0x1] =	stream.indirect.gather [hbm4b:s4+s17], $0x80, s31, s17, $0xb8;
	[tilespmem:$0x1D000] =	vst v63  }
0xf2: {  	_ =	swait.ge [sflag:s22], $0x4000  }
0xf3: {  	[sflag:s22] =	ssyncset.done $0x0  }
0xf4: {  	s0 =	simm.s32 $0xB80;
	[sflag:s22] =	ssyncadd.s32 $0xFFFFC000  }
0xf5: {  	[spmem:s2] =	stream.indirect.scatter.add.f32 [tilespmem:s19], [sflag:$0x3], $0x80, s0, s17, $0xb8;
	[tilespmem:$0x1D000] =	vst v63  }
0xf6: {  	_ =	swait.ge [sflag:s15], $0x4000  }
0xf7: {  	[sflag:s15] =	ssyncset.done $0x0  }
0xf8: {  	s1 =	simm.s32 $0x480;
	[sflag:s15] =	ssyncadd.s32 $0xFFFFC000  }
0xf9: {  	[tilespmem:s19], [sflag:$0x2] =	stream.indirect.gather [hbm4b:s4+s17], $0x80, s1, s17, $0xb8;
	[tilespmem:$0x1D000] =	vst v63  }
0xfa: {  	_ =	swait.ge [sflag:s20], $0x4000  }
0xfb: {  	[sflag:s20] =	ssyncset.done $0x0  }
0xfc: {  	s10 =	simm.s32 $0xC00;
	[sflag:s20] =	ssyncadd.s32 $0xFFFFC000  }
0xfd: {  	[spmem:s2] =	stream.indirect.scatter.add.f32 [tilespmem:s18], [sflag:$0x3], $0x80, s10, s17, $0xb8;
	[tilespmem:$0x1D000] =	vst v63  }
0xfe: {  	_ =	swait.ge [sflag:s15], $0x4000  }
0xff: {  	[sflag:s15] =	ssyncset.done $0x0  }
0x100: {  	s11 =	simm.s32 $0x500;
	[sflag:s15] =	ssyncadd.s32 $0xFFFFC000  }
0x101: {  	[tilespmem:s18], [sflag:$0x1] =	stream.indirect.gather [hbm4b:s4+s17], $0x80, s11, s17, $0xb8;
	[tilespmem:$0x1D000] =	vst v63  }
0x102: {  	_ =	swait.ge [sflag:s22], $0x4000  }
0x103: {  	[sflag:s22] =	ssyncset.done $0x0  }
0x104: {  	s7 =	simm.s32 $0xC80;
	[sflag:s22] =	ssyncadd.s32 $0xFFFFC000  }
0x105: {  	[spmem:s2] =	stream.indirect.scatter.add.f32 [tilespmem:s19], [sflag:$0x3], $0x80, s7, s17, $0xb8;
	[tilespmem:$0x1D000] =	vst v63  }
0x106: {  	_ =	swait.ge [sflag:s15], $0x4000  }
0x107: {  	[sflag:s15] =	ssyncset.done $0x0  }
0x108: {  	s8 =	simm.s32 $0x580;
	[sflag:s15] =	ssyncadd.s32 $0xFFFFC000  }
0x109: {  	[tilespmem:s19], [sflag:$0x2] =	stream.indirect.gather [hbm4b:s4+s17], $0x80, s8, s17, $0xb8;
	[tilespmem:$0x1D000] =	vst v63  }
0x10a: {  	_ =	swait.ge [sflag:s20], $0x4000  }
0x10b: {  	[sflag:s20] =	ssyncset.done $0x0  }
0x10c: {  	s10 =	simm.s32 $0xD00;
	[sflag:s20] =	ssyncadd.s32 $0xFFFFC000  }
0x10d: {  	[spmem:s2] =	stream.indirect.scatter.add.f32 [tilespmem:s18], [sflag:$0x3], $0x80, s10, s17, $0xb8;
	[tilespmem:$0x1D000] =	vst v63  }
0x10e: {  	_ =	swait.ge [sflag:s15], $0x4000  }
0x10f: {  	[sflag:s15] =	ssyncset.done $0x0  }
0x110: {  	s11 =	simm.s32 $0x600;
	[sflag:s15] =	ssyncadd.s32 $0xFFFFC000  }
0x111: {  	[tilespmem:s18], [sflag:$0x1] =	stream.indirect.gather [hbm4b:s4+s17], $0x80, s11, s17, $0xb8;
	[tilespmem:$0x1D000] =	vst v63  }
0x112: {  	_ =	swait.ge [sflag:s22], $0x4000  }
0x113: {  	[sflag:s22] =	ssyncset.done $0x0  }
0x114: {  	s7 =	simm.s32 $0xD80;
	[sflag:s22] =	ssyncadd.s32 $0xFFFFC000  }
0x115: {  	[spmem:s2] =	stream.indirect.scatter.add.f32 [tilespmem:s19], [sflag:$0x3], $0x80, s7, s17, $0xb8;
	[tilespmem:$0x1D000] =	vst v63  }
0x116: {  	_ =	swait.ge [sflag:s15], $0x4000  }
0x117: {  	[sflag:s15] =	ssyncset.done $0x0  }
0x118: {  	s8 =	simm.s32 $0x680;
	[sflag:s15] =	ssyncadd.s32 $0xFFFFC000  }
0x119: {  	[tilespmem:s19], [sflag:$0x2] =	stream.indirect.gather [hbm4b:s4+s17], $0x80, s8, s17, $0xb8;
	[tilespmem:$0x1D000] =	vst v63  }
0x11a: {  	_ =	swait.ge [sflag:s20], $0x4000  }
0x11b: {  	[sflag:s20] =	ssyncset.done $0x0  }
0x11c: {  	s10 =	simm.s32 $0xE00;
	[sflag:s20] =	ssyncadd.s32 $0xFFFFC000  }
0x11d: {  	[spmem:s2] =	stream.indirect.scatter.add.f32 [tilespmem:s18], [sflag:$0x3], $0x80, s10, s17, $0xb8;
	[tilespmem:$0x1D000] =	vst v63  }
0x11e: {  	_ =	swait.ge [sflag:s15], $0x4000  }
0x11f: {  	[sflag:s15] =	ssyncset.done $0x0  }
0x120: {  	s11 =	simm.s32 $0x700;
	[sflag:s15] =	ssyncadd.s32 $0xFFFFC000  }
0x121: {  	[tilespmem:s18], [sflag:$0x1] =	stream.indirect.gather [hbm4b:s4+s17], $0x80, s11, s17, $0xb8;
	[tilespmem:$0x1D000] =	vst v63  }
0x122: {  	_ =	swait.ge [sflag:s22], $0x4000  }
0x123: {  	[sflag:s22] =	ssyncset.done $0x0  }
0x124: {  	s7 =	simm.s32 $0xE80;
	[sflag:s22] =	ssyncadd.s32 $0xFFFFC000  }
0x125: {  	[spmem:s2] =	stream.indirect.scatter.add.f32 [tilespmem:s19], [sflag:$0x3], $0x80, s7, s17, $0xb8;
	[tilespmem:$0x1D000] =	vst v63  }
0x126: {  	_ =	swait.ge [sflag:s15], $0x4000  }
0x127: {  	[sflag:s15] =	ssyncset.done $0x0  }
0x128: {  	s8 =	simm.s32 $0x780;
	[sflag:s15] =	ssyncadd.s32 $0xFFFFC000  }
0x129: {  	[tilespmem:s19], [sflag:$0x2] =	stream.indirect.gather [hbm4b:s4+s17], $0x80, s8, s17, $0xb8;
	[tilespmem:$0x1D000] =	vst v63  }
0x12a: {  	_ =	swait.ge [sflag:s20], $0x4000  }
0x12b: {  	[sflag:s20] =	ssyncset.done $0x0  }
0x12c: {  	s10 =	simm.s32 $0xF00;
	[sflag:s20] =	ssyncadd.s32 $0xFFFFC000  }
0x12d: {  	[spmem:s2] =	stream.indirect.scatter.add.f32 [tilespmem:s18], [sflag:$0x3], $0x80, s10, s17, $0xb8;
	[tilespmem:$0x1D000] =	vst v63  }
0x12e: {  	_ =	swait.ge [sflag:s15], $0x4000  }
0x12f: {  	[sflag:s15] =	ssyncset.done $0x0  }
0x130: {  	[sflag:s15] =	ssyncadd.s32 $0xFFFFC000  }
0x131: {  	_ =	swait.ge [sflag:s22], $0x4000  }
0x132: {  	[sflag:s22] =	ssyncset.done $0x0  }
0x133: {  	s11 =	simm.s32 $0xF80;
	[sflag:s22] =	ssyncadd.s32 $0xFFFFC000  }
0x134: {  	[spmem:s2] =	stream.indirect.scatter.add.f32 [tilespmem:s19], [sflag:$0x3], $0x80, s11, s17, $0xb8;
	[tilespmem:$0x1D000] =	vst v63  }
0x135: {  	_ =	swait.ge [sflag:s15], $0x4000  }
0x136: {  	s7 =	simm.s32 $0x100;
	s8 =	simm.s32 $0x200;
	[sflag:s15] =	ssyncset.done $0x0  }
.LBB2_3:
0x137: {  	s10 =	sadd.s32 s7, s13  }
0x138: {  	[sflag:s15] =	ssyncadd.s32 $0xFFFFC000;
	s11 =	smov.u32 s8;
	s6 =	sadd.s32 $0x100, s8  }
0x139: {  	[tilespmem:s3], [sflag:$0x3] =	stream.linear.gather [hbm4b:s10+s3], $0x800, $0x38;
	[tilespmem:$0x1D000] =	vst v63  }
0x13a: {  	s10 =	simm.s32 $0x100  }
0x13b: {  	p1 =	seq.s32 s8, $0x900;
	_ =	swait.ge [sflag:s15], $0x800  }
0x13c: {  	s8 =	sadd.s32 s7, s12;
	[sflag:s15] =	ssyncset.done $0x0  }
0x13d: {  	s7 =	smov.u32 s11;
	s11 =	simm.s32 $0x880;
	[sflag:s15] =	ssyncadd.s32 $0xFFFFF800  }
0x13e: {  	[tilespmem:s16], [sflag:$0x3] =	stream.linear.gather [hbm4b:s8+s3], $0x800, $0x38;
	[tilespmem:$0x1D000] =	vst v63  }
0x13f: {  	_ =	swait.ge [sflag:s15], $0x800  }
0x140: {  	[sflag:s15] =	ssyncset.done $0x0  }
0x141: {  	[sflag:s15] =	ssyncadd.s32 $0xFFFFF800  }
0x142: {  	[tilespmem:s18], [sflag:$0x1] =	stream.indirect.gather [hbm4b:s4+s17], $0x80, s3, s17, $0xb8;
	[tilespmem:$0x1D000] =	vst v63  }
0x143: {  	_ = 	snop  }
0x144: {  	[tilespmem:s19], [sflag:$0x2] =	stream.indirect.gather [hbm4b:s4+s17], $0x80, s17, s17, $0xb8;
	[tilespmem:$0x1D000] =	vst v63  }
0x145: {  	_ =	swait.ge [sflag:s20], $0x4000  }
0x146: {  	[sflag:s20] =	ssyncset.done $0x0  }
0x147: {  	[sflag:s20] =	ssyncadd.s32 $0xFFFFC000  }
0x148: {  	[spmem:s2] =	stream.indirect.scatter.add.f32 [tilespmem:s18], [sflag:$0x3], $0x80, s16, s17, $0xb8;
	[tilespmem:$0x1D000] =	vst v63  }
0x149: {  	_ =	swait.ge [sflag:s15], $0x4000  }
0x14a: {  	[sflag:s15] =	ssyncset.done $0x0  }
0x14b: {  	[sflag:s15] =	ssyncadd.s32 $0xFFFFC000  }
0x14c: {  	[tilespmem:s18], [sflag:$0x1] =	stream.indirect.gather [hbm4b:s4+s17], $0x80, s10, s17, $0xb8;
	[tilespmem:$0x1D000] =	vst v63  }
0x14d: {  	_ =	swait.ge [sflag:s22], $0x4000  }
0x14e: {  	[sflag:s22] =	ssyncset.done $0x0  }
0x14f: {  	[sflag:s22] =	ssyncadd.s32 $0xFFFFC000  }
0x150: {  	[spmem:s2] =	stream.indirect.scatter.add.f32 [tilespmem:s19], [sflag:$0x3], $0x80, s11, s17, $0xb8;
	[tilespmem:$0x1D000] =	vst v63  }
0x151: {  	_ =	swait.ge [sflag:s15], $0x4000  }
0x152: {  	[sflag:s15] =	ssyncset.done $0x0  }
0x153: {  	[sflag:s15] =	ssyncadd.s32 $0xFFFFC000  }
0x154: {  	[tilespmem:s19], [sflag:$0x2] =	stream.indirect.gather [hbm4b:s4+s17], $0x80, s9, s17, $0xb8;
	[tilespmem:$0x1D000] =	vst v63  }
0x155: {  	_ =	swait.ge [sflag:s20], $0x4000  }
0x156: {  	[sflag:s20] =	ssyncset.done $0x0  }
0x157: {  	[sflag:s20] =	ssyncadd.s32 $0xFFFFC000  }
0x158: {  	[spmem:s2] =	stream.indirect.scatter.add.f32 [tilespmem:s18], [sflag:$0x3], $0x80, s14, s17, $0xb8;
	[tilespmem:$0x1D000] =	vst v63  }
0x159: {  	_ =	swait.ge [sflag:s15], $0x4000  }
0x15a: {  	[sflag:s15] =	ssyncset.done $0x0  }
0x15b: {  	[sflag:s15] =	ssyncadd.s32 $0xFFFFC000  }
0x15c: {  	[tilespmem:s18], [sflag:$0x1] =	stream.indirect.gather [hbm4b:s4+s17], $0x80, s21, s17, $0xb8;
	[tilespmem:$0x1D000] =	vst v63  }
0x15d: {  	_ =	swait.ge [sflag:s22], $0x4000  }
0x15e: {  	[sflag:s22] =	ssyncset.done $0x0  }
0x15f: {  	[sflag:s22] =	ssyncadd.s32 $0xFFFFC000  }
0x160: {  	[spmem:s2] =	stream.indirect.scatter.add.f32 [tilespmem:s19], [sflag:$0x3], $0x80, s23, s17, $0xb8;
	[tilespmem:$0x1D000] =	vst v63  }
0x161: {  	_ =	swait.ge [sflag:s15], $0x4000  }
0x162: {  	[sflag:s15] =	ssyncset.done $0x0  }
0x163: {  	[sflag:s15] =	ssyncadd.s32 $0xFFFFC000  }
0x164: {  	[tilespmem:s19], [sflag:$0x2] =	stream.indirect.gather [hbm4b:s4+s17], $0x80, s24, s17, $0xb8;
	[tilespmem:$0x1D000] =	vst v63  }
0x165: {  	_ =	swait.ge [sflag:s20], $0x4000  }
0x166: {  	[sflag:s20] =	ssyncset.done $0x0  }
0x167: {  	[sflag:s20] =	ssyncadd.s32 $0xFFFFC000  }
0x168: {  	[spmem:s2] =	stream.indirect.scatter.add.f32 [tilespmem:s18], [sflag:$0x3], $0x80, s25, s17, $0xb8;
	[tilespmem:$0x1D000] =	vst v63  }
0x169: {  	_ =	swait.ge [sflag:s15], $0x4000  }
0x16a: {  	[sflag:s15] =	ssyncset.done $0x0  }
0x16b: {  	[sflag:s15] =	ssyncadd.s32 $0xFFFFC000  }
0x16c: {  	[tilespmem:s18], [sflag:$0x1] =	stream.indirect.gather [hbm4b:s4+s17], $0x80, s26, s17, $0xb8;
	[tilespmem:$0x1D000] =	vst v63  }
0x16d: {  	_ =	swait.ge [sflag:s22], $0x4000  }
0x16e: {  	[sflag:s22] =	ssyncset.done $0x0  }
0x16f: {  	[sflag:s22] =	ssyncadd.s32 $0xFFFFC000  }
0x170: {  	[spmem:s2] =	stream.indirect.scatter.add.f32 [tilespmem:s19], [sflag:$0x3], $0x80, s28, s17, $0xb8;
	[tilespmem:$0x1D000] =	vst v63  }
0x171: {  	_ =	swait.ge [sflag:s15], $0x4000  }
0x172: {  	[sflag:s15] =	ssyncset.done $0x0  }
0x173: {  	[sflag:s15] =	ssyncadd.s32 $0xFFFFC000  }
0x174: {  	[tilespmem:s19], [sflag:$0x2] =	stream.indirect.gather [hbm4b:s4+s17], $0x80, s29, s17, $0xb8;
	[tilespmem:$0x1D000] =	vst v63  }
0x175: {  	_ =	swait.ge [sflag:s20], $0x4000  }
0x176: {  	[sflag:s20] =	ssyncset.done $0x0  }
0x177: {  	[sflag:s20] =	ssyncadd.s32 $0xFFFFC000  }
0x178: {  	[spmem:s2] =	stream.indirect.scatter.add.f32 [tilespmem:s18], [sflag:$0x3], $0x80, s30, s17, $0xb8;
	[tilespmem:$0x1D000] =	vst v63  }
0x179: {  	_ =	swait.ge [sflag:s15], $0x4000  }
0x17a: {  	[sflag:s15] =	ssyncset.done $0x0  }
0x17b: {  	[sflag:s15] =	ssyncadd.s32 $0xFFFFC000  }
0x17c: {  	[tilespmem:s18], [sflag:$0x1] =	stream.indirect.gather [hbm4b:s4+s17], $0x80, s31, s17, $0xb8;
	[tilespmem:$0x1D000] =	vst v63  }
0x17d: {  	_ =	swait.ge [sflag:s22], $0x4000  }
0x17e: {  	[sflag:s22] =	ssyncset.done $0x0  }
0x17f: {  	[sflag:s22] =	ssyncadd.s32 $0xFFFFC000  }
0x180: {  	[spmem:s2] =	stream.indirect.scatter.add.f32 [tilespmem:s19], [sflag:$0x3], $0x80, s0, s17, $0xb8;
	[tilespmem:$0x1D000] =	vst v63  }
0x181: {  	_ =	swait.ge [sflag:s15], $0x4000  }
0x182: {  	[sflag:s15] =	ssyncset.done $0x0  }
0x183: {  	[sflag:s15] =	ssyncadd.s32 $0xFFFFC000  }
0x184: {  	[tilespmem:s19], [sflag:$0x2] =	stream.indirect.gather [hbm4b:s4+s17], $0x80, s1, s17, $0xb8;
	[tilespmem:$0x1D000] =	vst v63  }
0x185: {  	_ =	swait.ge [sflag:s20], $0x4000  }
0x186: {  	[sflag:s20] =	ssyncset.done $0x0  }
0x187: {  	s8 =	simm.s32 $0xC00;
	[sflag:s20] =	ssyncadd.s32 $0xFFFFC000  }
0x188: {  	[spmem:s2] =	stream.indirect.scatter.add.f32 [tilespmem:s18], [sflag:$0x3], $0x80, s8, s17, $0xb8;
	[tilespmem:$0x1D000] =	vst v63  }
0x189: {  	_ =	swait.ge [sflag:s15], $0x4000  }
0x18a: {  	[sflag:s15] =	ssyncset.done $0x0  }
0x18b: {  	s8 =	simm.s32 $0x500;
	[sflag:s15] =	ssyncadd.s32 $0xFFFFC000  }
0x18c: {  	[tilespmem:s18], [sflag:$0x1] =	stream.indirect.gather [hbm4b:s4+s17], $0x80, s8, s17, $0xb8;
	[tilespmem:$0x1D000] =	vst v63  }
0x18d: {  	_ =	swait.ge [sflag:s22], $0x4000  }
0x18e: {  	[sflag:s22] =	ssyncset.done $0x0  }
0x18f: {  	s8 =	simm.s32 $0xC80;
	[sflag:s22] =	ssyncadd.s32 $0xFFFFC000  }
0x190: {  	[spmem:s2] =	stream.indirect.scatter.add.f32 [tilespmem:s19], [sflag:$0x3], $0x80, s8, s17, $0xb8;
	[tilespmem:$0x1D000] =	vst v63  }
0x191: {  	_ =	swait.ge [sflag:s15], $0x4000  }
0x192: {  	[sflag:s15] =	ssyncset.done $0x0  }
0x193: {  	s8 =	simm.s32 $0x580;
	[sflag:s15] =	ssyncadd.s32 $0xFFFFC000  }
0x194: {  	[tilespmem:s19], [sflag:$0x2] =	stream.indirect.gather [hbm4b:s4+s17], $0x80, s8, s17, $0xb8;
	[tilespmem:$0x1D000] =	vst v63  }
0x195: {  	_ =	swait.ge [sflag:s20], $0x4000  }
0x196: {  	[sflag:s20] =	ssyncset.done $0x0  }
0x197: {  	s8 =	simm.s32 $0xD00;
	[sflag:s20] =	ssyncadd.s32 $0xFFFFC000  }
0x198: {  	[spmem:s2] =	stream.indirect.scatter.add.f32 [tilespmem:s18], [sflag:$0x3], $0x80, s8, s17, $0xb8;
	[tilespmem:$0x1D000] =	vst v63  }
0x199: {  	_ =	swait.ge [sflag:s15], $0x4000  }
0x19a: {  	[sflag:s15] =	ssyncset.done $0x0  }
0x19b: {  	s8 =	simm.s32 $0x600;
	[sflag:s15] =	ssyncadd.s32 $0xFFFFC000  }
0x19c: {  	[tilespmem:s18], [sflag:$0x1] =	stream.indirect.gather [hbm4b:s4+s17], $0x80, s8, s17, $0xb8;
	[tilespmem:$0x1D000] =	vst v63  }
0x19d: {  	_ =	swait.ge [sflag:s22], $0x4000  }
0x19e: {  	[sflag:s22] =	ssyncset.done $0x0  }
0x19f: {  	s8 =	simm.s32 $0xD80;
	[sflag:s22] =	ssyncadd.s32 $0xFFFFC000  }
0x1a0: {  	[spmem:s2] =	stream.indirect.scatter.add.f32 [tilespmem:s19], [sflag:$0x3], $0x80, s8, s17, $0xb8;
	[tilespmem:$0x1D000] =	vst v63  }
0x1a1: {  	_ =	swait.ge [sflag:s15], $0x4000  }
0x1a2: {  	[sflag:s15] =	ssyncset.done $0x0  }
0x1a3: {  	s8 =	simm.s32 $0x680;
	[sflag:s15] =	ssyncadd.s32 $0xFFFFC000  }
0x1a4: {  	[tilespmem:s19], [sflag:$0x2] =	stream.indirect.gather [hbm4b:s4+s17], $0x80, s8, s17, $0xb8;
	[tilespmem:$0x1D000] =	vst v63  }
0x1a5: {  	_ =	swait.ge [sflag:s20], $0x4000  }
0x1a6: {  	[sflag:s20] =	ssyncset.done $0x0  }
0x1a7: {  	s8 =	simm.s32 $0xE00;
	[sflag:s20] =	ssyncadd.s32 $0xFFFFC000  }
0x1a8: {  	[spmem:s2] =	stream.indirect.scatter.add.f32 [tilespmem:s18], [sflag:$0x3], $0x80, s8, s17, $0xb8;
	[tilespmem:$0x1D000] =	vst v63  }
0x1a9: {  	_ =	swait.ge [sflag:s15], $0x4000  }
0x1aa: {  	[sflag:s15] =	ssyncset.done $0x0  }
0x1ab: {  	s8 =	simm.s32 $0x700;
	[sflag:s15] =	ssyncadd.s32 $0xFFFFC000  }
0x1ac: {  	[tilespmem:s18], [sflag:$0x1] =	stream.indirect.gather [hbm4b:s4+s17], $0x80, s8, s17, $0xb8;
	[tilespmem:$0x1D000] =	vst v63  }
0x1ad: {  	_ =	swait.ge [sflag:s22], $0x4000  }
0x1ae: {  	[sflag:s22] =	ssyncset.done $0x0  }
0x1af: {  	s8 =	simm.s32 $0xE80;
	[sflag:s22] =	ssyncadd.s32 $0xFFFFC000  }
0x1b0: {  	[spmem:s2] =	stream.indirect.scatter.add.f32 [tilespmem:s19], [sflag:$0x3], $0x80, s8, s17, $0xb8;
	[tilespmem:$0x1D000] =	vst v63  }
0x1b1: {  	_ =	swait.ge [sflag:s15], $0x4000  }
0x1b2: {  	[sflag:s15] =	ssyncset.done $0x0  }
0x1b3: {  	s8 =	simm.s32 $0x780;
	[sflag:s15] =	ssyncadd.s32 $0xFFFFC000  }
0x1b4: {  	[tilespmem:s19], [sflag:$0x2] =	stream.indirect.gather [hbm4b:s4+s17], $0x80, s8, s17, $0xb8;
	[tilespmem:$0x1D000] =	vst v63  }
0x1b5: {  	_ =	swait.ge [sflag:s20], $0x4000  }
0x1b6: {  	[sflag:s20] =	ssyncset.done $0x0  }
0x1b7: {  	s8 =	simm.s32 $0xF00;
	[sflag:s20] =	ssyncadd.s32 $0xFFFFC000  }
0x1b8: {  	[spmem:s2] =	stream.indirect.scatter.add.f32 [tilespmem:s18], [sflag:$0x3], $0x80, s8, s17, $0xb8;
	[tilespmem:$0x1D000] =	vst v63  }
0x1b9: {  	_ =	swait.ge [sflag:s15], $0x4000  }
0x1ba: {  	[sflag:s15] =	ssyncset.done $0x0  }
0x1bb: {  	[sflag:s15] =	ssyncadd.s32 $0xFFFFC000  }
0x1bc: {  	_ =	swait.ge [sflag:s22], $0x4000  }
.Ltmp3:
0x1bd: {  	[sflag:s22] =	ssyncset.done $0x0;
	(pc) =	sbr.rel @!p1 .LBB2_3-.Ltmp3, $4  }
0x1be: {  	s8 =	simm.s32 $0xF80;
	[sflag:s22] =	ssyncadd.s32 $0xFFFFC000  }
0x1bf: {  	[spmem:s2] =	stream.indirect.scatter.add.f32 [tilespmem:s19], [sflag:$0x3], $0x80, s8, s17, $0xb8;
	[tilespmem:$0x1D000] =	vst v63  }
0x1c0: {  	_ =	swait.ge [sflag:s15], $0x4000  }
0x1c1: {  	s8 =	smov.u32 s6;
	[sflag:s15] =	ssyncset.done $0x0  }
0x1c2: {  	s6 =	sadd.s32 s7, s13;
	[sflag:s15] =	ssyncadd.s32 $0xFFFFC000  }
0x1c3: {  	[tilespmem:s3], [sflag:$0x3] =	stream.linear.gather [hbm4b:s6+s3], $0x800, $0x38;
	[tilespmem:$0x1D000] =	vst v63  }
0x1c4: {  	_ =	swait.ge [sflag:s15], $0x800  }
0x1c5: {  	[sflag:s15] =	ssyncset.done $0x0  }
0x1c6: {  	s8 =	sadd.s32 s7, s12;
	[sflag:s15] =	ssyncadd.s32 $0xFFFFF800  }
0x1c7: {  	[tilespmem:s16], [sflag:$0x3] =	stream.linear.gather [hbm4b:s8+s3], $0x800, $0x38;
	[tilespmem:$0x1D000] =	vst v63  }
0x1c8: {  	_ =	swait.ge [sflag:s15], $0x800  }
0x1c9: {  	[sflag:s15] =	ssyncset.done $0x0  }
0x1ca: {  	[sflag:s15] =	ssyncadd.s32 $0xFFFFF800  }
0x1cb: {  	[tilespmem:s18], [sflag:$0x1] =	stream.indirect.gather [hbm4b:s4+s17], $0x80, s3, s17, $0xb8;
	[tilespmem:$0x1D000] =	vst v63  }
0x1cc: {  	_ = 	snop  }
0x1cd: {  	[tilespmem:s19], [sflag:$0x2] =	stream.indirect.gather [hbm4b:s4+s17], $0x80, s17, s17, $0xb8;
	[tilespmem:$0x1D000] =	vst v63  }
0x1ce: {  	_ =	swait.ge [sflag:s20], $0x4000  }
0x1cf: {  	[sflag:s20] =	ssyncset.done $0x0  }
0x1d0: {  	[sflag:s20] =	ssyncadd.s32 $0xFFFFC000  }
0x1d1: {  	[spmem:s2] =	stream.indirect.scatter.add.f32 [tilespmem:s18], [sflag:$0x3], $0x80, s16, s17, $0xb8;
	[tilespmem:$0x1D000] =	vst v63  }
0x1d2: {  	_ =	swait.ge [sflag:s15], $0x4000  }
0x1d3: {  	[sflag:s15] =	ssyncset.done $0x0  }
0x1d4: {  	[sflag:s15] =	ssyncadd.s32 $0xFFFFC000  }
0x1d5: {  	[tilespmem:s18], [sflag:$0x1] =	stream.indirect.gather [hbm4b:s4+s17], $0x80, s10, s17, $0xb8;
	[tilespmem:$0x1D000] =	vst v63  }
0x1d6: {  	_ =	swait.ge [sflag:s22], $0x4000  }
0x1d7: {  	[sflag:s22] =	ssyncset.done $0x0  }
0x1d8: {  	[sflag:s22] =	ssyncadd.s32 $0xFFFFC000  }
0x1d9: {  	[spmem:s2] =	stream.indirect.scatter.add.f32 [tilespmem:s19], [sflag:$0x3], $0x80, s11, s17, $0xb8;
	[tilespmem:$0x1D000] =	vst v63  }
0x1da: {  	_ =	swait.ge [sflag:s15], $0x4000  }
0x1db: {  	[sflag:s15] =	ssyncset.done $0x0  }
0x1dc: {  	[sflag:s15] =	ssyncadd.s32 $0xFFFFC000  }
0x1dd: {  	[tilespmem:s19], [sflag:$0x2] =	stream.indirect.gather [hbm4b:s4+s17], $0x80, s9, s17, $0xb8;
	[tilespmem:$0x1D000] =	vst v63  }
0x1de: {  	_ =	swait.ge [sflag:s20], $0x4000  }
0x1df: {  	[sflag:s20] =	ssyncset.done $0x0  }
0x1e0: {  	[sflag:s20] =	ssyncadd.s32 $0xFFFFC000  }
0x1e1: {  	[spmem:s2] =	stream.indirect.scatter.add.f32 [tilespmem:s18], [sflag:$0x3], $0x80, s14, s17, $0xb8;
	[tilespmem:$0x1D000] =	vst v63  }
0x1e2: {  	_ =	swait.ge [sflag:s15], $0x4000  }
0x1e3: {  	[sflag:s15] =	ssyncset.done $0x0  }
0x1e4: {  	[sflag:s15] =	ssyncadd.s32 $0xFFFFC000  }
0x1e5: {  	[tilespmem:s18], [sflag:$0x1] =	stream.indirect.gather [hbm4b:s4+s17], $0x80, s21, s17, $0xb8;
	[tilespmem:$0x1D000] =	vst v63  }
0x1e6: {  	_ =	swait.ge [sflag:s22], $0x4000  }
0x1e7: {  	[sflag:s22] =	ssyncset.done $0x0  }
0x1e8: {  	[sflag:s22] =	ssyncadd.s32 $0xFFFFC000  }
0x1e9: {  	[spmem:s2] =	stream.indirect.scatter.add.f32 [tilespmem:s19], [sflag:$0x3], $0x80, s23, s17, $0xb8;
	[tilespmem:$0x1D000] =	vst v63  }
0x1ea: {  	_ =	swait.ge [sflag:s15], $0x4000  }
0x1eb: {  	[sflag:s15] =	ssyncset.done $0x0  }
0x1ec: {  	[sflag:s15] =	ssyncadd.s32 $0xFFFFC000  }
0x1ed: {  	[tilespmem:s19], [sflag:$0x2] =	stream.indirect.gather [hbm4b:s4+s17], $0x80, s24, s17, $0xb8;
	[tilespmem:$0x1D000] =	vst v63  }
0x1ee: {  	_ =	swait.ge [sflag:s20], $0x4000  }
0x1ef: {  	[sflag:s20] =	ssyncset.done $0x0  }
0x1f0: {  	[sflag:s20] =	ssyncadd.s32 $0xFFFFC000  }
0x1f1: {  	[spmem:s2] =	stream.indirect.scatter.add.f32 [tilespmem:s18], [sflag:$0x3], $0x80, s25, s17, $0xb8;
	[tilespmem:$0x1D000] =	vst v63  }
0x1f2: {  	_ =	swait.ge [sflag:s15], $0x4000  }
0x1f3: {  	[sflag:s15] =	ssyncset.done $0x0  }
0x1f4: {  	[sflag:s15] =	ssyncadd.s32 $0xFFFFC000  }
0x1f5: {  	[tilespmem:s18], [sflag:$0x1] =	stream.indirect.gather [hbm4b:s4+s17], $0x80, s26, s17, $0xb8;
	[tilespmem:$0x1D000] =	vst v63  }
0x1f6: {  	_ =	swait.ge [sflag:s22], $0x4000  }
0x1f7: {  	[sflag:s22] =	ssyncset.done $0x0  }
0x1f8: {  	[sflag:s22] =	ssyncadd.s32 $0xFFFFC000  }
0x1f9: {  	[spmem:s2] =	stream.indirect.scatter.add.f32 [tilespmem:s19], [sflag:$0x3], $0x80, s28, s17, $0xb8;
	[tilespmem:$0x1D000] =	vst v63  }
0x1fa: {  	_ =	swait.ge [sflag:s15], $0x4000  }
0x1fb: {  	[sflag:s15] =	ssyncset.done $0x0  }
0x1fc: {  	[sflag:s15] =	ssyncadd.s32 $0xFFFFC000  }
0x1fd: {  	[tilespmem:s19], [sflag:$0x2] =	stream.indirect.gather [hbm4b:s4+s17], $0x80, s29, s17, $0xb8;
	[tilespmem:$0x1D000] =	vst v63  }
0x1fe: {  	_ =	swait.ge [sflag:s20], $0x4000  }
0x1ff: {  	[sflag:s20] =	ssyncset.done $0x0  }
0x200: {  	[sflag:s20] =	ssyncadd.s32 $0xFFFFC000  }
0x201: {  	[spmem:s2] =	stream.indirect.scatter.add.f32 [tilespmem:s18], [sflag:$0x3], $0x80, s30, s17, $0xb8;
	[tilespmem:$0x1D000] =	vst v63  }
0x202: {  	_ =	swait.ge [sflag:s15], $0x4000  }
0x203: {  	[sflag:s15] =	ssyncset.done $0x0  }
0x204: {  	[sflag:s15] =	ssyncadd.s32 $0xFFFFC000  }
0x205: {  	[tilespmem:s18], [sflag:$0x1] =	stream.indirect.gather [hbm4b:s4+s17], $0x80, s31, s17, $0xb8;
	[tilespmem:$0x1D000] =	vst v63  }
0x206: {  	_ =	swait.ge [sflag:s22], $0x4000  }
0x207: {  	[sflag:s22] =	ssyncset.done $0x0  }
0x208: {  	[sflag:s22] =	ssyncadd.s32 $0xFFFFC000  }
0x209: {  	[spmem:s2] =	stream.indirect.scatter.add.f32 [tilespmem:s19], [sflag:$0x3], $0x80, s0, s17, $0xb8;
	[tilespmem:$0x1D000] =	vst v63  }
0x20a: {  	_ =	swait.ge [sflag:s15], $0x4000  }
0x20b: {  	[sflag:s15] =	ssyncset.done $0x0  }
0x20c: {  	[sflag:s15] =	ssyncadd.s32 $0xFFFFC000  }
0x20d: {  	[tilespmem:s19], [sflag:$0x2] =	stream.indirect.gather [hbm4b:s4+s17], $0x80, s1, s17, $0xb8;
	[tilespmem:$0x1D000] =	vst v63  }
0x20e: {  	_ =	swait.ge [sflag:s20], $0x4000  }
0x20f: {  	[sflag:s20] =	ssyncset.done $0x0  }
0x210: {  	s6 =	simm.s32 $0xC00;
	[sflag:s20] =	ssyncadd.s32 $0xFFFFC000  }
0x211: {  	[spmem:s2] =	stream.indirect.scatter.add.f32 [tilespmem:s18], [sflag:$0x3], $0x80, s6, s17, $0xb8;
	[tilespmem:$0x1D000] =	vst v63  }
0x212: {  	_ =	swait.ge [sflag:s15], $0x4000  }
0x213: {  	[sflag:s15] =	ssyncset.done $0x0  }
0x214: {  	s7 =	simm.s32 $0x500;
	[sflag:s15] =	ssyncadd.s32 $0xFFFFC000  }
0x215: {  	[tilespmem:s18], [sflag:$0x1] =	stream.indirect.gather [hbm4b:s4+s17], $0x80, s7, s17, $0xb8;
	[tilespmem:$0x1D000] =	vst v63  }
0x216: {  	_ =	swait.ge [sflag:s22], $0x4000  }
0x217: {  	[sflag:s22] =	ssyncset.done $0x0  }
0x218: {  	s8 =	simm.s32 $0xC80;
	[sflag:s22] =	ssyncadd.s32 $0xFFFFC000  }
0x219: {  	[spmem:s2] =	stream.indirect.scatter.add.f32 [tilespmem:s19], [sflag:$0x3], $0x80, s8, s17, $0xb8;
	[tilespmem:$0x1D000] =	vst v63  }
0x21a: {  	_ =	swait.ge [sflag:s15], $0x4000  }
0x21b: {  	[sflag:s15] =	ssyncset.done $0x0  }
0x21c: {  	s9 =	simm.s32 $0x580;
	[sflag:s15] =	ssyncadd.s32 $0xFFFFC000  }
0x21d: {  	[tilespmem:s19], [sflag:$0x2] =	stream.indirect.gather [hbm4b:s4+s17], $0x80, s9, s17, $0xb8;
	[tilespmem:$0x1D000] =	vst v63  }
0x21e: {  	_ =	swait.ge [sflag:s20], $0x4000  }
0x21f: {  	[sflag:s20] =	ssyncset.done $0x0  }
0x220: {  	s14 =	simm.s32 $0xD00;
	[sflag:s20] =	ssyncadd.s32 $0xFFFFC000  }
0x221: {  	[spmem:s2] =	stream.indirect.scatter.add.f32 [tilespmem:s18], [sflag:$0x3], $0x80, s14, s17, $0xb8;
	[tilespmem:$0x1D000] =	vst v63  }
0x222: {  	_ =	swait.ge [sflag:s15], $0x4000  }
0x223: {  	[sflag:s15] =	ssyncset.done $0x0  }
0x224: {  	s21 =	simm.s32 $0x600;
	[sflag:s15] =	ssyncadd.s32 $0xFFFFC000  }
0x225: {  	[tilespmem:s18], [sflag:$0x1] =	stream.indirect.gather [hbm4b:s4+s17], $0x80, s21, s17, $0xb8;
	[tilespmem:$0x1D000] =	vst v63  }
0x226: {  	_ =	swait.ge [sflag:s22], $0x4000  }
0x227: {  	[sflag:s22] =	ssyncset.done $0x0  }
0x228: {  	s23 =	simm.s32 $0xD80;
	[sflag:s22] =	ssyncadd.s32 $0xFFFFC000  }
0x229: {  	[spmem:s2] =	stream.indirect.scatter.add.f32 [tilespmem:s19], [sflag:$0x3], $0x80, s23, s17, $0xb8;
	[tilespmem:$0x1D000] =	vst v63  }
0x22a: {  	_ =	swait.ge [sflag:s15], $0x4000  }
0x22b: {  	[sflag:s15] =	ssyncset.done $0x0  }
0x22c: {  	s24 =	simm.s32 $0x680;
	[sflag:s15] =	ssyncadd.s32 $0xFFFFC000  }
0x22d: {  	[tilespmem:s19], [sflag:$0x2] =	stream.indirect.gather [hbm4b:s4+s17], $0x80, s24, s17, $0xb8;
	[tilespmem:$0x1D000] =	vst v63  }
0x22e: {  	_ =	swait.ge [sflag:s20], $0x4000  }
0x22f: {  	[sflag:s20] =	ssyncset.done $0x0  }
0x230: {  	s25 =	simm.s32 $0xE00;
	[sflag:s20] =	ssyncadd.s32 $0xFFFFC000  }
0x231: {  	[spmem:s2] =	stream.indirect.scatter.add.f32 [tilespmem:s18], [sflag:$0x3], $0x80, s25, s17, $0xb8;
	[tilespmem:$0x1D000] =	vst v63  }
0x232: {  	_ =	swait.ge [sflag:s15], $0x4000  }
0x233: {  	[sflag:s15] =	ssyncset.done $0x0  }
0x234: {  	s26 =	simm.s32 $0x700;
	[sflag:s15] =	ssyncadd.s32 $0xFFFFC000  }
0x235: {  	[tilespmem:s18], [sflag:$0x1] =	stream.indirect.gather [hbm4b:s4+s17], $0x80, s26, s17, $0xb8;
	[tilespmem:$0x1D000] =	vst v63  }
0x236: {  	_ =	swait.ge [sflag:s22], $0x4000  }
0x237: {  	[sflag:s22] =	ssyncset.done $0x0  }
0x238: {  	s28 =	simm.s32 $0xE80;
	[sflag:s22] =	ssyncadd.s32 $0xFFFFC000  }
0x239: {  	[spmem:s2] =	stream.indirect.scatter.add.f32 [tilespmem:s19], [sflag:$0x3], $0x80, s28, s17, $0xb8;
	[tilespmem:$0x1D000] =	vst v63  }
0x23a: {  	_ =	swait.ge [sflag:s15], $0x4000  }
0x23b: {  	[sflag:s15] =	ssyncset.done $0x0  }
0x23c: {  	s29 =	simm.s32 $0x780;
	[sflag:s15] =	ssyncadd.s32 $0xFFFFC000  }
0x23d: {  	[tilespmem:s19], [sflag:$0x2] =	stream.indirect.gather [hbm4b:s4+s17], $0x80, s29, s17, $0xb8;
	[tilespmem:$0x1D000] =	vst v63  }
0x23e: {  	_ =	swait.ge [sflag:s20], $0x4000  }
0x23f: {  	[sflag:s20] =	ssyncset.done $0x0  }
0x240: {  	s30 =	simm.s32 $0xF00;
	[sflag:s20] =	ssyncadd.s32 $0xFFFFC000  }
0x241: {  	[spmem:s2] =	stream.indirect.scatter.add.f32 [tilespmem:s18], [sflag:$0x3], $0x80, s30, s17, $0xb8;
	[tilespmem:$0x1D000] =	vst v63  }
0x242: {  	_ =	swait.ge [sflag:s15], $0x4000  }
0x243: {  	[sflag:s15] =	ssyncset.done $0x0  }
0x244: {  	[sflag:s15] =	ssyncadd.s32 $0xFFFFC000  }
0x245: {  	_ =	swait.ge [sflag:s22], $0x4000  }
0x246: {  	[sflag:s22] =	ssyncset.done $0x0  }
.Ltmp4:
0x247: {  	s31 =	simm.s32 $0xF80;
	[sflag:s22] =	ssyncadd.s32 $0xFFFFC000;
	(pc) =	sbr.rel .LBB2_8-.Ltmp4, $4  }
0x248: {  	[spmem:s2] =	stream.indirect.scatter.add.f32 [tilespmem:s19], [sflag:$0x3], $0x80, s31, s17, $0xb8;
	[tilespmem:$0x1D000] =	vst v63  }
0x249: {  	_ =	swait.ge [sflag:s15], $0x4000  }
0x24a: {  	[sflag:s15] =	ssyncset.done $0x0;
	s6 =	rddreg [dreg:$0x4]  }
0x24b: {  	s0 =	rddreg [dreg:$0xa];
	[sflag:s15] =	ssyncadd.s32 $0xFFFFC000  }
.LBB2_5:
0x24c: {  	[tilespmem:s3], [sflag:$0x3] =	stream.linear.gather [hbm4b:s6+s3], $0x800, $0x38;
	[tilespmem:$0x1D000] =	vst v63  }
0x24d: {  	_ =	swait.ge [sflag:s15], $0x800  }
0x24e: {  	[sflag:s15] =	ssyncset.done $0x0  }
0x24f: {  	s9 =	sadd.s32 $0x0, s12;
	[sflag:s15] =	ssyncadd.s32 $0xFFFFF800  }
0x250: {  	[tilespmem:s16], [sflag:$0x3] =	stream.linear.gather [hbm4b:s9+s3], $0x800, $0x38;
	[tilespmem:$0x1D000] =	vst v63  }
0x251: {  	_ =	swait.ge [sflag:s15], $0x800  }
0x252: {  	[sflag:s15] =	ssyncset.done $0x0  }
0x253: {  	[sflag:s15] =	ssyncadd.s32 $0xFFFFF800  }
0x254: {  	[tilespmem:s18], [sflag:$0x1] =	stream.indirect.gather [hbm4b:s5+s17], $0x80, s3, s17, $0xb8;
	[tilespmem:$0x1D000] =	vst v63  }
0x255: {  	_ = 	snop  }
0x256: {  	[tilespmem:s19], [sflag:$0x2] =	stream.indirect.gather [hbm4b:s5+s17], $0x80, s17, s17, $0xb8;
	[tilespmem:$0x1D000] =	vst v63  }
0x257: {  	_ =	swait.ge [sflag:s20], $0x4000  }
0x258: {  	[sflag:s20] =	ssyncset.done $0x0  }
0x259: {  	[sflag:s20] =	ssyncadd.s32 $0xFFFFC000  }
0x25a: {  	[spmem:s2] =	stream.indirect.scatter.add.f32 [tilespmem:s18], [sflag:$0x3], $0x80, s16, s17, $0xb8;
	[tilespmem:$0x1D000] =	vst v63  }
0x25b: {  	_ =	swait.ge [sflag:s15], $0x4000  }
0x25c: {  	[sflag:s15] =	ssyncset.done $0x0  }
0x25d: {  	[sflag:s15] =	ssyncadd.s32 $0xFFFFC000  }
0x25e: {  	[tilespmem:s18], [sflag:$0x1] =	stream.indirect.gather [hbm4b:s5+s17], $0x80, s10, s17, $0xb8;
	[tilespmem:$0x1D000] =	vst v63  }
0x25f: {  	_ =	swait.ge [sflag:s22], $0x4000  }
0x260: {  	[sflag:s22] =	ssyncset.done $0x0  }
0x261: {  	[sflag:s22] =	ssyncadd.s32 $0xFFFFC000  }
0x262: {  	[spmem:s2] =	stream.indirect.scatter.add.f32 [tilespmem:s19], [sflag:$0x3], $0x80, s11, s17, $0xb8;
	[tilespmem:$0x1D000] =	vst v63  }
0x263: {  	_ =	swait.ge [sflag:s15], $0x4000  }
0x264: {  	[sflag:s15] =	ssyncset.done $0x0  }
0x265: {  	s9 =	simm.s32 $0x180;
	[sflag:s15] =	ssyncadd.s32 $0xFFFFC000  }
0x266: {  	[tilespmem:s19], [sflag:$0x2] =	stream.indirect.gather [hbm4b:s5+s17], $0x80, s9, s17, $0xb8;
	[tilespmem:$0x1D000] =	vst v63  }
0x267: {  	_ =	swait.ge [sflag:s20], $0x4000  }
0x268: {  	[sflag:s20] =	ssyncset.done $0x0  }
0x269: {  	s14 =	simm.s32 $0x900;
	[sflag:s20] =	ssyncadd.s32 $0xFFFFC000  }
0x26a: {  	[spmem:s2] =	stream.indirect.scatter.add.f32 [tilespmem:s18], [sflag:$0x3], $0x80, s14, s17, $0xb8;
	[tilespmem:$0x1D000] =	vst v63  }
0x26b: {  	_ =	swait.ge [sflag:s15], $0x4000  }
0x26c: {  	[sflag:s15] =	ssyncset.done $0x0  }
0x26d: {  	s21 =	simm.s32 $0x200;
	[sflag:s15] =	ssyncadd.s32 $0xFFFFC000  }
0x26e: {  	[tilespmem:s18], [sflag:$0x1] =	stream.indirect.gather [hbm4b:s5+s17], $0x80, s21, s17, $0xb8;
	[tilespmem:$0x1D000] =	vst v63  }
0x26f: {  	_ =	swait.ge [sflag:s22], $0x4000  }
0x270: {  	[sflag:s22] =	ssyncset.done $0x0  }
0x271: {  	s23 =	simm.s32 $0x980;
	[sflag:s22] =	ssyncadd.s32 $0xFFFFC000  }
0x272: {  	[spmem:s2] =	stream.indirect.scatter.add.f32 [tilespmem:s19], [sflag:$0x3], $0x80, s23, s17, $0xb8;
	[tilespmem:$0x1D000] =	vst v63  }
0x273: {  	_ =	swait.ge [sflag:s15], $0x4000  }
0x274: {  	[sflag:s15] =	ssyncset.done $0x0  }
0x275: {  	s24 =	simm.s32 $0x280;
	[sflag:s15] =	ssyncadd.s32 $0xFFFFC000  }
0x276: {  	[tilespmem:s19], [sflag:$0x2] =	stream.indirect.gather [hbm4b:s5+s17], $0x80, s24, s17, $0xb8;
	[tilespmem:$0x1D000] =	vst v63  }
0x277: {  	_ =	swait.ge [sflag:s20], $0x4000  }
0x278: {  	[sflag:s20] =	ssyncset.done $0x0  }
0x279: {  	s25 =	simm.s32 $0xA00;
	[sflag:s20] =	ssyncadd.s32 $0xFFFFC000  }
0x27a: {  	[spmem:s2] =	stream.indirect.scatter.add.f32 [tilespmem:s18], [sflag:$0x3], $0x80, s25, s17, $0xb8;
	[tilespmem:$0x1D000] =	vst v63  }
0x27b: {  	_ =	swait.ge [sflag:s15], $0x4000  }
0x27c: {  	[sflag:s15] =	ssyncset.done $0x0  }
0x27d: {  	s26 =	simm.s32 $0x300;
	[sflag:s15] =	ssyncadd.s32 $0xFFFFC000  }
0x27e: {  	[tilespmem:s18], [sflag:$0x1] =	stream.indirect.gather [hbm4b:s5+s17], $0x80, s26, s17, $0xb8;
	[tilespmem:$0x1D000] =	vst v63  }
0x27f: {  	_ =	swait.ge [sflag:s22], $0x4000  }
0x280: {  	[sflag:s22] =	ssyncset.done $0x0  }
0x281: {  	s28 =	simm.s32 $0xA80;
	[sflag:s22] =	ssyncadd.s32 $0xFFFFC000  }
0x282: {  	[spmem:s2] =	stream.indirect.scatter.add.f32 [tilespmem:s19], [sflag:$0x3], $0x80, s28, s17, $0xb8;
	[tilespmem:$0x1D000] =	vst v63  }
0x283: {  	_ =	swait.ge [sflag:s15], $0x4000  }
0x284: {  	[sflag:s15] =	ssyncset.done $0x0  }
0x285: {  	s29 =	simm.s32 $0x380;
	[sflag:s15] =	ssyncadd.s32 $0xFFFFC000  }
0x286: {  	[tilespmem:s19], [sflag:$0x2] =	stream.indirect.gather [hbm4b:s5+s17], $0x80, s29, s17, $0xb8;
	[tilespmem:$0x1D000] =	vst v63  }
0x287: {  	_ =	swait.ge [sflag:s20], $0x4000  }
0x288: {  	[sflag:s20] =	ssyncset.done $0x0  }
0x289: {  	s30 =	simm.s32 $0xB00;
	[sflag:s20] =	ssyncadd.s32 $0xFFFFC000  }
0x28a: {  	[spmem:s2] =	stream.indirect.scatter.add.f32 [tilespmem:s18], [sflag:$0x3], $0x80, s30, s17, $0xb8;
	[tilespmem:$0x1D000] =	vst v63  }
0x28b: {  	_ =	swait.ge [sflag:s15], $0x4000  }
0x28c: {  	[sflag:s15] =	ssyncset.done $0x0  }
0x28d: {  	s31 =	simm.s32 $0x400;
	[sflag:s15] =	ssyncadd.s32 $0xFFFFC000  }
0x28e: {  	[tilespmem:s18], [sflag:$0x1] =	stream.indirect.gather [hbm4b:s5+s17], $0x80, s31, s17, $0xb8;
	[tilespmem:$0x1D000] =	vst v63  }
0x28f: {  	_ =	swait.ge [sflag:s22], $0x4000  }
0x290: {  	[sflag:s22] =	ssyncset.done $0x0  }
0x291: {  	s0 =	simm.s32 $0xB80;
	[sflag:s22] =	ssyncadd.s32 $0xFFFFC000  }
0x292: {  	[spmem:s2] =	stream.indirect.scatter.add.f32 [tilespmem:s19], [sflag:$0x3], $0x80, s0, s17, $0xb8;
	[tilespmem:$0x1D000] =	vst v63  }
0x293: {  	_ =	swait.ge [sflag:s15], $0x4000  }
0x294: {  	[sflag:s15] =	ssyncset.done $0x0  }
0x295: {  	s1 =	simm.s32 $0x480;
	[sflag:s15] =	ssyncadd.s32 $0xFFFFC000  }
0x296: {  	[tilespmem:s19], [sflag:$0x2] =	stream.indirect.gather [hbm4b:s5+s17], $0x80, s1, s17, $0xb8;
	[tilespmem:$0x1D000] =	vst v63  }
0x297: {  	_ =	swait.ge [sflag:s20], $0x4000  }
0x298: {  	[sflag:s20] =	ssyncset.done $0x0  }
0x299: {  	s10 =	simm.s32 $0xC00;
	[sflag:s20] =	ssyncadd.s32 $0xFFFFC000  }
0x29a: {  	[spmem:s2] =	stream.indirect.scatter.add.f32 [tilespmem:s18], [sflag:$0x3], $0x80, s10, s17, $0xb8;
	[tilespmem:$0x1D000] =	vst v63  }
0x29b: {  	_ =	swait.ge [sflag:s15], $0x4000  }
0x29c: {  	[sflag:s15] =	ssyncset.done $0x0  }
0x29d: {  	s11 =	simm.s32 $0x500;
	[sflag:s15] =	ssyncadd.s32 $0xFFFFC000  }
0x29e: {  	[tilespmem:s18], [sflag:$0x1] =	stream.indirect.gather [hbm4b:s5+s17], $0x80, s11, s17, $0xb8;
	[tilespmem:$0x1D000] =	vst v63  }
0x29f: {  	_ =	swait.ge [sflag:s22], $0x4000  }
0x2a0: {  	[sflag:s22] =	ssyncset.done $0x0  }
0x2a1: {  	s7 =	simm.s32 $0xC80;
	[sflag:s22] =	ssyncadd.s32 $0xFFFFC000  }
0x2a2: {  	[spmem:s2] =	stream.indirect.scatter.add.f32 [tilespmem:s19], [sflag:$0x3], $0x80, s7, s17, $0xb8;
	[tilespmem:$0x1D000] =	vst v63  }
0x2a3: {  	_ =	swait.ge [sflag:s15], $0x4000  }
0x2a4: {  	[sflag:s15] =	ssyncset.done $0x0  }
0x2a5: {  	s8 =	simm.s32 $0x580;
	[sflag:s15] =	ssyncadd.s32 $0xFFFFC000  }
0x2a6: {  	[tilespmem:s19], [sflag:$0x2] =	stream.indirect.gather [hbm4b:s5+s17], $0x80, s8, s17, $0xb8;
	[tilespmem:$0x1D000] =	vst v63  }
0x2a7: {  	_ =	swait.ge [sflag:s20], $0x4000  }
0x2a8: {  	[sflag:s20] =	ssyncset.done $0x0  }
0x2a9: {  	s10 =	simm.s32 $0xD00;
	[sflag:s20] =	ssyncadd.s32 $0xFFFFC000  }
0x2aa: {  	[spmem:s2] =	stream.indirect.scatter.add.f32 [tilespmem:s18], [sflag:$0x3], $0x80, s10, s17, $0xb8;
	[tilespmem:$0x1D000] =	vst v63  }
0x2ab: {  	_ =	swait.ge [sflag:s15], $0x4000  }
0x2ac: {  	[sflag:s15] =	ssyncset.done $0x0  }
0x2ad: {  	s11 =	simm.s32 $0x600;
	[sflag:s15] =	ssyncadd.s32 $0xFFFFC000  }
0x2ae: {  	[tilespmem:s18], [sflag:$0x1] =	stream.indirect.gather [hbm4b:s5+s17], $0x80, s11, s17, $0xb8;
	[tilespmem:$0x1D000] =	vst v63  }
0x2af: {  	_ =	swait.ge [sflag:s22], $0x4000  }
0x2b0: {  	[sflag:s22] =	ssyncset.done $0x0  }
0x2b1: {  	s7 =	simm.s32 $0xD80;
	[sflag:s22] =	ssyncadd.s32 $0xFFFFC000  }
0x2b2: {  	[spmem:s2] =	stream.indirect.scatter.add.f32 [tilespmem:s19], [sflag:$0x3], $0x80, s7, s17, $0xb8;
	[tilespmem:$0x1D000] =	vst v63  }
0x2b3: {  	_ =	swait.ge [sflag:s15], $0x4000  }
0x2b4: {  	[sflag:s15] =	ssyncset.done $0x0  }
0x2b5: {  	s8 =	simm.s32 $0x680;
	[sflag:s15] =	ssyncadd.s32 $0xFFFFC000  }
0x2b6: {  	[tilespmem:s19], [sflag:$0x2] =	stream.indirect.gather [hbm4b:s5+s17], $0x80, s8, s17, $0xb8;
	[tilespmem:$0x1D000] =	vst v63  }
0x2b7: {  	_ =	swait.ge [sflag:s20], $0x4000  }
0x2b8: {  	[sflag:s20] =	ssyncset.done $0x0  }
0x2b9: {  	s10 =	simm.s32 $0xE00;
	[sflag:s20] =	ssyncadd.s32 $0xFFFFC000  }
0x2ba: {  	[spmem:s2] =	stream.indirect.scatter.add.f32 [tilespmem:s18], [sflag:$0x3], $0x80, s10, s17, $0xb8;
	[tilespmem:$0x1D000] =	vst v63  }
0x2bb: {  	_ =	swait.ge [sflag:s15], $0x4000  }
0x2bc: {  	[sflag:s15] =	ssyncset.done $0x0  }
0x2bd: {  	s11 =	simm.s32 $0x700;
	[sflag:s15] =	ssyncadd.s32 $0xFFFFC000  }
0x2be: {  	[tilespmem:s18], [sflag:$0x1] =	stream.indirect.gather [hbm4b:s5+s17], $0x80, s11, s17, $0xb8;
	[tilespmem:$0x1D000] =	vst v63  }
0x2bf: {  	_ =	swait.ge [sflag:s22], $0x4000  }
0x2c0: {  	[sflag:s22] =	ssyncset.done $0x0  }
0x2c1: {  	s7 =	simm.s32 $0xE80;
	[sflag:s22] =	ssyncadd.s32 $0xFFFFC000  }
0x2c2: {  	[spmem:s2] =	stream.indirect.scatter.add.f32 [tilespmem:s19], [sflag:$0x3], $0x80, s7, s17, $0xb8;
	[tilespmem:$0x1D000] =	vst v63  }
0x2c3: {  	_ =	swait.ge [sflag:s15], $0x4000  }
0x2c4: {  	[sflag:s15] =	ssyncset.done $0x0  }
0x2c5: {  	s8 =	simm.s32 $0x780;
	[sflag:s15] =	ssyncadd.s32 $0xFFFFC000  }
0x2c6: {  	[tilespmem:s19], [sflag:$0x2] =	stream.indirect.gather [hbm4b:s5+s17], $0x80, s8, s17, $0xb8;
	[tilespmem:$0x1D000] =	vst v63  }
0x2c7: {  	_ =	swait.ge [sflag:s20], $0x4000  }
0x2c8: {  	[sflag:s20] =	ssyncset.done $0x0  }
0x2c9: {  	s10 =	simm.s32 $0xF00;
	[sflag:s20] =	ssyncadd.s32 $0xFFFFC000  }
0x2ca: {  	[spmem:s2] =	stream.indirect.scatter.add.f32 [tilespmem:s18], [sflag:$0x3], $0x80, s10, s17, $0xb8;
	[tilespmem:$0x1D000] =	vst v63  }
0x2cb: {  	_ =	swait.ge [sflag:s15], $0x4000  }
0x2cc: {  	[sflag:s15] =	ssyncset.done $0x0  }
0x2cd: {  	[sflag:s15] =	ssyncadd.s32 $0xFFFFC000  }
0x2ce: {  	_ =	swait.ge [sflag:s22], $0x4000  }
0x2cf: {  	[sflag:s22] =	ssyncset.done $0x0  }
0x2d0: {  	s11 =	simm.s32 $0xF80;
	[sflag:s22] =	ssyncadd.s32 $0xFFFFC000  }
0x2d1: {  	[spmem:s2] =	stream.indirect.scatter.add.f32 [tilespmem:s19], [sflag:$0x3], $0x80, s11, s17, $0xb8;
	[tilespmem:$0x1D000] =	vst v63  }
0x2d2: {  	_ =	swait.ge [sflag:s15], $0x4000  }
0x2d3: {  	s6 =	simm.s32 $0x200;
	s7 =	simm.s32 $0x100;
	[sflag:s15] =	ssyncset.done $0x0  }
.LBB2_6:
0x2d4: {  	s10 =	sadd.s32 s7, s13  }
0x2d5: {  	[sflag:s15] =	ssyncadd.s32 $0xFFFFC000;
	s11 =	smov.u32 s6;
	s8 =	sadd.s32 $0x100, s6  }
0x2d6: {  	[tilespmem:s3], [sflag:$0x3] =	stream.linear.gather [hbm4b:s10+s3], $0x800, $0x38;
	[tilespmem:$0x1D000] =	vst v63  }
0x2d7: {  	s10 =	simm.s32 $0x100  }
0x2d8: {  	p1 =	sne.s32 s6, $0x900;
	_ =	swait.ge [sflag:s15], $0x800  }
0x2d9: {  	s6 =	sadd.s32 s7, s12;
	[sflag:s15] =	ssyncset.done $0x0  }
0x2da: {  	s7 =	smov.u32 s11;
	s11 =	simm.s32 $0x880;
	[sflag:s15] =	ssyncadd.s32 $0xFFFFF800  }
0x2db: {  	[tilespmem:s16], [sflag:$0x3] =	stream.linear.gather [hbm4b:s6+s3], $0x800, $0x38;
	[tilespmem:$0x1D000] =	vst v63  }
0x2dc: {  	_ =	swait.ge [sflag:s15], $0x800  }
0x2dd: {  	[sflag:s15] =	ssyncset.done $0x0  }
0x2de: {  	[sflag:s15] =	ssyncadd.s32 $0xFFFFF800  }
0x2df: {  	[tilespmem:s18], [sflag:$0x1] =	stream.indirect.gather [hbm4b:s5+s17], $0x80, s3, s17, $0xb8;
	[tilespmem:$0x1D000] =	vst v63  }
0x2e0: {  	_ = 	snop  }
0x2e1: {  	[tilespmem:s19], [sflag:$0x2] =	stream.indirect.gather [hbm4b:s5+s17], $0x80, s17, s17, $0xb8;
	[tilespmem:$0x1D000] =	vst v63  }
0x2e2: {  	_ =	swait.ge [sflag:s20], $0x4000  }
0x2e3: {  	[sflag:s20] =	ssyncset.done $0x0  }
0x2e4: {  	[sflag:s20] =	ssyncadd.s32 $0xFFFFC000  }
0x2e5: {  	[spmem:s2] =	stream.indirect.scatter.add.f32 [tilespmem:s18], [sflag:$0x3], $0x80, s16, s17, $0xb8;
	[tilespmem:$0x1D000] =	vst v63  }
0x2e6: {  	_ =	swait.ge [sflag:s15], $0x4000  }
0x2e7: {  	[sflag:s15] =	ssyncset.done $0x0  }
0x2e8: {  	[sflag:s15] =	ssyncadd.s32 $0xFFFFC000  }
0x2e9: {  	[tilespmem:s18], [sflag:$0x1] =	stream.indirect.gather [hbm4b:s5+s17], $0x80, s10, s17, $0xb8;
	[tilespmem:$0x1D000] =	vst v63  }
0x2ea: {  	_ =	swait.ge [sflag:s22], $0x4000  }
0x2eb: {  	[sflag:s22] =	ssyncset.done $0x0  }
0x2ec: {  	[sflag:s22] =	ssyncadd.s32 $0xFFFFC000  }
0x2ed: {  	[spmem:s2] =	stream.indirect.scatter.add.f32 [tilespmem:s19], [sflag:$0x3], $0x80, s11, s17, $0xb8;
	[tilespmem:$0x1D000] =	vst v63  }
0x2ee: {  	_ =	swait.ge [sflag:s15], $0x4000  }
0x2ef: {  	[sflag:s15] =	ssyncset.done $0x0  }
0x2f0: {  	[sflag:s15] =	ssyncadd.s32 $0xFFFFC000  }
0x2f1: {  	[tilespmem:s19], [sflag:$0x2] =	stream.indirect.gather [hbm4b:s5+s17], $0x80, s9, s17, $0xb8;
	[tilespmem:$0x1D000] =	vst v63  }
0x2f2: {  	_ =	swait.ge [sflag:s20], $0x4000  }
0x2f3: {  	[sflag:s20] =	ssyncset.done $0x0  }
0x2f4: {  	[sflag:s20] =	ssyncadd.s32 $0xFFFFC000  }
0x2f5: {  	[spmem:s2] =	stream.indirect.scatter.add.f32 [tilespmem:s18], [sflag:$0x3], $0x80, s14, s17, $0xb8;
	[tilespmem:$0x1D000] =	vst v63  }
0x2f6: {  	_ =	swait.ge [sflag:s15], $0x4000  }
0x2f7: {  	[sflag:s15] =	ssyncset.done $0x0  }
0x2f8: {  	[sflag:s15] =	ssyncadd.s32 $0xFFFFC000  }
0x2f9: {  	[tilespmem:s18], [sflag:$0x1] =	stream.indirect.gather [hbm4b:s5+s17], $0x80, s21, s17, $0xb8;
	[tilespmem:$0x1D000] =	vst v63  }
0x2fa: {  	_ =	swait.ge [sflag:s22], $0x4000  }
0x2fb: {  	[sflag:s22] =	ssyncset.done $0x0  }
0x2fc: {  	[sflag:s22] =	ssyncadd.s32 $0xFFFFC000  }
0x2fd: {  	[spmem:s2] =	stream.indirect.scatter.add.f32 [tilespmem:s19], [sflag:$0x3], $0x80, s23, s17, $0xb8;
	[tilespmem:$0x1D000] =	vst v63  }
0x2fe: {  	_ =	swait.ge [sflag:s15], $0x4000  }
0x2ff: {  	[sflag:s15] =	ssyncset.done $0x0  }
0x300: {  	[sflag:s15] =	ssyncadd.s32 $0xFFFFC000  }
0x301: {  	[tilespmem:s19], [sflag:$0x2] =	stream.indirect.gather [hbm4b:s5+s17], $0x80, s24, s17, $0xb8;
	[tilespmem:$0x1D000] =	vst v63  }
0x302: {  	_ =	swait.ge [sflag:s20], $0x4000  }
0x303: {  	[sflag:s20] =	ssyncset.done $0x0  }
0x304: {  	[sflag:s20] =	ssyncadd.s32 $0xFFFFC000  }
0x305: {  	[spmem:s2] =	stream.indirect.scatter.add.f32 [tilespmem:s18], [sflag:$0x3], $0x80, s25, s17, $0xb8;
	[tilespmem:$0x1D000] =	vst v63  }
0x306: {  	_ =	swait.ge [sflag:s15], $0x4000  }
0x307: {  	[sflag:s15] =	ssyncset.done $0x0  }
0x308: {  	[sflag:s15] =	ssyncadd.s32 $0xFFFFC000  }
0x309: {  	[tilespmem:s18], [sflag:$0x1] =	stream.indirect.gather [hbm4b:s5+s17], $0x80, s26, s17, $0xb8;
	[tilespmem:$0x1D000] =	vst v63  }
0x30a: {  	_ =	swait.ge [sflag:s22], $0x4000  }
0x30b: {  	[sflag:s22] =	ssyncset.done $0x0  }
0x30c: {  	[sflag:s22] =	ssyncadd.s32 $0xFFFFC000  }
0x30d: {  	[spmem:s2] =	stream.indirect.scatter.add.f32 [tilespmem:s19], [sflag:$0x3], $0x80, s28, s17, $0xb8;
	[tilespmem:$0x1D000] =	vst v63  }
0x30e: {  	_ =	swait.ge [sflag:s15], $0x4000  }
0x30f: {  	[sflag:s15] =	ssyncset.done $0x0  }
0x310: {  	[sflag:s15] =	ssyncadd.s32 $0xFFFFC000  }
0x311: {  	[tilespmem:s19], [sflag:$0x2] =	stream.indirect.gather [hbm4b:s5+s17], $0x80, s29, s17, $0xb8;
	[tilespmem:$0x1D000] =	vst v63  }
0x312: {  	_ =	swait.ge [sflag:s20], $0x4000  }
0x313: {  	[sflag:s20] =	ssyncset.done $0x0  }
0x314: {  	[sflag:s20] =	ssyncadd.s32 $0xFFFFC000  }
0x315: {  	[spmem:s2] =	stream.indirect.scatter.add.f32 [tilespmem:s18], [sflag:$0x3], $0x80, s30, s17, $0xb8;
	[tilespmem:$0x1D000] =	vst v63  }
0x316: {  	_ =	swait.ge [sflag:s15], $0x4000  }
0x317: {  	[sflag:s15] =	ssyncset.done $0x0  }
0x318: {  	[sflag:s15] =	ssyncadd.s32 $0xFFFFC000  }
0x319: {  	[tilespmem:s18], [sflag:$0x1] =	stream.indirect.gather [hbm4b:s5+s17], $0x80, s31, s17, $0xb8;
	[tilespmem:$0x1D000] =	vst v63  }
0x31a: {  	_ =	swait.ge [sflag:s22], $0x4000  }
0x31b: {  	[sflag:s22] =	ssyncset.done $0x0  }
0x31c: {  	[sflag:s22] =	ssyncadd.s32 $0xFFFFC000  }
0x31d: {  	[spmem:s2] =	stream.indirect.scatter.add.f32 [tilespmem:s19], [sflag:$0x3], $0x80, s0, s17, $0xb8;
	[tilespmem:$0x1D000] =	vst v63  }
0x31e: {  	_ =	swait.ge [sflag:s15], $0x4000  }
0x31f: {  	[sflag:s15] =	ssyncset.done $0x0  }
0x320: {  	[sflag:s15] =	ssyncadd.s32 $0xFFFFC000  }
0x321: {  	[tilespmem:s19], [sflag:$0x2] =	stream.indirect.gather [hbm4b:s5+s17], $0x80, s1, s17, $0xb8;
	[tilespmem:$0x1D000] =	vst v63  }
0x322: {  	_ =	swait.ge [sflag:s20], $0x4000  }
0x323: {  	[sflag:s20] =	ssyncset.done $0x0  }
0x324: {  	s6 =	simm.s32 $0xC00;
	[sflag:s20] =	ssyncadd.s32 $0xFFFFC000  }
0x325: {  	[spmem:s2] =	stream.indirect.scatter.add.f32 [tilespmem:s18], [sflag:$0x3], $0x80, s6, s17, $0xb8;
	[tilespmem:$0x1D000] =	vst v63  }
0x326: {  	_ =	swait.ge [sflag:s15], $0x4000  }
0x327: {  	[sflag:s15] =	ssyncset.done $0x0  }
0x328: {  	s6 =	simm.s32 $0x500;
	[sflag:s15] =	ssyncadd.s32 $0xFFFFC000  }
0x329: {  	[tilespmem:s18], [sflag:$0x1] =	stream.indirect.gather [hbm4b:s5+s17], $0x80, s6, s17, $0xb8;
	[tilespmem:$0x1D000] =	vst v63  }
0x32a: {  	_ =	swait.ge [sflag:s22], $0x4000  }
0x32b: {  	[sflag:s22] =	ssyncset.done $0x0  }
0x32c: {  	s6 =	simm.s32 $0xC80;
	[sflag:s22] =	ssyncadd.s32 $0xFFFFC000  }
0x32d: {  	[spmem:s2] =	stream.indirect.scatter.add.f32 [tilespmem:s19], [sflag:$0x3], $0x80, s6, s17, $0xb8;
	[tilespmem:$0x1D000] =	vst v63  }
0x32e: {  	_ =	swait.ge [sflag:s15], $0x4000  }
0x32f: {  	[sflag:s15] =	ssyncset.done $0x0  }
0x330: {  	s6 =	simm.s32 $0x580;
	[sflag:s15] =	ssyncadd.s32 $0xFFFFC000  }
0x331: {  	[tilespmem:s19], [sflag:$0x2] =	stream.indirect.gather [hbm4b:s5+s17], $0x80, s6, s17, $0xb8;
	[tilespmem:$0x1D000] =	vst v63  }
0x332: {  	_ =	swait.ge [sflag:s20], $0x4000  }
0x333: {  	[sflag:s20] =	ssyncset.done $0x0  }
0x334: {  	s6 =	simm.s32 $0xD00;
	[sflag:s20] =	ssyncadd.s32 $0xFFFFC000  }
0x335: {  	[spmem:s2] =	stream.indirect.scatter.add.f32 [tilespmem:s18], [sflag:$0x3], $0x80, s6, s17, $0xb8;
	[tilespmem:$0x1D000] =	vst v63  }
0x336: {  	_ =	swait.ge [sflag:s15], $0x4000  }
0x337: {  	[sflag:s15] =	ssyncset.done $0x0  }
0x338: {  	s6 =	simm.s32 $0x600;
	[sflag:s15] =	ssyncadd.s32 $0xFFFFC000  }
0x339: {  	[tilespmem:s18], [sflag:$0x1] =	stream.indirect.gather [hbm4b:s5+s17], $0x80, s6, s17, $0xb8;
	[tilespmem:$0x1D000] =	vst v63  }
0x33a: {  	_ =	swait.ge [sflag:s22], $0x4000  }
0x33b: {  	[sflag:s22] =	ssyncset.done $0x0  }
0x33c: {  	s6 =	simm.s32 $0xD80;
	[sflag:s22] =	ssyncadd.s32 $0xFFFFC000  }
0x33d: {  	[spmem:s2] =	stream.indirect.scatter.add.f32 [tilespmem:s19], [sflag:$0x3], $0x80, s6, s17, $0xb8;
	[tilespmem:$0x1D000] =	vst v63  }
0x33e: {  	_ =	swait.ge [sflag:s15], $0x4000  }
0x33f: {  	[sflag:s15] =	ssyncset.done $0x0  }
0x340: {  	s6 =	simm.s32 $0x680;
	[sflag:s15] =	ssyncadd.s32 $0xFFFFC000  }
0x341: {  	[tilespmem:s19], [sflag:$0x2] =	stream.indirect.gather [hbm4b:s5+s17], $0x80, s6, s17, $0xb8;
	[tilespmem:$0x1D000] =	vst v63  }
0x342: {  	_ =	swait.ge [sflag:s20], $0x4000  }
0x343: {  	[sflag:s20] =	ssyncset.done $0x0  }
0x344: {  	s6 =	simm.s32 $0xE00;
	[sflag:s20] =	ssyncadd.s32 $0xFFFFC000  }
0x345: {  	[spmem:s2] =	stream.indirect.scatter.add.f32 [tilespmem:s18], [sflag:$0x3], $0x80, s6, s17, $0xb8;
	[tilespmem:$0x1D000] =	vst v63  }
0x346: {  	_ =	swait.ge [sflag:s15], $0x4000  }
0x347: {  	[sflag:s15] =	ssyncset.done $0x0  }
0x348: {  	s6 =	simm.s32 $0x700;
	[sflag:s15] =	ssyncadd.s32 $0xFFFFC000  }
0x349: {  	[tilespmem:s18], [sflag:$0x1] =	stream.indirect.gather [hbm4b:s5+s17], $0x80, s6, s17, $0xb8;
	[tilespmem:$0x1D000] =	vst v63  }
0x34a: {  	_ =	swait.ge [sflag:s22], $0x4000  }
0x34b: {  	[sflag:s22] =	ssyncset.done $0x0  }
0x34c: {  	s6 =	simm.s32 $0xE80;
	[sflag:s22] =	ssyncadd.s32 $0xFFFFC000  }
0x34d: {  	[spmem:s2] =	stream.indirect.scatter.add.f32 [tilespmem:s19], [sflag:$0x3], $0x80, s6, s17, $0xb8;
	[tilespmem:$0x1D000] =	vst v63  }
0x34e: {  	_ =	swait.ge [sflag:s15], $0x4000  }
0x34f: {  	[sflag:s15] =	ssyncset.done $0x0  }
0x350: {  	s6 =	simm.s32 $0x780;
	[sflag:s15] =	ssyncadd.s32 $0xFFFFC000  }
0x351: {  	[tilespmem:s19], [sflag:$0x2] =	stream.indirect.gather [hbm4b:s5+s17], $0x80, s6, s17, $0xb8;
	[tilespmem:$0x1D000] =	vst v63  }
0x352: {  	_ =	swait.ge [sflag:s20], $0x4000  }
0x353: {  	[sflag:s20] =	ssyncset.done $0x0  }
0x354: {  	s6 =	simm.s32 $0xF00;
	[sflag:s20] =	ssyncadd.s32 $0xFFFFC000  }
0x355: {  	[spmem:s2] =	stream.indirect.scatter.add.f32 [tilespmem:s18], [sflag:$0x3], $0x80, s6, s17, $0xb8;
	[tilespmem:$0x1D000] =	vst v63  }
0x356: {  	_ =	swait.ge [sflag:s15], $0x4000  }
0x357: {  	[sflag:s15] =	ssyncset.done $0x0  }
0x358: {  	[sflag:s15] =	ssyncadd.s32 $0xFFFFC000  }
0x359: {  	_ =	swait.ge [sflag:s22], $0x4000  }
.Ltmp5:
0x35a: {  	[sflag:s22] =	ssyncset.done $0x0;
	(pc) =	sbr.rel @p1 .LBB2_6-.Ltmp5, $4  }
0x35b: {  	s6 =	simm.s32 $0xF80;
	[sflag:s22] =	ssyncadd.s32 $0xFFFFC000  }
0x35c: {  	[spmem:s2] =	stream.indirect.scatter.add.f32 [tilespmem:s19], [sflag:$0x3], $0x80, s6, s17, $0xb8;
	[tilespmem:$0x1D000] =	vst v63  }
0x35d: {  	_ =	swait.ge [sflag:s15], $0x4000  }
0x35e: {  	s6 =	smov.u32 s8;
	[sflag:s15] =	ssyncset.done $0x0  }
.Ltmp6:
0x35f: {  	_ = 	snop;
	(pc) =	sbr.rel .LBB2_7-.Ltmp6, $1  }
0x360: {  	_ =	sdelay $0x3  }
.LBB2_9:
0x361: {  	_ =	sfence.sel $0x180000  }
0x362: {  	[bflag:$0x0] =	sbarrier.arrive $0xFFFF  }
0x363: {  	_ =	strace $0x9000004D  }
0x364: {  	s0 =	stileid.u32;
	[bflag:$0x2] =	sbarrier.arrive $0xFFFF  }
0x365: {  	p0 =	sne.s32 s0, $0x0;
	s0 =	rddreg [dreg:$0x2]  }
0x366: {  	s0 =	sadd.s32 @!p0 $0x100000, s0  }
0x367: {  	[sflag:s0] =	ssyncadd.tile.s32 @!p0 $0x1;
	_ =	shalt  }
.Lfunc_end2:
_tile_overlayer_lowered:
.L_overlay_start_2:
0x368: {  	(tag) =	ssettag $0x2  }
0x369: {  	s0 =	rddreg [dreg:$0x0];
	s2 =	stileid.u32  }
0x36a: {  	s1 =	rddreg [dreg:$0x1];
	p0 =	sne.s32 s2, $0x0  }
0x36b: {  	s3 =	rddreg [dreg:$0x2];
	[bflag:$0x3] =	sbarrier.arrive $0xFFFF;
	s2 =	simm.s32 @!p0 $0x1C03  }
0x36c: {  	[timem:s3], [sflag:s2] =	dma.local @!p0 [hbm:s0], s1  }
0x36d: {  	s0 =	simm.s32 @!p0 $0x3  }
0x36e: {  	_ =	swait.ge @!p0 [sflag:s0], s1  }
0x36f: {  	s1 =	ssub.s32 @!p0 $0x0, s1;
	[sflag:s0] =	ssyncset.done @!p0 $0x0  }
0x370: {  	[sflag:s0] =	ssyncadd.s32 @!p0 s1  }
0x371: {  	[bflag:$0x3] =	sbarrier.arrive $0xFFFF  }
0x372: {  	_ =	shalt  }

// kernel: kernel.8.cloned.1.call-start
scs
__scs_entry_jumppad:
0x0: {  	(pc) =	sbr.rel $0x88, $3  }
0x1: {  	(tag) =	ssettag $0x0;
	lr =	simm.s32 $0x1  }
0x2: {  	[smem:$0x3F98] =	sst lr;
	_ =	strace $0xD0000000  }
0x3: {  	_ = 	snop  }
0x4: {  	_ = 	snop  }
0x5: {  	_ = 	snop  }
0x6: {  	_ = 	snop  }
0x7: {  	_ = 	snop  }
__scs_overlays_trampoline_lowered:
0x8: {  	[smem:$0x3FA7] =	sst s0  }
0x9: {  	[smem:$0x3FA8] =	sst s1  }
0xa: {  	[smem:$0x3FA9] =	sst s2  }
0xb: {  	[smem:$0x3FAA] =	sst s3  }
0xc: {  	[smem:$0x3FAB] =	sst s4  }
0xd: {  	[smem:$0x3FAC] =	sst s5  }
0xe: {  	[smem:$0x3FAD] =	sst s6  }
0xf: {  	[smem:$0x3FAE] =	sst s7  }
0x10: {  	[smem:$0x3FAF] =	sst s8  }
0x11: {  	[smem:$0x3FB0] =	sst s9;
	s0 =	simm.s32 @!p0 $0x0  }
0x12: {  	s1 =	sld [smem:$0x3F96];
	s0 =	simm.s32 @p0 $0x1  }
0x13: {  	[smem:$0x3FB1] =	sst s0;
	s0 =	simm.s32 @!p1 $0x0  }
0x14: {  	s2 =	sld [smem:$0x3F95];
	s0 =	simm.s32 @p1 $0x1  }
0x15: {  	[smem:$0x3FB2] =	sst s0;
	s0 =	simm.s32 @!p2 $0x0  }
0x16: {  	s3 =	sld [smem:$0x3FDB];
	s0 =	simm.s32 @p2 $0x1  }
0x17: {  	s4 =	simm.s32 $0x1BF5;
	[smem:$0x3FB4] =	sst s0  }
0x18: {  	s0 =	sld [smem:$0x3F97];
	_ =	swait.ge [sflag:s4], $0x0  }
0x19: {  	s7 =	sld [smem:$0x3F98]  }
0x1a: {  	s8 =	sadd.s32 $0xFFFFE003, lr  }
0x1b: {  	s9 =	sadd.s32 $0xFFFFFEF7, lr;
	s5 =	simm.s32 $0xFFFFFFFF;
	p2 =	slt.u32 s8, $0xFFFFF086  }
0x1c: {  	p1 =	slt.u32 s9, $0xF7A;
	s5 =	simm.s32 @!p2 $0x0  }
0x1d: {  	s5 =	simm.s32 @p1 $0x1;
	p0 =	seq.s32 s7, s2  }
0x1e: {  	s7 =	smul.u32 @!p0 $0xF7A, s2;
	p2 =	seq.s32 @!p0 s5, $0x0  }
0x1f: {  	s9 =	smul.u32 $0xF7A, s1;
	s8 =	simm.s32 @!p0 $0x1BF5;
	p2 =	por !p2, p0  }
0x20: {  	[sflag:s8] =	ssyncset.s32 @!p0 $0xFFFFF086;
	s6 =	sadd.s32 @!p0 s3, s7;
	s7 =	simm.s32 @!p0 $0x108  }
0x21: {  	s3 =	sadd.s32 s3, s9;
	s6 =	sadd.s32 @!p0 $0x88, s6;
	s7 =	simm.s32 @p2 $0x1082  }
0x22: {  	[simem:s7], [sflag:s8] =	dma.local @!p0 [hbm:s6], $0xF7A  }
0x23: {  	s9 =	sor.u32 $0xD0000000, s2;
	s6 =	simm.s32 $0x108;
	_ =	swait.ge @!p0 [sflag:s8], $0x0  }
0x24: {  	s3 =	sadd.s32 $0x88, s3;
	s6 =	simm.s32 @!p1 $0x1082;
	[sflag:s4] =	ssyncset.s32 $0xFFFFF086  }
0x25: {  	[simem:s6], [sflag:s4] =	dma.local [hbm:s3], $0xF7A  }
0x26: {  	[smem:$0x3F98] =	sst s1;
	(tag) =	ssettag s2;
	_ =	strace s9  }
0x27: {  	s1 =	sld [smem:$0x3FA8]  }
0x28: {  	s2 =	sld [smem:$0x3FA9]  }
0x29: {  	s4 =	sld [smem:$0x3FAB]  }
0x2a: {  	p0 =	seq.s32 s5, $0x0;
	s5 =	sld [smem:$0x3FAC]  }
0x2b: {  	s6 =	sld [smem:$0x3FAD]  }
0x2c: {  	s7 =	sld [smem:$0x3FAE]  }
0x2d: {  	s3 =	simm.s32 $0x108;
	s8 =	sld [smem:$0x3FAF]  }
0x2e: {  	s3 =	simm.s32 @!p0 $0x1082;
	s9 =	sld [smem:$0x3FB0]  }
0x2f: {  	lr =	sadd.s32 s0, s3;
	s0 =	sld [smem:$0x3FA7]  }
0x30: {  	s3 =	sld [smem:$0x3FAA]  }
0x31: {  	[smem:$0x3FB3] =	sst s10  }
0x32: {  	s10 =	sld [smem:$0x3FB1];
	_ =	sdelay $0x3  }
0x33: {  	p0 =	seq.s32 s10, $0x1;
	s10 =	sld [smem:$0x3FB3];
	_ =	sdelay $0x3  }
0x34: {  	[smem:$0x3FB3] =	sst s10  }
0x35: {  	s10 =	sld [smem:$0x3FB2];
	_ =	sdelay $0x3  }
0x36: {  	p1 =	seq.s32 s10, $0x1;
	s10 =	sld [smem:$0x3FB3];
	_ =	sdelay $0x3  }
0x37: {  	[smem:$0x3FB3] =	sst s10  }
0x38: {  	s10 =	sld [smem:$0x3FB4]  }
0x39: {  	_ = 	snop;
	(pc) =	sbr.ind lr, $3  }
0x3a: {  	_ = 	snop  }
0x3b: {  	_ = 	snop  }
0x3c: {  	p2 =	seq.s32 s10, $0x1;
	s10 =	sld [smem:$0x3FB3]  }
0x3d: {  	_ =	shalt  }
0x3e: {  	_ =	shalt  }
0x3f: {  	_ =	shalt  }
0x40: {  	_ =	shalt  }
0x41: {  	_ =	shalt  }
0x42: {  	_ =	shalt  }
0x43: {  	_ =	shalt  }
0x44: {  	_ =	shalt  }
0x45: {  	_ =	shalt  }
0x46: {  	_ =	shalt  }
0x47: {  	_ =	shalt  }
0x48: {  	_ =	shalt  }
0x49: {  	_ =	shalt  }
0x4a: {  	_ =	shalt  }
0x4b: {  	_ =	shalt  }
0x4c: {  	_ =	shalt  }
0x4d: {  	_ =	shalt  }
0x4e: {  	_ =	shalt  }
0x4f: {  	_ =	shalt  }
0x50: {  	_ =	shalt  }
0x51: {  	_ =	shalt  }
0x52: {  	_ =	shalt  }
0x53: {  	_ =	shalt  }
0x54: {  	_ =	shalt  }
0x55: {  	_ =	shalt  }
0x56: {  	_ =	shalt  }
0x57: {  	_ =	shalt  }
0x58: {  	_ =	shalt  }
0x59: {  	_ =	shalt  }
0x5a: {  	_ =	shalt  }
0x5b: {  	_ =	shalt  }
0x5c: {  	_ =	shalt  }
0x5d: {  	_ =	shalt  }
0x5e: {  	_ =	shalt  }
0x5f: {  	_ =	shalt  }
0x60: {  	_ =	shalt  }
0x61: {  	_ =	shalt  }
0x62: {  	_ =	shalt  }
0x63: {  	_ =	shalt  }
0x64: {  	_ =	shalt  }
0x65: {  	_ =	shalt  }
0x66: {  	_ =	shalt  }
0x67: {  	_ =	shalt  }
0x68: {  	_ =	shalt  }
0x69: {  	_ =	shalt  }
0x6a: {  	_ =	shalt  }
0x6b: {  	_ =	shalt  }
0x6c: {  	_ =	shalt  }
0x6d: {  	_ =	shalt  }
0x6e: {  	_ =	shalt  }
0x6f: {  	_ =	shalt  }
0x70: {  	_ =	shalt  }
0x71: {  	_ =	shalt  }
0x72: {  	_ =	shalt  }
0x73: {  	_ =	shalt  }
0x74: {  	_ =	shalt  }
0x75: {  	_ =	shalt  }
0x76: {  	_ =	shalt  }
0x77: {  	_ =	shalt  }
0x78: {  	_ =	shalt  }
0x79: {  	_ =	shalt  }
0x7a: {  	_ =	shalt  }
0x7b: {  	_ =	shalt  }
0x7c: {  	_ =	shalt  }
0x7d: {  	_ =	shalt  }
0x7e: {  	_ =	shalt  }
0x7f: {  	_ =	shalt  }
0x80: {  	_ =	shalt  }
0x81: {  	_ =	shalt  }
0x82: {  	_ =	shalt  }
0x83: {  	_ =	shalt  }
0x84: {  	_ =	shalt  }
0x85: {  	_ =	shalt  }
0x86: {  	_ =	shalt  }
0x87: {  	_ =	shalt  }
.Lfunc_end0:
.L_simem_size_0:
called_computation_lowered:
.L_overlay_start_0:
0x88: {  	s2 =	sld [smem:$0x3FD9]  }
0x89: {  	s3 =	sld [smem:$0x3FFE];
	_ =	sdelay $0x1  }
0x8a: {  	s1 =	srdreg.scid  }
0x8b: {  	s0 =	sand.u32 $0x1, s1  }
0x8c: {  	s17 =	sshll.u32 s0, $0xA;
	s2 =	sadd.s32 s3, s2  }
0x8d: {  	s2 =	sadd.s32 s2, s17  }
0x8e: {  	[smem:$0x3FBF] =	sst s2  }
0x8f: {  	_ = 	snop  }
0x90: {  	s2 =	sld [smem:$0x3FD0];
	(tm) =	ssettm $0x1  }
0x91: {  	s18 =	sld [smem:$0x3FFB];
	_ =	sdelay $0x3  }
0x92: {  	_ =	strace s18  }
0x93: {  	s3 =	sld [smem:$0x3FFC];
	_ =	sdelay $0x3  }
0x94: {  	_ =	strace s3  }
0x95: {  	s3 =	sld [smem:$0x3FFD];
	_ =	sdelay $0x3  }
0x96: {  	_ =	strace s3  }
0x97: {  	_ =	strace $0x8FFFFFFF  }
0x98: {  	s19 =	sld [smem:$0x3FDB];
	_ =	sdelay $0x1  }
0x99: {  	s4 =	simm.s32 $_scs_section_size  }
0x9a: {  	s5 =	simm.s32 $_size__tile_overlayer_lowered;
	s6 =	simm.s32 $_tile_overlayer_lowered  }
0x9b: {  	s22 =	simm.s32 $0x1BFF;
	s21 =	sshll.u32 s6, $0x1;
	s3 =	sadd.s32 s4, s19  }
0x9c: {  	s7 =	simm.s32 $0x0;
	s20 =	sshll.u32 s5, $0x1;
	s5 =	sadd.s32 s21, s3  }
0x9d: {  	[timem:s7], [sflag:s22] =	dma.local [hbm:s5], s20  }
0x9e: {  	_ =	swait.ge [sflag:s22], s20  }
0x9f: {  	s4 =	ssub.s32 $0x0, s20;
	[sflag:s22] =	ssyncset.done $0x0  }
0xa0: {  	[sflag:s22] =	ssyncadd.s32 s4;
	_ =	sdelay $0x1  }
0xa1: {  	s23 =	simm.s32 $0x1B8B  }
0xa2: {  	_ =	swait.ge [sflag:s23], $0x1  }
0xa3: {  	[sflag:s23] =	ssyncset.done $0x0  }
0xa4: {  	s25 =	simm.s32 $0x1B8E;
	s24 =	sld [smem:$0x3FFE];
	[sflag:s23] =	ssyncadd.s32 $0xFFFFFFFF  }
0xa5: {  	s26 =	simm.s32 $execute0_lowered;
	[smem:$0x3FD2] =	sst s25  }
0xa6: {  	s5 =	sshll.u32 s26, $0x1;
	_ =	strace $0x80000046;
	[dreg:$0x1] =	wrdreg $0xFFFFFFFF  }
0xa7: {  	s28 =	simm.s32 $_size_execute0_lowered;
	s3 =	sadd.s32 s3, s5;
	[dreg:$0x0] =	wrdreg $0x0  }
0xa8: {  	s5 =	sshll.u32 s28, $0x1;
	[dreg:$0x2] =	wrdreg s3  }
0xa9: {  	[dreg:$0x3] =	wrdreg s5  }
0xaa: {  	[dreg:$0x4] =	wrdreg $0xC0  }
0xab: {  	_ =	task [dreg:s7], $0x5FFFF  }
0xac: {  	[dreg:$0x1] =	wrdreg $0xFFFFFFFF  }
0xad: {  	[dreg:$0x0] =	wrdreg $0x60  }
0xae: {  	[dreg:$0x2] =	wrdreg s24  }
0xaf: {  	[dreg:$0x3] =	wrdreg s2  }
0xb0: {  	[dreg:$0x4] =	wrdreg $0x52000  }
0xb1: {  	[dreg:$0x5] =	wrdreg $0x9  }
0xb2: {  	_ =	task.clear_ibuf [dreg:s7], $0x6FFFF;
	_ =	strace $0x90000046  }
0xb3: {  	s29 =	simm.s32 $0x9;
	_ =	strace $0x80000048  }
0xb4: {  	_ =	swait.ge [sflag:s29], $0x1  }
0xb5: {  	[sflag:s29] =	ssyncadd.s32 $0xFFFFFFFF  }
0xb6: {  	_ =	strace $0x90000048  }
0xb7: {  	_ =	sfence  }
0xb8: {  	s30 =	sld [smem:$0x0];
	_ =	sdelay $0x2  }
0xb9: {  	s31 =	sshll.u32 s1, $0xD;
	s1 =	sshrl.u32 s1, $0x2  }
0xba: {  	s3 =	sand.u32 $0x4000, s31;
	s1 =	sadd.s32 s1, s30  }
0xbb: {  	s0 =	sor.u32 s3, s0;
	s1 =	sshll.u32 s1, $0x11  }
0xbc: {  	s0 =	sor.u32 s1, s0  }
0xbd: {  	s0 =	sadd.s32 $0x8F2B, s0  }
0xbe: {  	[sflag:s0] =	ssyncadd.remote.s32 $0x1  }
0xbf: {  	_ =	sfence.sel $0xFFFF  }
0xc0: {  	[dreg:$0x0] =	wrdreg $0xFFFFFFFF;
	(pc) =	sbr.abs _section_cstart, $3  }
0xc1: {  	[dreg:$0x1] =	wrdreg $0xFFFFFFFF  }
0xc2: {  	_ =	task.clear_ibuf [dreg:s7], $0x2FFFF;
	_ =	strace $0x9FFFFFFF  }
0xc3: {  	(tm) =	ssettm $0x7FFFFFFF  }
tec
execute0_lowered:
.L_overlay_start_1:
0x0: {  	(tag) =	ssettag $0x1  }
0x1: {  	s0 =	rddreg [dreg:$0x0]  }
0x2: {  	s3 =	rddreg [dreg:$0x1]  }
0x3: {  	s1 =	rddreg [dreg:$0x2]  }
0x4: {  	s2 =	simm.s32 $0x0;
	s4 =	srdreg.scid;
	s17 =	stileid.u32  }
0x5: {  	s21 =	simm.s32 $0x2;
	s22 =	simm.s32 $0x3000;
	s24 =	simm.s32 $0x3080  }
0x6: {  	s25 =	simm.s32 $0x40;
	s26 =	simm.s32 $0x3200;
	s28 =	simm.s32 $0x1  }
0x7: {  	[smem:$0x7FF] =	sst s2;
	s20 =	sand.u32 $0x1, s4;
	s5 =	sshll.u32 s17, $0x1  }
0x8: {  	s4 =	sadd.s32 $0x1A00, s0;
	s6 =	sadd.s32 $0x15A00, s0;
	s7 =	sadd.s32 $0x3DA00, s0  }
0x9: {  	s8 =	sadd.s32 $0x3DC00, s0;
	s9 =	sadd.s32 $0x40400, s0;
	s10 =	sadd.s32 $0x68A00, s0  }
0xa: {  	p1 =	seq.s32 s17, $0x0;
	_ =	strace $0x80000047;
	s11 =	sor.u32 s20, s5  }
0xb: {  	s5 =	sadd.s32 $0xBA00, s0;
	s30 =	ssub.s32 $0x2, s20;
	p0 =	seq.s32 s20, $0x1  }
0xc: {  	s23 =	sor.u32 s20, s17;
	p3 =	sne.s32 s20, $0x0;
	s12 =	smul.u32 $0x1400, s11  }
0xd: {  	s20 =	simm.s32 $0x800;
	s13 =	sshrl.u32 s30, $0x1;
	s31 =	smul.u32 $0x28, s11  }
0xe: {  	p1 =	por !p1, !p0;
	s11 =	smul.u32 $0x5000, s17;
	p4 =	sne.s32 s23, $0x0  }
.Ltmp0:
0xf: {  	s13 =	ssub.s32 s30, s13;
	p2 =	por !p1, !p1;
	(pc) =	sbr.rel .LBB2_1-.Ltmp0, $4  }
0x10: {  	p1 =	sne.s32 s17, $0x0;
	s0 =	sadd.s32 s12, s0;
	s12 =	sadd.s32 s3, s31  }
0x11: {  	s13 =	smax.u32 s13, $0x1;
	s19 =	sshrl.u32 @!p1 s1, $0x3;
	s3 =	simm.s32 $0x0  }
0x12: {  	s14 =	sadd.s32 $0x40A00, s0;
	s15 =	sadd.s32 $0x40E00, s0;
	s16 =	sadd.s32 $0x41200, s0  }
0x13: {  	v0 =	vimm.f32 $1.000000000e+00;
	s17 =	sadd.s32 $0x41600, s0;
	s18 =	sadd.s32 $0x41A00, s0;
	s0 =	simm.s32 $0x3180  }
.LBB2_9:
0x14: {  	s23 =	simm.s32 $0x50  }
0x15: {  	[spmem:s1] =	stream.indirect.scatter.add.f32 [tilespmem:s20], [sflag:$0x2], $0x80, s22, s23, $0xb8;
	[tilespmem:$0x5480] =	vst v63  }
0x16: {  	_ =	swait.ge [sflag:s21], $0x2800  }
0x17: {  	s23 =	stileid.u32;
	[sflag:s21] =	ssyncset.done $0x0  }
0x18: {  	s23 =	sshll.u32 @!p4 s23, $0x6;
	[sflag:s21] =	ssyncadd.s32 $0xFFFFD800  }
0x19: {  	s29 =	sshrl.u32 @!p4 s1, $0x3;
	s23 =	sor.u32 @!p4 $0x1C02, s23;
	[bflag:$0x0] =	sbarrier.arrive $0xFFFF  }
0x1a: {  	[hbm:s9], [sflag:s23] =	dma.local @!p4 [spmem:s29], $0x500  }
0x1b: {  	s23 =	simm.s32 @!p4 $0x2  }
0x1c: {  	_ =	swait.ge @!p4 [sflag:s23], $0x500  }
0x1d: {  	[sflag:s23] =	ssyncset.done @!p4 $0x0  }
0x1e: {  	s29 =	simm.s32 @p2 $0x1C02;
	[sflag:s23] =	ssyncadd.s32 @!p4 $0xFFFFFB00;
	s23 =	sshrl.u32 @p2 s1, $0x3  }
0x1f: {  	[hbm:s10], [sflag:s29] =	dma.local @p2 [spmem:s23], $0x500  }
0x20: {  	s23 =	simm.s32 @p2 $0x2  }
0x21: {  	_ =	swait.ge @p2 [sflag:s23], $0x500  }
0x22: {  	[sflag:s23] =	ssyncset.done @p2 $0x0  }
0x23: {  	[sflag:s23] =	ssyncadd.s32 @p2 $0xFFFFFB00  }
0x24: {  	[tilespmem:s24], [sflag:$0x2] =	stream.linear.gather [hbm4b:s12+s2], $0x140, $0x38;
	[tilespmem:$0x5480] =	vst v63  }
0x25: {  	_ =	swait.ge [sflag:s21], $0x140  }
0x26: {  	[sflag:s21] =	ssyncset.done $0x0  }
0x27: {  	[sflag:s21] =	ssyncadd.s32 $0xFFFFFEC0  }
0x28: {  	[tilespmem:s26], [sflag:$0x1] =	stream.indirect.gather [hbm4b:s6+s25], $0x80, s24, s25, $0xb8;
	[tilespmem:$0x5480] =	vst v63  }
0x29: {  	_ =	swait.ge [sflag:s28], $0x2000  }
0x2a: {  	[sflag:s28] =	ssyncset.done $0x0  }
0x2b: {  	[sflag:s28] =	ssyncadd.s32 $0xFFFFE000  }
0x2c: {  	[hbm4b:s14+s2] =	stream.linear.scatter [tilespmem:s26], [sflag:$0x2], $0x2000, $0x38;
	[tilespmem:$0x5480] =	vst v63  }
0x2d: {  	_ =	swait.ge [sflag:s21], $0x2000  }
0x2e: {  	[sflag:s21] =	ssyncset.done $0x0  }
0x2f: {  	s29 =	simm.s32 $0x30C0;
	[sflag:s21] =	ssyncadd.s32 $0xFFFFE000  }
0x30: {  	[tilespmem:s26], [sflag:$0x1] =	stream.indirect.gather [hbm4b:s6+s25], $0x80, s29, s25, $0xb8;
	[tilespmem:$0x5480] =	vst v63  }
0x31: {  	_ =	swait.ge [sflag:s28], $0x2000  }
0x32: {  	[sflag:s28] =	ssyncset.done $0x0  }
0x33: {  	[sflag:s28] =	ssyncadd.s32 $0xFFFFE000  }
0x34: {  	[hbm4b:s15+s2] =	stream.linear.scatter [tilespmem:s26], [sflag:$0x2], $0x2000, $0x38;
	[tilespmem:$0x5480] =	vst v63  }
0x35: {  	_ =	swait.ge [sflag:s21], $0x2000  }
0x36: {  	[sflag:s21] =	ssyncset.done $0x0  }
0x37: {  	s30 =	simm.s32 $0x3100;
	[sflag:s21] =	ssyncadd.s32 $0xFFFFE000  }
0x38: {  	[tilespmem:s26], [sflag:$0x1] =	stream.indirect.gather [hbm4b:s6+s25], $0x80, s30, s25, $0xb8;
	[tilespmem:$0x5480] =	vst v63  }
0x39: {  	_ =	swait.ge [sflag:s28], $0x2000  }
0x3a: {  	[sflag:s28] =	ssyncset.done $0x0  }
0x3b: {  	[sflag:s28] =	ssyncadd.s32 $0xFFFFE000  }
0x3c: {  	[hbm4b:s16+s2] =	stream.linear.scatter [tilespmem:s26], [sflag:$0x2], $0x2000, $0x38;
	[tilespmem:$0x5480] =	vst v63  }
0x3d: {  	_ =	swait.ge [sflag:s21], $0x2000  }
0x3e: {  	[sflag:s21] =	ssyncset.done $0x0  }
0x3f: {  	s31 =	simm.s32 $0x3140;
	[sflag:s21] =	ssyncadd.s32 $0xFFFFE000  }
0x40: {  	[tilespmem:s26], [sflag:$0x1] =	stream.indirect.gather [hbm4b:s6+s25], $0x80, s31, s25, $0xb8;
	[tilespmem:$0x5480] =	vst v63  }
0x41: {  	_ =	swait.ge [sflag:s28], $0x2000  }
0x42: {  	[sflag:s28] =	ssyncset.done $0x0  }
0x43: {  	[sflag:s28] =	ssyncadd.s32 $0xFFFFE000  }
0x44: {  	[hbm4b:s17+s2] =	stream.linear.scatter [tilespmem:s26], [sflag:$0x2], $0x2000, $0x38;
	[tilespmem:$0x5480] =	vst v63  }
0x45: {  	_ =	swait.ge [sflag:s21], $0x2000  }
0x46: {  	[sflag:s21] =	ssyncset.done $0x0  }
0x47: {  	[sflag:s21] =	ssyncadd.s32 $0xFFFFE000  }
0x48: {  	[tilespmem:s26], [sflag:$0x1] =	stream.indirect.gather [hbm4b:s6+s25], $0x80, s0, s25, $0xb8;
	[tilespmem:$0x5480] =	vst v63  }
0x49: {  	s3 =	sadd.s32 $0x1, s3;
	_ =	swait.ge [sflag:s28], $0x2000  }
0x4a: {  	p5 =	sne.s32 s3, s13;
	[sflag:s28] =	ssyncset.done $0x0  }
.Ltmp1:
0x4b: {  	[sflag:s28] =	ssyncadd.s32 $0xFFFFE000;
	(pc) =	sbr.rel @!p5 .LBB2_10-.Ltmp1, $4  }
0x4c: {  	[hbm4b:s18+s2] =	stream.linear.scatter [tilespmem:s26], [sflag:$0x2], $0x2000, $0x38;
	[tilespmem:$0x5480] =	vst v63  }
0x4d: {  	_ =	swait.ge [sflag:s21], $0x2000  }
0x4e: {  	[sflag:s21] =	ssyncset.done $0x0  }
0x4f: {  	[sflag:s21] =	ssyncadd.s32 $0xFFFFE000  }
.LBB2_1:
0x50: {  	s23 =	simm.s32 @!p1 $0x1C02  }
0x51: {  	[spmem:s19], [sflag:s23] =	dma.local @!p1 [hbm:s8], $0x500  }
0x52: {  	s23 =	simm.s32 @!p1 $0x2  }
0x53: {  	_ =	swait.ge @!p1 [sflag:s23], $0x500  }
0x54: {  	[sflag:s23] =	ssyncset.done @!p1 $0x0  }
0x55: {  	[sflag:s23] =	ssyncadd.s32 @!p1 $0xFFFFFB00  }
0x56: {  	[tilespmem:s20], [sflag:$0x2] =	stream.linear.gather [hbm4b:s8+s2], $0x2800, $0x38;
	[tilespmem:$0x5480] =	vst v63  }
0x57: {  	_ =	swait.ge [sflag:s21], $0x2800  }
0x58: {  	[sflag:s21] =	ssyncset.done $0x0  }
0x59: {  	[sflag:s21] =	ssyncadd.s32 $0xFFFFD800  }
0x5a: {  	[tilespmem:s22], [sflag:$0x2] =	stream.linear.gather [hbm4b:s7+s2], $0x80, $0x38;
	[tilespmem:$0x5480] =	vst v63  }
.Ltmp2:
0x5b: {  	_ =	swait.ge [sflag:s21], $0x80;
	(pc) =	sbr.rel @p3 .LBB2_5-.Ltmp2, $4  }
0x5c: {  	[sflag:s21] =	ssyncset.done $0x0  }
0x5d: {  	[sflag:s21] =	ssyncadd.s32 $0xFFFFFF80  }
0x5e: {  	[bflag:$0x0] =	sbarrier.arrive $0xFFFF  }
0x5f: {  	s23 =	simm.s32 $0x0  }
.LBB2_2:
0x60: {  	s29 =	sshll.u32 s23, $0xB  }
0x61: {  	s29 =	sadd.s32 s11, s29  }
0x62: {  	s29 =	sshrl.u32 s29, $0x3  }
0x63: {  	s30 =	simm.s32 $0x0;
	s29 =	sadd.s32 s4, s29  }
0x64: {  	[tilespmem:s30], [sflag:$0x2] =	stream.linear.gather [hbm4b:s29+s30], $0x800, $0x38;
	[tilespmem:$0x5480] =	vst v63  }
0x65: {  	_ =	swait.ge [sflag:s21], $0x800  }
0x66: {  	[sflag:s21] =	ssyncset.done $0x0  }
0x67: {  	s30 =	simm.s32 $0x0;
	s29 =	simm.s32 $0x40;
	[sflag:s21] =	ssyncadd.s32 $0xFFFFF800  }
.LBB2_3:
0x68: {  	p5 =	sne.s32 s29, $0x1FC0;
	v1 =	vld [tilespmem:s30+$0x0];
	_ =	sdelay $0x3  }
.Ltmp3:
0x69: {  	(pc) =	sbr.rel @p5 .LBB2_3-.Ltmp3, $2  }
0x6a: {  	_ =	sdelay $0x2  }
0x6b: {  	s30 =	sshra.s32 s29, $0x2;
	s29 =	sadd.s32 $0x40, s29;
	[tilespmem:v1+s20+$0x0] =	vst.idx.add.f32.msk $0xffff, v0  }
0x6c: {  	v1 =	vld [tilespmem:s30+$0x0];
	_ =	sdelay $0x1  }
0x6d: {  	s23 =	sadd.s32 $0x1, s23  }
0x6e: {  	p5 =	sne.s32 s23, $0xA  }
.Ltmp4:
0x6f: {  	_ = 	snop;
	(pc) =	sbr.rel @p5 .LBB2_2-.Ltmp4, $2  }
0x70: {  	_ =	sdelay $0x2  }
0x71: {  	[tilespmem:v1+s20+$0x0] =	vst.idx.add.f32.msk $0xffff, v0  }
.LBB2_5:
.Ltmp5:
0x72: {  	(pc) =	sbr.rel @!p0 .LBB2_9-.Ltmp5, $2  }
0x73: {  	_ =	sdelay $0x2  }
0x74: {  	s23 =	simm.s32 $0x0;
	s29 =	simm.s32 $0x0  }
.LBB2_6:
0x75: {  	s30 =	sshll.u32 s29, $0xB  }
0x76: {  	s30 =	sadd.s32 s11, s30  }
0x77: {  	s30 =	sshrl.u32 s30, $0x3  }
0x78: {  	s30 =	sadd.s32 s5, s30  }
0x79: {  	[tilespmem:s23], [sflag:$0x2] =	stream.linear.gather [hbm4b:s30+s23], $0x800, $0x38;
	[tilespmem:$0x5480] =	vst v63  }
0x7a: {  	_ =	swait.ge [sflag:s21], $0x800  }
0x7b: {  	[sflag:s21] =	ssyncset.done $0x0  }
0x7c: {  	s31 =	simm.s32 $0x0;
	s30 =	simm.s32 $0x40;
	[sflag:s21] =	ssyncadd.s32 $0xFFFFF800  }
.LBB2_7:
0x7d: {  	p5 =	sne.s32 s30, $0x1FC0;
	v1 =	vld [tilespmem:s31+$0x0];
	_ =	sdelay $0x3  }
.Ltmp6:
0x7e: {  	(pc) =	sbr.rel @p5 .LBB2_7-.Ltmp6, $2  }
0x7f: {  	_ =	sdelay $0x2  }
0x80: {  	s31 =	sshra.s32 s30, $0x2;
	s30 =	sadd.s32 $0x40, s30;
	[tilespmem:v1+s20+$0x0] =	vst.idx.add.f32.msk $0xffff, v0  }
0x81: {  	v1 =	vld [tilespmem:s31+$0x0];
	_ =	sdelay $0x1  }
0x82: {  	s29 =	sadd.s32 $0x1, s29  }
0x83: {  	p5 =	sne.s32 s29, $0xA  }
.Ltmp7:
0x84: {  	_ = 	snop;
	(pc) =	sbr.rel @p5 .LBB2_6-.Ltmp7, $4  }
.Ltmp8:
0x85: {  	_ = 	snop;
	(pc) =	sbr.rel @!p5 .LBB2_9-.Ltmp8, $4  }
0x86: {  	_ = 	snop  }
0x87: {  	_ = 	snop  }
0x88: {  	[tilespmem:v1+s20+$0x0] =	vst.idx.add.f32.msk $0xffff, v0  }
0x89: {  	_ = 	snop  }
.LBB2_10:
0x8a: {  	_ =	sfence.sel $0x180000  }
0x8b: {  	[bflag:$0x0] =	sbarrier.arrive $0xFFFF  }
0x8c: {  	_ =	strace $0x90000047  }
0x8d: {  	[bflag:$0x2] =	sbarrier.arrive $0xFFFF  }
0x8e: {  	s0 =	rddreg [dreg:$0x3]  }
0x8f: {  	s0 =	sadd.s32 @!p1 $0x100000, s0  }
0x90: {  	[sflag:s0] =	ssyncadd.tile.s32 @!p1 $0x1;
	_ =	shalt  }
.Lfunc_end2:
_tile_overlayer_lowered:
.L_overlay_start_2:
0x91: {  	(tag) =	ssettag $0x2  }
0x92: {  	s0 =	rddreg [dreg:$0x0];
	s2 =	stileid.u32  }
0x93: {  	s1 =	rddreg [dreg:$0x1];
	p0 =	sne.s32 s2, $0x0  }
0x94: {  	s3 =	rddreg [dreg:$0x2];
	[bflag:$0x3] =	sbarrier.arrive $0xFFFF;
	s2 =	simm.s32 @!p0 $0x1C02  }
0x95: {  	[timem:s3], [sflag:s2] =	dma.local @!p0 [hbm:s0], s1  }
0x96: {  	s0 =	simm.s32 @!p0 $0x2  }
0x97: {  	_ =	swait.ge @!p0 [sflag:s0], s1  }
0x98: {  	s1 =	ssub.s32 @!p0 $0x0, s1;
	[sflag:s0] =	ssyncset.done @!p0 $0x0  }
0x99: {  	[sflag:s0] =	ssyncadd.s32 @!p0 s1  }
0x9a: {  	[bflag:$0x3] =	sbarrier.arrive $0xFFFF  }
0x9b: {  	_ =	shalt  }

</sc_bundles>
